<compile_context>
chip_gen: v7x
topology: tpu7x:2x2x1
jax: 0.10.2.dev20260603
libtpu: 0.0.44.dev20260713+nightly
codegen_flags: <defaults>
</compile_context>

<pallas_src>
import functools

import jax
import jax.numpy as jnp
from jax import lax
from jax.experimental import pallas as pl
from jax.experimental.pallas import tpu as pltpu
from jax.experimental.pallas import tpu_sc as plsc

N = 10000
E = 320000
D_IN = 128
D_HID = 128
D_HALF = D_HID // 2
D_CLS = 40
D_CLS_PAD = 48

NC = 2
NS = 16
NW = NC * NS
RPT = N // NS
CH = 125
KSEG = 80
NRING = 8
GAH = 6

_mesh = lambda: plsc.VectorSubcoreMesh(
    core_axis_name="c", subcore_axis_name="s", num_cores=NC, num_subcores=NS)


def _deg_body(dst_hbm, out_hbm, dst_v, deg_v):
    c = lax.axis_index("c")
    s = lax.axis_index("s")
    wid = s * NC + c
    et = E // NW
    pltpu.sync_copy(dst_hbm.at[pl.ds(wid * et, et)], dst_v)

    zeros16 = jnp.zeros((16,), jnp.float32)

    def zero_step(i, _):
        deg_v[pl.ds(i * 16, 16)] = zeros16
        return 0

    lax.fori_loop(0, N // 16, zero_step, 0)

    ones16 = jnp.ones((16,), jnp.float32)

    def acc_step(i, _):
        idx = dst_v[pl.ds(i * 16, 16)]
        plsc.addupdate_scatter(deg_v, [idx], ones16)
        return 0

    lax.fori_loop(0, E // NW // 16, acc_step, 0)
    pltpu.sync_copy(deg_v, out_hbm.at[wid])


def _deg_partials(dst):
    return pl.kernel(
        _deg_body,
        out_type=jax.ShapeDtypeStruct((NW, N), jnp.float32),
        mesh=_mesh(),
        scratch_types=[
            pltpu.VMEM((E // NW,), jnp.int32),
            pltpu.VMEM((N,), jnp.float32),
        ],
        compiler_params=pltpu.CompilerParams(needs_layout_passes=False),
    )(dst)


def _agg_body(d, nseg, l1, xs_hbm, src_hbm, dst_hbm, zrows_hbm, out_hbm,
              src_v, dst_v,
              b0, b1, b2, b3, b4, b5, b6, b7, acc_sh,
              g0, g1, g2, g3, g4, g5, g6, g7,
              t0, t1, t2, t3, t4, t5, t6, t7):
    bufs = (b0, b1, b2, b3, b4, b5, b6, b7)
    g = (g0, g1, g2, g3, g4, g5, g6, g7)
    t = (t0, t1, t2, t3, t4, t5, t6, t7)
    c = lax.axis_index("c")
    s = lax.axis_index("s")
    wid = s * NC + c
    pltpu.sync_copy(zrows_hbm, acc_sh.at[pl.ds(s * RPT, RPT)])
    plsc.subcore_barrier()

    for seg in range(nseg):
        if l1:
            pltpu.sync_copy(src_hbm.at[c, s, seg], src_v)
            pltpu.sync_copy(dst_hbm.at[s, seg], dst_v)
        else:
            pltpu.sync_copy(src_hbm.at[wid, seg], src_v)
            pltpu.sync_copy(dst_hbm.at[wid, seg], dst_v)

        for b in range(GAH):
            pltpu.async_copy(xs_hbm.at[src_v.at[b]], bufs[b], g[b])

        def round_(j, _):
            for b in range(NRING):
                k = NRING * j + b
                pltpu.make_async_copy(
                    xs_hbm.at[src_v.at[k]], bufs[b], g[b]).wait()
                pltpu.async_copy(bufs[b], acc_sh.at[dst_v.at[k]], t[b],
                                 add=True)
                bx = (b + GAH) % NRING
                if b < NRING - GAH:
                    @pl.when(j > 0)
                    def _():
                        pltpu.make_async_copy(
                            bufs[bx], acc_sh.at[dst_v.at[k - (NRING - GAH)]],
                            t[bx]).wait()
                    pltpu.async_copy(
                        xs_hbm.at[src_v.at[k + GAH]], bufs[bx], g[bx])
                else:
                    pltpu.make_async_copy(
                        bufs[bx], acc_sh.at[dst_v.at[k - (NRING - GAH)]],
                        t[bx]).wait()

                    @pl.when(j < KSEG // NRING - 1)
                    def _():
                        pltpu.async_copy(
                            xs_hbm.at[src_v.at[k + GAH]], bufs[bx], g[bx])
            return 0

        lax.fori_loop(0, KSEG // NRING, round_, 0)
        for b in range(GAH, NRING):
            pltpu.make_async_copy(
                bufs[b], acc_sh.at[dst_v.at[KSEG - NRING + b]], t[b]).wait()

    plsc.subcore_barrier()
    pltpu.sync_copy(acc_sh.at[pl.ds(s * RPT, RPT)],
                    out_hbm.at[c, pl.ds(s * RPT, RPT)])


def _edge_aggregate(xs, src_idx, dst_idx, d, nseg, l1):
    zrows = jnp.zeros((RPT, d), jnp.float32)
    return pl.kernel(
        functools.partial(_agg_body, d, nseg, l1),
        out_type=jax.ShapeDtypeStruct((NC, N, d), jnp.float32),
        mesh=_mesh(),
        scratch_types=(
            [pltpu.VMEM((KSEG, CH), jnp.int32),
             pltpu.VMEM((KSEG, CH), jnp.int32)]
            + [pltpu.VMEM((CH, d), jnp.float32) for _ in range(NRING)]
            + [pltpu.VMEM_SHARED((N, d), jnp.float32)]
            + [pltpu.SemaphoreType.DMA for _ in range(2 * NRING)]
        ),
        compiler_params=pltpu.CompilerParams(
            needs_layout_passes=False, use_tc_tiling_on_sc=False),
    )(xs, src_idx, dst_idx, zrows)


_BR = 1000


def _scale_mm_body(degp_ref, x_ref, w_ref, xs_ref, dinv_ref):
    ones_col = jnp.ones((NW, 1), jnp.float32)
    deg = lax.dot_general(degp_ref[...], ones_col, (((0,), (0,)), ((), ())),
                          preferred_element_type=jnp.float32) + 1.0
    dinv = lax.rsqrt(deg)
    xw = jnp.dot(x_ref[...], w_ref[...], preferred_element_type=jnp.float32)
    xs = dinv * xw
    xs_ref[0] = xs[:, :D_HALF]
    xs_ref[1] = xs[:, D_HALF:]
    dinv_ref[...] = dinv


def _scale_mm(degp, x, w1):
    return pl.pallas_call(
        _scale_mm_body,
        out_shape=[
            jax.ShapeDtypeStruct((NC, N, D_HALF), jnp.float32),
            jax.ShapeDtypeStruct((N, 1), jnp.float32),
        ],
    )(degp, x, w1)


def _mid_body(agg_ref, xs_ref, dinv_ref, b1_ref, w2_ref, hs_ref):
    agg = jnp.concatenate([agg_ref[0], agg_ref[1]], axis=1)
    xs = jnp.concatenate([xs_ref[0], xs_ref[1]], axis=1)
    dinv = dinv_ref[...]
    h = jnp.maximum(dinv * (agg + xs) + b1_ref[...], 0.0)
    hw = jnp.dot(h, w2_ref[...], preferred_element_type=jnp.float32)
    hs_ref[...] = dinv * hw


def _mid(agg, xs_fs, dinv, b1, w2p):
    return pl.pallas_call(
        _mid_body,
        grid=(N // _BR,),
        in_specs=[
            pl.BlockSpec((NC, _BR, D_HALF), lambda i: (0, i, 0)),
            pl.BlockSpec((NC, _BR, D_HALF), lambda i: (0, i, 0)),
            pl.BlockSpec((_BR, 1), lambda i: (i, 0)),
            pl.BlockSpec((1, D_HID), lambda i: (0, 0)),
            pl.BlockSpec((D_HID, D_CLS_PAD), lambda i: (0, 0)),
        ],
        out_specs=pl.BlockSpec((_BR, D_CLS_PAD), lambda i: (i, 0)),
        out_shape=jax.ShapeDtypeStruct((N, D_CLS_PAD), jnp.float32),
    )(agg, xs_fs, dinv, b1, w2p)


def _out_body(agg_ref, hs_ref, dinv_ref, b2_ref, o_ref):
    agg = agg_ref[0] + agg_ref[1]
    o = dinv_ref[...] * (agg + hs_ref[...]) + b2_ref[...]
    col = lax.broadcasted_iota(jnp.int32, (_BR, D_CLS_PAD), 1)
    mask = col < D_CLS
    m = jnp.max(jnp.where(mask, o, -jnp.inf), axis=1, keepdims=True)
    e = jnp.where(mask, jnp.exp(o - m), 0.0)
    ssum = jnp.sum(e, axis=1, keepdims=True)
    o_ref[...] = (o - m - jnp.log(ssum))[:, :D_CLS]


def _final(agg, hs, dinv, b2p):
    return pl.pallas_call(
        _out_body,
        grid=(N // _BR,),
        in_specs=[
            pl.BlockSpec((NC, _BR, D_CLS_PAD), lambda i: (0, i, 0)),
            pl.BlockSpec((_BR, D_CLS_PAD), lambda i: (i, 0)),
            pl.BlockSpec((_BR, 1), lambda i: (i, 0)),
            pl.BlockSpec((1, D_CLS_PAD), lambda i: (0, 0)),
        ],
        out_specs=pl.BlockSpec((_BR, D_CLS), lambda i: (i, 0)),
        out_shape=jax.ShapeDtypeStruct((N, D_CLS), jnp.float32),
    )(agg, hs, dinv, b2p)


def kernel(x, edge_index, W1, b1, W2, b2):
    src = edge_index[0].astype(jnp.int32)
    dst = edge_index[1].astype(jnp.int32)
    src_l1 = src.reshape(1, NS, 2, KSEG, CH) + (
        jnp.arange(NC, dtype=jnp.int32) * N).reshape(NC, 1, 1, 1, 1)
    dst_l1 = dst.reshape(NS, 2, KSEG, CH)
    src_l2 = src.reshape(NW, 1, KSEG, CH)
    dst_l2 = dst.reshape(NW, 1, KSEG, CH)

    deg_parts = _deg_partials(dst)

    xs_fs, dinv = _scale_mm(deg_parts, x.astype(jnp.float32), W1)
    xs2n = xs_fs.reshape(NC * N, D_HALF)
    agg1 = _edge_aggregate(xs2n, src_l1, dst_l1, D_HALF, 2, True)

    w2p = jnp.pad(W2, ((0, 0), (0, D_CLS_PAD - D_CLS)))
    b1r = b1.reshape(1, D_HID)
    hs = _mid(agg1, xs_fs, dinv, b1r, w2p)

    agg2 = _edge_aggregate(hs, src_l2, dst_l2, D_CLS_PAD, 1, False)
    b2p = jnp.pad(b2, (0, D_CLS_PAD - D_CLS)).reshape(1, D_CLS_PAD)
    return _final(agg2, hs, dinv, b2p)

# --- scband reference (transcript-rebuilt; emitter-appended) ---
"""Pipeline reference for scband-net-67259187855635 (READ-ONLY COPY).

The authoritative reference and input builder live on the scoring server;
editing this copy changes nothing except your own understanding.
"""

import jax, jax.numpy as jnp
import numpy as np

N_NODES = 10000
N_EDGES = 320000
D_FEAT = 128
HIDDEN = 128
N_CLASSES = 40


def gcn_conv(x, edge_index, W, b):
    N = x.shape[0]
    src = edge_index[0]
    dst = edge_index[1]
    loop = jnp.arange(N, dtype=edge_index.dtype)
    src = jnp.concatenate([src, loop])
    dst = jnp.concatenate([dst, loop])
    # symmetric normalization D^{-1/2} (A+I) D^{-1/2}
    deg = jnp.zeros((N,), dtype=x.dtype).at[dst].add(1.0)
    deg_inv_sqrt = jnp.where(deg > 0, jax.lax.rsqrt(jnp.maximum(deg, 1e-12)), 0.0)
    norm = deg_inv_sqrt[src] * deg_inv_sqrt[dst]
    xw = x @ W
    msg = xw[src] * norm[:, None]
    out = jnp.zeros((N, W.shape[1]), dtype=x.dtype).at[dst].add(msg)
    return out + b


def setup_inputs(seed: int = 0) -> dict:
    key = jax.random.key(seed)
    k_x, k_ei, k_w1, k_b1, k_w2, k_b2 = jax.random.split(key, 6)
    x = jax.random.normal(k_x, (N_NODES, D_FEAT), dtype=jnp.float32)
    edge_index = jax.random.randint(k_ei, (2, N_EDGES), 0, N_NODES, dtype=jnp.int64)
    W1 = jax.random.normal(k_w1, (D_FEAT, HIDDEN), dtype=jnp.float32) * (1.0 / np.sqrt(D_FEAT))
    b1 = jnp.zeros((HIDDEN,), dtype=jnp.float32)
    W2 = jax.random.normal(k_w2, (HIDDEN, N_CLASSES), dtype=jnp.float32) * (1.0 / np.sqrt(HIDDEN))
    b2 = jnp.zeros((N_CLASSES,), dtype=jnp.float32)
    return {"x": x, "edge_index": edge_index, "W1": W1, "b1": b1, "W2": W2, "b2": b2}


def reference(x, edge_index, W1, b1, W2, b2):
    # Net.get_emb: conv1 -> relu -> dropout(eval: identity) -> conv2
    h = gcn_conv(x.astype(jnp.float32), edge_index, W1, b1)
    h = jax.nn.relu(h)
    out = gcn_conv(h, edge_index, W2, b2)
    # forward: log_softmax over dim=1
    return jax.nn.log_softmax(out, axis=1)

if __name__ == "__main__":
    import jax
    _d = setup_inputs()
    print(jax.jit(kernel)(*tuple(_d.values())))

</pallas_src>

<mosaic_0001>
#map = affine_map<(d0, d1) -> (0, 0)>
#map1 = affine_map<(d0, d1) -> (0, 0, 0, 0)>
#map2 = affine_map<(d0, d1) -> (0, 0, 0)>
module attributes {stable_mosaic.version = 14 : i64} {
  func.func @_agg_body(%arg0: i32, %arg1: i32, %arg2: memref<10000x48xf32, #tpu.memory_space<hbm>>, %arg3: memref<32x1x80x125xi32, #tpu.memory_space<hbm>>, %arg4: memref<32x1x80x125xi32, #tpu.memory_space<hbm>>, %arg5: memref<625x48xf32, #tpu.memory_space<hbm>>, %arg6: memref<2x10000x48xf32, #tpu.memory_space<hbm>>, %arg7: memref<80x125xi32, #tpu.memory_space<vmem>>, %arg8: memref<80x125xi32, #tpu.memory_space<vmem>>, %arg9: memref<125x48xf32, #tpu.memory_space<vmem>>, %arg10: memref<125x48xf32, #tpu.memory_space<vmem>>, %arg11: memref<125x48xf32, #tpu.memory_space<vmem>>, %arg12: memref<125x48xf32, #tpu.memory_space<vmem>>, %arg13: memref<125x48xf32, #tpu.memory_space<vmem>>, %arg14: memref<125x48xf32, #tpu.memory_space<vmem>>, %arg15: memref<125x48xf32, #tpu.memory_space<vmem>>, %arg16: memref<125x48xf32, #tpu.memory_space<vmem>>, %arg17: memref<10000x48xf32, #tpu.memory_space<vmem_shared>>, %arg18: memref<!tpu.dma_semaphore, #tpu.memory_space<semaphore_mem>>, %arg19: memref<!tpu.dma_semaphore, #tpu.memory_space<semaphore_mem>>, %arg20: memref<!tpu.dma_semaphore, #tpu.memory_space<semaphore_mem>>, %arg21: memref<!tpu.dma_semaphore, #tpu.memory_space<semaphore_mem>>, %arg22: memref<!tpu.dma_semaphore, #tpu.memory_space<semaphore_mem>>, %arg23: memref<!tpu.dma_semaphore, #tpu.memory_space<semaphore_mem>>, %arg24: memref<!tpu.dma_semaphore, #tpu.memory_space<semaphore_mem>>, %arg25: memref<!tpu.dma_semaphore, #tpu.memory_space<semaphore_mem>>, %arg26: memref<!tpu.dma_semaphore, #tpu.memory_space<semaphore_mem>>, %arg27: memref<!tpu.dma_semaphore, #tpu.memory_space<semaphore_mem>>, %arg28: memref<!tpu.dma_semaphore, #tpu.memory_space<semaphore_mem>>, %arg29: memref<!tpu.dma_semaphore, #tpu.memory_space<semaphore_mem>>, %arg30: memref<!tpu.dma_semaphore, #tpu.memory_space<semaphore_mem>>, %arg31: memref<!tpu.dma_semaphore, #tpu.memory_space<semaphore_mem>>, %arg32: memref<!tpu.dma_semaphore, #tpu.memory_space<semaphore_mem>>, %arg33: memref<!tpu.dma_semaphore, #tpu.memory_space<semaphore_mem>>) attributes {dimension_semantics = [#tpu.dimension_semantics<core_parallel>, #tpu.dimension_semantics<subcore_parallel>], iteration_bounds = array<i64: 2, 16>, scalar_prefetch = 0 : i64, scratch_operands = 27 : i64, tpu.core_type = #tpu.core_type<sc_vector_subcore>, window_params = [{transform_indices = #map}, {transform_indices = #map1}, {transform_indices = #map1}, {transform_indices = #map}, {transform_indices = #map2}]} {
    %mul3A = arith.constant 2 : i32
    %mul3A_0 = arith.muli %arg1, %mul3A : i32
    %add3A = arith.addi %mul3A_0, %arg0 : i32
    %mul3A_1 = arith.constant 625 : i32
    %mul3A_2 = arith.muli %arg1, %mul3A_1 : i32
    "tpu.region"() ({
      %run_scoped3A_69 = tpu.sem_alloc : memref<!tpu.dma_semaphore, #tpu.memory_space<semaphore_mem>>
      %dma_start3A_70 = arith.constant 0 : i32
      %dma_start3A_71 = tpu.memref_slice %arg17[%mul3A_2, %dma_start3A_70] : memref<10000x48xf32, #tpu.memory_space<vmem_shared>> -> memref<625x48xf32, #tpu.memory_space<vmem_shared>>
      tpu.enqueue_dma source(%arg5 : memref<625x48xf32, #tpu.memory_space<hbm>>) target(%dma_start3A_71 : memref<625x48xf32, #tpu.memory_space<vmem_shared>>) target_semaphore(%run_scoped3A_69 : memref<!tpu.dma_semaphore, #tpu.memory_space<semaphore_mem>>)
      %dma_wait3A_72 = arith.constant 0 : i32
      %dma_wait3A_73 = tpu.memref_slice %arg17[%mul3A_2, %dma_wait3A_72] : memref<10000x48xf32, #tpu.memory_space<vmem_shared>> -> memref<625x48xf32, #tpu.memory_space<vmem_shared>>
      tpu.wait_dma2 semaphore(%run_scoped3A_69 : memref<!tpu.dma_semaphore, #tpu.memory_space<semaphore_mem>>) src(%arg5 : memref<625x48xf32, #tpu.memory_space<hbm>>) dst(%dma_wait3A_73 : memref<625x48xf32, #tpu.memory_space<vmem_shared>>)
      tpu.yield
    }) : () -> ()
    %barrier3A = arith.constant 0 : index
    tpu.barrier barrier_id(%barrier3A)
    %run_scoped3A = arith.constant 0 : i32
    "tpu.region"() ({
      %run_scoped3A_69 = tpu.sem_alloc : memref<!tpu.dma_semaphore, #tpu.memory_space<semaphore_mem>>
      %dma_start3A_70 = arith.constant 0 : i32
      %dma_start3A_71 = arith.constant 0 : i32
      %dma_start3A_72 = tpu.memref_slice %arg3[%add3A, %run_scoped3A, %dma_start3A_70, %dma_start3A_71] : memref<32x1x80x125xi32, #tpu.memory_space<hbm>> -> memref<1x1x80x125xi32, #tpu.memory_space<hbm>>
      %dma_start3A_73 = tpu.memref_squeeze %dma_start3A_72 : memref<1x1x80x125xi32, #tpu.memory_space<hbm>> -> memref<80x125xi32, #tpu.memory_space<hbm>>
      %dma_start3A_74 = arith.constant 0 : i32
      %dma_start3A_75 = arith.constant 0 : i32
      %dma_start3A_76 = tpu.memref_slice %arg3[%add3A, %run_scoped3A, %dma_start3A_74, %dma_start3A_75] : memref<32x1x80x125xi32, #tpu.memory_space<hbm>> -> memref<1x1x80x125xi32, #tpu.memory_space<hbm>>
      %dma_start3A_77 = tpu.memref_squeeze %dma_start3A_76 : memref<1x1x80x125xi32, #tpu.memory_space<hbm>> -> memref<80x125xi32, #tpu.memory_space<hbm>>
      tpu.enqueue_dma source(%dma_start3A_77 : memref<80x125xi32, #tpu.memory_space<hbm>>) target(%arg7 : memref<80x125xi32, #tpu.memory_space<vmem>>) target_semaphore(%run_scoped3A_69 : memref<!tpu.dma_semaphore, #tpu.memory_space<semaphore_mem>>)
      %dma_wait3A_78 = arith.constant 0 : i32
      %dma_wait3A_79 = arith.constant 0 : i32
      %dma_wait3A_80 = tpu.memref_slice %arg3[%add3A, %run_scoped3A, %dma_wait3A_78, %dma_wait3A_79] : memref<32x1x80x125xi32, #tpu.memory_space<hbm>> -> memref<1x1x80x125xi32, #tpu.memory_space<hbm>>
      %dma_wait3A_81 = tpu.memref_squeeze %dma_wait3A_80 : memref<1x1x80x125xi32, #tpu.memory_space<hbm>> -> memref<80x125xi32, #tpu.memory_space<hbm>>
      %dma_wait3A_82 = arith.constant 0 : i32
      %dma_wait3A_83 = arith.constant 0 : i32
      %dma_wait3A_84 = tpu.memref_slice %arg3[%add3A, %run_scoped3A, %dma_wait3A_82, %dma_wait3A_83] : memref<32x1x80x125xi32, #tpu.memory_space<hbm>> -> memref<1x1x80x125xi32, #tpu.memory_space<hbm>>
      %dma_wait3A_85 = tpu.memref_squeeze %dma_wait3A_84 : memref<1x1x80x125xi32, #tpu.memory_space<hbm>> -> memref<80x125xi32, #tpu.memory_space<hbm>>
      tpu.wait_dma2 semaphore(%run_scoped3A_69 : memref<!tpu.dma_semaphore, #tpu.memory_space<semaphore_mem>>) src(%dma_wait3A_85 : memref<80x125xi32, #tpu.memory_space<hbm>>) dst(%arg7 : memref<80x125xi32, #tpu.memory_space<vmem>>)
      tpu.yield
    }) : () -> ()
    %run_scoped3A_3 = arith.constant 0 : i32
    "tpu.region"() ({
      %run_scoped3A_69 = tpu.sem_alloc : memref<!tpu.dma_semaphore, #tpu.memory_space<semaphore_mem>>
      %dma_start3A_70 = arith.constant 0 : i32
      %dma_start3A_71 = arith.constant 0 : i32
      %dma_start3A_72 = tpu.memref_slice %arg4[%add3A, %run_scoped3A_3, %dma_start3A_70, %dma_start3A_71] : memref<32x1x80x125xi32, #tpu.memory_space<hbm>> -> memref<1x1x80x125xi32, #tpu.memory_space<hbm>>
      %dma_start3A_73 = tpu.memref_squeeze %dma_start3A_72 : memref<1x1x80x125xi32, #tpu.memory_space<hbm>> -> memref<80x125xi32, #tpu.memory_space<hbm>>
      %dma_start3A_74 = arith.constant 0 : i32
      %dma_start3A_75 = arith.constant 0 : i32
      %dma_start3A_76 = tpu.memref_slice %arg4[%add3A, %run_scoped3A_3, %dma_start3A_74, %dma_start3A_75] : memref<32x1x80x125xi32, #tpu.memory_space<hbm>> -> memref<1x1x80x125xi32, #tpu.memory_space<hbm>>
      %dma_start3A_77 = tpu.memref_squeeze %dma_start3A_76 : memref<1x1x80x125xi32, #tpu.memory_space<hbm>> -> memref<80x125xi32, #tpu.memory_space<hbm>>
      tpu.enqueue_dma source(%dma_start3A_77 : memref<80x125xi32, #tpu.memory_space<hbm>>) target(%arg8 : memref<80x125xi32, #tpu.memory_space<vmem>>) target_semaphore(%run_scoped3A_69 : memref<!tpu.dma_semaphore, #tpu.memory_space<semaphore_mem>>)
      %dma_wait3A_78 = arith.constant 0 : i32
      %dma_wait3A_79 = arith.constant 0 : i32
      %dma_wait3A_80 = tpu.memref_slice %arg4[%add3A, %run_scoped3A_3, %dma_wait3A_78, %dma_wait3A_79] : memref<32x1x80x125xi32, #tpu.memory_space<hbm>> -> memref<1x1x80x125xi32, #tpu.memory_space<hbm>>
      %dma_wait3A_81 = tpu.memref_squeeze %dma_wait3A_80 : memref<1x1x80x125xi32, #tpu.memory_space<hbm>> -> memref<80x125xi32, #tpu.memory_space<hbm>>
      %dma_wait3A_82 = arith.constant 0 : i32
      %dma_wait3A_83 = arith.constant 0 : i32
      %dma_wait3A_84 = tpu.memref_slice %arg4[%add3A, %run_scoped3A_3, %dma_wait3A_82, %dma_wait3A_83] : memref<32x1x80x125xi32, #tpu.memory_space<hbm>> -> memref<1x1x80x125xi32, #tpu.memory_space<hbm>>
      %dma_wait3A_85 = tpu.memref_squeeze %dma_wait3A_84 : memref<1x1x80x125xi32, #tpu.memory_space<hbm>> -> memref<80x125xi32, #tpu.memory_space<hbm>>
      tpu.wait_dma2 semaphore(%run_scoped3A_69 : memref<!tpu.dma_semaphore, #tpu.memory_space<semaphore_mem>>) src(%dma_wait3A_85 : memref<80x125xi32, #tpu.memory_space<hbm>>) dst(%arg8 : memref<80x125xi32, #tpu.memory_space<vmem>>)
      tpu.yield
    }) : () -> ()
    %dma_start3A = arith.constant 0 : i32
    %dma_start3A_4 = arith.constant 0 : i32
    %dma_start3A_5 = tpu.memref_slice %arg7[%dma_start3A, %dma_start3A_4] : memref<80x125xi32, #tpu.memory_space<vmem>> -> memref<1x125xi32, #tpu.memory_space<vmem>>
    %dma_start3A_6 = tpu.memref_squeeze %dma_start3A_5 : memref<1x125xi32, #tpu.memory_space<vmem>> -> memref<125xi32, #tpu.memory_space<vmem>>
    %dma_start3A_7 = arith.constant 0 : i32
    %dma_start3A_8 = arith.constant 0 : i32
    %dma_start3A_9 = tpu.memref_slice %arg2[%dma_start3A_7, %dma_start3A_8] : memref<10000x48xf32, #tpu.memory_space<hbm>> -> memref<10000x48xf32, #tpu.memory_space<hbm>>
    tpu.enqueue_indirect_dma source(%dma_start3A_9 : memref<10000x48xf32, #tpu.memory_space<hbm>>) target(%arg9 : memref<125x48xf32, #tpu.memory_space<vmem>>) offsets(%dma_start3A_6 : memref<125xi32, #tpu.memory_space<vmem>>) semaphore(%arg18 : memref<!tpu.dma_semaphore, #tpu.memory_space<semaphore_mem>>)
    %dma_start3A_10 = arith.constant 1 : i32
    %dma_start3A_11 = arith.constant 0 : i32
    %dma_start3A_12 = tpu.memref_slice %arg7[%dma_start3A_10, %dma_start3A_11] : memref<80x125xi32, #tpu.memory_space<vmem>> -> memref<1x125xi32, #tpu.memory_space<vmem>>
    %dma_start3A_13 = tpu.memref_squeeze %dma_start3A_12 : memref<1x125xi32, #tpu.memory_space<vmem>> -> memref<125xi32, #tpu.memory_space<vmem>>
    %dma_start3A_14 = arith.constant 0 : i32
    %dma_start3A_15 = arith.constant 0 : i32
    %dma_start3A_16 = tpu.memref_slice %arg2[%dma_start3A_14, %dma_start3A_15] : memref<10000x48xf32, #tpu.memory_space<hbm>> -> memref<10000x48xf32, #tpu.memory_space<hbm>>
    tpu.enqueue_indirect_dma source(%dma_start3A_16 : memref<10000x48xf32, #tpu.memory_space<hbm>>) target(%arg10 : memref<125x48xf32, #tpu.memory_space<vmem>>) offsets(%dma_start3A_13 : memref<125xi32, #tpu.memory_space<vmem>>) semaphore(%arg19 : memref<!tpu.dma_semaphore, #tpu.memory_space<semaphore_mem>>)
    %dma_start3A_17 = arith.constant 2 : i32
    %dma_start3A_18 = arith.constant 0 : i32
    %dma_start3A_19 = tpu.memref_slice %arg7[%dma_start3A_17, %dma_start3A_18] : memref<80x125xi32, #tpu.memory_space<vmem>> -> memref<1x125xi32, #tpu.memory_space<vmem>>
    %dma_start3A_20 = tpu.memref_squeeze %dma_start3A_19 : memref<1x125xi32, #tpu.memory_space<vmem>> -> memref<125xi32, #tpu.memory_space<vmem>>
    %dma_start3A_21 = arith.constant 0 : i32
    %dma_start3A_22 = arith.constant 0 : i32
    %dma_start3A_23 = tpu.memref_slice %arg2[%dma_start3A_21, %dma_start3A_22] : memref<10000x48xf32, #tpu.memory_space<hbm>> -> memref<10000x48xf32, #tpu.memory_space<hbm>>
    tpu.enqueue_indirect_dma source(%dma_start3A_23 : memref<10000x48xf32, #tpu.memory_space<hbm>>) target(%arg11 : memref<125x48xf32, #tpu.memory_space<vmem>>) offsets(%dma_start3A_20 : memref<125xi32, #tpu.memory_space<vmem>>) semaphore(%arg20 : memref<!tpu.dma_semaphore, #tpu.memory_space<semaphore_mem>>)
    %dma_start3A_24 = arith.constant 3 : i32
    %dma_start3A_25 = arith.constant 0 : i32
    %dma_start3A_26 = tpu.memref_slice %arg7[%dma_start3A_24, %dma_start3A_25] : memref<80x125xi32, #tpu.memory_space<vmem>> -> memref<1x125xi32, #tpu.memory_space<vmem>>
    %dma_start3A_27 = tpu.memref_squeeze %dma_start3A_26 : memref<1x125xi32, #tpu.memory_space<vmem>> -> memref<125xi32, #tpu.memory_space<vmem>>
    %dma_start3A_28 = arith.constant 0 : i32
    %dma_start3A_29 = arith.constant 0 : i32
    %dma_start3A_30 = tpu.memref_slice %arg2[%dma_start3A_28, %dma_start3A_29] : memref<10000x48xf32, #tpu.memory_space<hbm>> -> memref<10000x48xf32, #tpu.memory_space<hbm>>
    tpu.enqueue_indirect_dma source(%dma_start3A_30 : memref<10000x48xf32, #tpu.memory_space<hbm>>) target(%arg12 : memref<125x48xf32, #tpu.memory_space<vmem>>) offsets(%dma_start3A_27 : memref<125xi32, #tpu.memory_space<vmem>>) semaphore(%arg21 : memref<!tpu.dma_semaphore, #tpu.memory_space<semaphore_mem>>)
    %dma_start3A_31 = arith.constant 4 : i32
    %dma_start3A_32 = arith.constant 0 : i32
    %dma_start3A_33 = tpu.memref_slice %arg7[%dma_start3A_31, %dma_start3A_32] : memref<80x125xi32, #tpu.memory_space<vmem>> -> memref<1x125xi32, #tpu.memory_space<vmem>>
    %dma_start3A_34 = tpu.memref_squeeze %dma_start3A_33 : memref<1x125xi32, #tpu.memory_space<vmem>> -> memref<125xi32, #tpu.memory_space<vmem>>
    %dma_start3A_35 = arith.constant 0 : i32
    %dma_start3A_36 = arith.constant 0 : i32
    %dma_start3A_37 = tpu.memref_slice %arg2[%dma_start3A_35, %dma_start3A_36] : memref<10000x48xf32, #tpu.memory_space<hbm>> -> memref<10000x48xf32, #tpu.memory_space<hbm>>
    tpu.enqueue_indirect_dma source(%dma_start3A_37 : memref<10000x48xf32, #tpu.memory_space<hbm>>) target(%arg13 : memref<125x48xf32, #tpu.memory_space<vmem>>) offsets(%dma_start3A_34 : memref<125xi32, #tpu.memory_space<vmem>>) semaphore(%arg22 : memref<!tpu.dma_semaphore, #tpu.memory_space<semaphore_mem>>)
    %dma_start3A_38 = arith.constant 5 : i32
    %dma_start3A_39 = arith.constant 0 : i32
    %dma_start3A_40 = tpu.memref_slice %arg7[%dma_start3A_38, %dma_start3A_39] : memref<80x125xi32, #tpu.memory_space<vmem>> -> memref<1x125xi32, #tpu.memory_space<vmem>>
    %dma_start3A_41 = tpu.memref_squeeze %dma_start3A_40 : memref<1x125xi32, #tpu.memory_space<vmem>> -> memref<125xi32, #tpu.memory_space<vmem>>
    %dma_start3A_42 = arith.constant 0 : i32
    %dma_start3A_43 = arith.constant 0 : i32
    %dma_start3A_44 = tpu.memref_slice %arg2[%dma_start3A_42, %dma_start3A_43] : memref<10000x48xf32, #tpu.memory_space<hbm>> -> memref<10000x48xf32, #tpu.memory_space<hbm>>
    tpu.enqueue_indirect_dma source(%dma_start3A_44 : memref<10000x48xf32, #tpu.memory_space<hbm>>) target(%arg14 : memref<125x48xf32, #tpu.memory_space<vmem>>) offsets(%dma_start3A_41 : memref<125xi32, #tpu.memory_space<vmem>>) semaphore(%arg23 : memref<!tpu.dma_semaphore, #tpu.memory_space<semaphore_mem>>)
    %scan3A = arith.constant 0 : i32
    %scan3A_45 = arith.constant 0 : i32
    %scan3A_46 = arith.constant 10 : i32
    %scan3A_47 = arith.addi %scan3A_45, %scan3A_46 : i32
    %scan3A_48 = arith.constant 1 : i32
    %scan3A_49 = scf.for %scan3A_69 = %scan3A_45 to %scan3A_47 step %scan3A_48 iter_args(%scan3A_70 = %scan3A) -> (i32)  : i32 {
      %mul3A_71 = arith.constant 8 : i32
      %mul3A_72 = arith.muli %mul3A_71, %scan3A_69 : i32
      %add3A_73 = arith.constant 0 : i32
      %add3A_74 = arith.addi %mul3A_72, %add3A_73 : i32
      %dma_wait3A_75 = arith.constant 0 : i32
      %dma_wait3A_76 = tpu.memref_slice %arg7[%add3A_74, %dma_wait3A_75] : memref<80x125xi32, #tpu.memory_space<vmem>> -> memref<1x125xi32, #tpu.memory_space<vmem>>
      %dma_wait3A_77 = tpu.memref_squeeze %dma_wait3A_76 : memref<1x125xi32, #tpu.memory_space<vmem>> -> memref<125xi32, #tpu.memory_space<vmem>>
      %dma_wait3A_78 = arith.constant 0 : i32
      %dma_wait3A_79 = arith.constant 0 : i32
      %dma_wait3A_80 = tpu.memref_slice %arg2[%dma_wait3A_78, %dma_wait3A_79] : memref<10000x48xf32, #tpu.memory_space<hbm>> -> memref<10000x48xf32, #tpu.memory_space<hbm>>
      tpu.wait_indirect_dma semaphore(%arg18 : memref<!tpu.dma_semaphore, #tpu.memory_space<semaphore_mem>>) src(%dma_wait3A_80 : memref<10000x48xf32, #tpu.memory_space<hbm>>) dst(%arg9 : memref<125x48xf32, #tpu.memory_space<vmem>>)
      %dma_start3A_81 = arith.constant 0 : i32
      %dma_start3A_82 = tpu.memref_slice %arg8[%add3A_74, %dma_start3A_81] : memref<80x125xi32, #tpu.memory_space<vmem>> -> memref<1x125xi32, #tpu.memory_space<vmem>>
      %dma_start3A_83 = tpu.memref_squeeze %dma_start3A_82 : memref<1x125xi32, #tpu.memory_space<vmem>> -> memref<125xi32, #tpu.memory_space<vmem>>
      %dma_start3A_84 = arith.constant 0 : i32
      %dma_start3A_85 = arith.constant 0 : i32
      %dma_start3A_86 = tpu.memref_slice %arg17[%dma_start3A_84, %dma_start3A_85] : memref<10000x48xf32, #tpu.memory_space<vmem_shared>> -> memref<10000x48xf32, #tpu.memory_space<vmem_shared>>
      tpu.enqueue_indirect_dma source(%arg9 : memref<125x48xf32, #tpu.memory_space<vmem>>) target(%dma_start3A_86 : memref<10000x48xf32, #tpu.memory_space<vmem_shared>>) offsets(%dma_start3A_83 : memref<125xi32, #tpu.memory_space<vmem>>) semaphore(%arg26 : memref<!tpu.dma_semaphore, #tpu.memory_space<semaphore_mem>>) {add = true}
      %gt3A = arith.constant 0 : i32
      %gt3A_87 = arith.cmpi sgt, %scan3A_69, %gt3A : i32
      %convert_element_type3A = arith.extui %gt3A_87 : i1 to i32
      %cond3A = arith.constant 0 : i32
      %cond3A_88 = arith.cmpi ne, %convert_element_type3A, %cond3A : i32
      scf.if %cond3A_88 {
        %sub3A_299 = arith.constant 2 : i32
        %sub3A_300 = arith.subi %add3A_74, %sub3A_299 : i32
        %dma_wait3A_301 = arith.constant 0 : i32
        %dma_wait3A_302 = tpu.memref_slice %arg8[%sub3A_300, %dma_wait3A_301] : memref<80x125xi32, #tpu.memory_space<vmem>> -> memref<1x125xi32, #tpu.memory_space<vmem>>
        %dma_wait3A_303 = tpu.memref_squeeze %dma_wait3A_302 : memref<1x125xi32, #tpu.memory_space<vmem>> -> memref<125xi32, #tpu.memory_space<vmem>>
        %dma_wait3A_304 = arith.constant 0 : i32
        %dma_wait3A_305 = arith.constant 0 : i32
        %dma_wait3A_306 = tpu.memref_slice %arg17[%dma_wait3A_304, %dma_wait3A_305] : memref<10000x48xf32, #tpu.memory_space<vmem_shared>> -> memref<10000x48xf32, #tpu.memory_space<vmem_shared>>
        tpu.wait_indirect_dma semaphore(%arg32 : memref<!tpu.dma_semaphore, #tpu.memory_space<semaphore_mem>>) src(%arg15 : memref<125x48xf32, #tpu.memory_space<vmem>>) dst(%dma_wait3A_306 : memref<10000x48xf32, #tpu.memory_space<vmem_shared>>)
      } else {
      }
      %add3A_89 = arith.constant 6 : i32
      %add3A_90 = arith.addi %add3A_74, %add3A_89 : i32
      %dma_start3A_91 = arith.constant 0 : i32
      %dma_start3A_92 = tpu.memref_slice %arg7[%add3A_90, %dma_start3A_91] : memref<80x125xi32, #tpu.memory_space<vmem>> -> memref<1x125xi32, #tpu.memory_space<vmem>>
      %dma_start3A_93 = tpu.memref_squeeze %dma_start3A_92 : memref<1x125xi32, #tpu.memory_space<vmem>> -> memref<125xi32, #tpu.memory_space<vmem>>
      %dma_start3A_94 = arith.constant 0 : i32
      %dma_start3A_95 = arith.constant 0 : i32
      %dma_start3A_96 = tpu.memref_slice %arg2[%dma_start3A_94, %dma_start3A_95] : memref<10000x48xf32, #tpu.memory_space<hbm>> -> memref<10000x48xf32, #tpu.memory_space<hbm>>
      tpu.enqueue_indirect_dma source(%dma_start3A_96 : memref<10000x48xf32, #tpu.memory_space<hbm>>) target(%arg15 : memref<125x48xf32, #tpu.memory_space<vmem>>) offsets(%dma_start3A_93 : memref<125xi32, #tpu.memory_space<vmem>>) semaphore(%arg24 : memref<!tpu.dma_semaphore, #tpu.memory_space<semaphore_mem>>)
      %mul3A_97 = arith.constant 8 : i32
      %mul3A_98 = arith.muli %mul3A_97, %scan3A_69 : i32
      %add3A_99 = arith.constant 1 : i32
      %add3A_100 = arith.addi %mul3A_98, %add3A_99 : i32
      %dma_wait3A_101 = arith.constant 0 : i32
      %dma_wait3A_102 = tpu.memref_slice %arg7[%add3A_100, %dma_wait3A_101] : memref<80x125xi32, #tpu.memory_space<vmem>> -> memref<1x125xi32, #tpu.memory_space<vmem>>
      %dma_wait3A_103 = tpu.memref_squeeze %dma_wait3A_102 : memref<1x125xi32, #tpu.memory_space<vmem>> -> memref<125xi32, #tpu.memory_space<vmem>>
      %dma_wait3A_104 = arith.constant 0 : i32
      %dma_wait3A_105 = arith.constant 0 : i32
      %dma_wait3A_106 = tpu.memref_slice %arg2[%dma_wait3A_104, %dma_wait3A_105] : memref<10000x48xf32, #tpu.memory_space<hbm>> -> memref<10000x48xf32, #tpu.memory_space<hbm>>
      tpu.wait_indirect_dma semaphore(%arg19 : memref<!tpu.dma_semaphore, #tpu.memory_space<semaphore_mem>>) src(%dma_wait3A_106 : memref<10000x48xf32, #tpu.memory_space<hbm>>) dst(%arg10 : memref<125x48xf32, #tpu.memory_space<vmem>>)
      %dma_start3A_107 = arith.constant 0 : i32
      %dma_start3A_108 = tpu.memref_slice %arg8[%add3A_100, %dma_start3A_107] : memref<80x125xi32, #tpu.memory_space<vmem>> -> memref<1x125xi32, #tpu.memory_space<vmem>>
      %dma_start3A_109 = tpu.memref_squeeze %dma_start3A_108 : memref<1x125xi32, #tpu.memory_space<vmem>> -> memref<125xi32, #tpu.memory_space<vmem>>
      %dma_start3A_110 = arith.constant 0 : i32
      %dma_start3A_111 = arith.constant 0 : i32
      %dma_start3A_112 = tpu.memref_slice %arg17[%dma_start3A_110, %dma_start3A_111] : memref<10000x48xf32, #tpu.memory_space<vmem_shared>> -> memref<10000x48xf32, #tpu.memory_space<vmem_shared>>
      tpu.enqueue_indirect_dma source(%arg10 : memref<125x48xf32, #tpu.memory_space<vmem>>) target(%dma_start3A_112 : memref<10000x48xf32, #tpu.memory_space<vmem_shared>>) offsets(%dma_start3A_109 : memref<125xi32, #tpu.memory_space<vmem>>) semaphore(%arg27 : memref<!tpu.dma_semaphore, #tpu.memory_space<semaphore_mem>>) {add = true}
      %gt3A_113 = arith.constant 0 : i32
      %gt3A_114 = arith.cmpi sgt, %scan3A_69, %gt3A_113 : i32
      %convert_element_type3A_115 = arith.extui %gt3A_114 : i1 to i32
      %cond3A_116 = arith.constant 0 : i32
      %cond3A_117 = arith.cmpi ne, %convert_element_type3A_115, %cond3A_116 : i32
      scf.if %cond3A_117 {
        %sub3A_299 = arith.constant 2 : i32
        %sub3A_300 = arith.subi %add3A_100, %sub3A_299 : i32
        %dma_wait3A_301 = arith.constant 0 : i32
        %dma_wait3A_302 = tpu.memref_slice %arg8[%sub3A_300, %dma_wait3A_301] : memref<80x125xi32, #tpu.memory_space<vmem>> -> memref<1x125xi32, #tpu.memory_space<vmem>>
        %dma_wait3A_303 = tpu.memref_squeeze %dma_wait3A_302 : memref<1x125xi32, #tpu.memory_space<vmem>> -> memref<125xi32, #tpu.memory_space<vmem>>
        %dma_wait3A_304 = arith.constant 0 : i32
        %dma_wait3A_305 = arith.constant 0 : i32
        %dma_wait3A_306 = tpu.memref_slice %arg17[%dma_wait3A_304, %dma_wait3A_305] : memref<10000x48xf32, #tpu.memory_space<vmem_shared>> -> memref<10000x48xf32, #tpu.memory_space<vmem_shared>>
        tpu.wait_indirect_dma semaphore(%arg33 : memref<!tpu.dma_semaphore, #tpu.memory_space<semaphore_mem>>) src(%arg16 : memref<125x48xf32, #tpu.memory_space<vmem>>) dst(%dma_wait3A_306 : memref<10000x48xf32, #tpu.memory_space<vmem_shared>>)
      } else {
      }
      %add3A_118 = arith.constant 6 : i32
      %add3A_119 = arith.addi %add3A_100, %add3A_118 : i32
      %dma_start3A_120 = arith.constant 0 : i32
      %dma_start3A_121 = tpu.memref_slice %arg7[%add3A_119, %dma_start3A_120] : memref<80x125xi32, #tpu.memory_space<vmem>> -> memref<1x125xi32, #tpu.memory_space<vmem>>
      %dma_start3A_122 = tpu.memref_squeeze %dma_start3A_121 : memref<1x125xi32, #tpu.memory_space<vmem>> -> memref<125xi32, #tpu.memory_space<vmem>>
      %dma_start3A_123 = arith.constant 0 : i32
      %dma_start3A_124 = arith.constant 0 : i32
      %dma_start3A_125 = tpu.memref_slice %arg2[%dma_start3A_123, %dma_start3A_124] : memref<10000x48xf32, #tpu.memory_space<hbm>> -> memref<10000x48xf32, #tpu.memory_space<hbm>>
      tpu.enqueue_indirect_dma source(%dma_start3A_125 : memref<10000x48xf32, #tpu.memory_space<hbm>>) target(%arg16 : memref<125x48xf32, #tpu.memory_space<vmem>>) offsets(%dma_start3A_122 : memref<125xi32, #tpu.memory_space<vmem>>) semaphore(%arg25 : memref<!tpu.dma_semaphore, #tpu.memory_space<semaphore_mem>>)
      %mul3A_126 = arith.constant 8 : i32
      %mul3A_127 = arith.muli %mul3A_126, %scan3A_69 : i32
      %add3A_128 = arith.constant 2 : i32
      %add3A_129 = arith.addi %mul3A_127, %add3A_128 : i32
      %dma_wait3A_130 = arith.constant 0 : i32
      %dma_wait3A_131 = tpu.memref_slice %arg7[%add3A_129, %dma_wait3A_130] : memref<80x125xi32, #tpu.memory_space<vmem>> -> memref<1x125xi32, #tpu.memory_space<vmem>>
      %dma_wait3A_132 = tpu.memref_squeeze %dma_wait3A_131 : memref<1x125xi32, #tpu.memory_space<vmem>> -> memref<125xi32, #tpu.memory_space<vmem>>
      %dma_wait3A_133 = arith.constant 0 : i32
      %dma_wait3A_134 = arith.constant 0 : i32
      %dma_wait3A_135 = tpu.memref_slice %arg2[%dma_wait3A_133, %dma_wait3A_134] : memref<10000x48xf32, #tpu.memory_space<hbm>> -> memref<10000x48xf32, #tpu.memory_space<hbm>>
      tpu.wait_indirect_dma semaphore(%arg20 : memref<!tpu.dma_semaphore, #tpu.memory_space<semaphore_mem>>) src(%dma_wait3A_135 : memref<10000x48xf32, #tpu.memory_space<hbm>>) dst(%arg11 : memref<125x48xf32, #tpu.memory_space<vmem>>)
      %dma_start3A_136 = arith.constant 0 : i32
      %dma_start3A_137 = tpu.memref_slice %arg8[%add3A_129, %dma_start3A_136] : memref<80x125xi32, #tpu.memory_space<vmem>> -> memref<1x125xi32, #tpu.memory_space<vmem>>
      %dma_start3A_138 = tpu.memref_squeeze %dma_start3A_137 : memref<1x125xi32, #tpu.memory_space<vmem>> -> memref<125xi32, #tpu.memory_space<vmem>>
      %dma_start3A_139 = arith.constant 0 : i32
      %dma_start3A_140 = arith.constant 0 : i32
      %dma_start3A_141 = tpu.memref_slice %arg17[%dma_start3A_139, %dma_start3A_140] : memref<10000x48xf32, #tpu.memory_space<vmem_shared>> -> memref<10000x48xf32, #tpu.memory_space<vmem_shared>>
      tpu.enqueue_indirect_dma source(%arg11 : memref<125x48xf32, #tpu.memory_space<vmem>>) target(%dma_start3A_141 : memref<10000x48xf32, #tpu.memory_space<vmem_shared>>) offsets(%dma_start3A_138 : memref<125xi32, #tpu.memory_space<vmem>>) semaphore(%arg28 : memref<!tpu.dma_semaphore, #tpu.memory_space<semaphore_mem>>) {add = true}
      %sub3A = arith.constant 2 : i32
      %sub3A_142 = arith.subi %add3A_129, %sub3A : i32
      %dma_wait3A_143 = arith.constant 0 : i32
      %dma_wait3A_144 = tpu.memref_slice %arg8[%sub3A_142, %dma_wait3A_143] : memref<80x125xi32, #tpu.memory_space<vmem>> -> memref<1x125xi32, #tpu.memory_space<vmem>>
      %dma_wait3A_145 = tpu.memref_squeeze %dma_wait3A_144 : memref<1x125xi32, #tpu.memory_space<vmem>> -> memref<125xi32, #tpu.memory_space<vmem>>
      %dma_wait3A_146 = arith.constant 0 : i32
      %dma_wait3A_147 = arith.constant 0 : i32
      %dma_wait3A_148 = tpu.memref_slice %arg17[%dma_wait3A_146, %dma_wait3A_147] : memref<10000x48xf32, #tpu.memory_space<vmem_shared>> -> memref<10000x48xf32, #tpu.memory_space<vmem_shared>>
      tpu.wait_indirect_dma semaphore(%arg26 : memref<!tpu.dma_semaphore, #tpu.memory_space<semaphore_mem>>) src(%arg9 : memref<125x48xf32, #tpu.memory_space<vmem>>) dst(%dma_wait3A_148 : memref<10000x48xf32, #tpu.memory_space<vmem_shared>>)
      %lt3A = arith.constant 9 : i32
      %lt3A_149 = arith.cmpi slt, %scan3A_69, %lt3A : i32
      %convert_element_type3A_150 = arith.extui %lt3A_149 : i1 to i32
      %cond3A_151 = arith.constant 0 : i32
      %cond3A_152 = arith.cmpi ne, %convert_element_type3A_150, %cond3A_151 : i32
      scf.if %cond3A_152 {
        %add3A_299 = arith.constant 6 : i32
        %add3A_300 = arith.addi %add3A_129, %add3A_299 : i32
        %dma_start3A_301 = arith.constant 0 : i32
        %dma_start3A_302 = tpu.memref_slice %arg7[%add3A_300, %dma_start3A_301] : memref<80x125xi32, #tpu.memory_space<vmem>> -> memref<1x125xi32, #tpu.memory_space<vmem>>
        %dma_start3A_303 = tpu.memref_squeeze %dma_start3A_302 : memref<1x125xi32, #tpu.memory_space<vmem>> -> memref<125xi32, #tpu.memory_space<vmem>>
        %dma_start3A_304 = arith.constant 0 : i32
        %dma_start3A_305 = arith.constant 0 : i32
        %dma_start3A_306 = tpu.memref_slice %arg2[%dma_start3A_304, %dma_start3A_305] : memref<10000x48xf32, #tpu.memory_space<hbm>> -> memref<10000x48xf32, #tpu.memory_space<hbm>>
        tpu.enqueue_indirect_dma source(%dma_start3A_306 : memref<10000x48xf32, #tpu.memory_space<hbm>>) target(%arg9 : memref<125x48xf32, #tpu.memory_space<vmem>>) offsets(%dma_start3A_303 : memref<125xi32, #tpu.memory_space<vmem>>) semaphore(%arg18 : memref<!tpu.dma_semaphore, #tpu.memory_space<semaphore_mem>>)
      } else {
      }
      %mul3A_153 = arith.constant 8 : i32
      %mul3A_154 = arith.muli %mul3A_153, %scan3A_69 : i32
      %add3A_155 = arith.constant 3 : i32
      %add3A_156 = arith.addi %mul3A_154, %add3A_155 : i32
      %dma_wait3A_157 = arith.constant 0 : i32
      %dma_wait3A_158 = tpu.memref_slice %arg7[%add3A_156, %dma_wait3A_157] : memref<80x125xi32, #tpu.memory_space<vmem>> -> memref<1x125xi32, #tpu.memory_space<vmem>>
      %dma_wait3A_159 = tpu.memref_squeeze %dma_wait3A_158 : memref<1x125xi32, #tpu.memory_space<vmem>> -> memref<125xi32, #tpu.memory_space<vmem>>
      %dma_wait3A_160 = arith.constant 0 : i32
      %dma_wait3A_161 = arith.constant 0 : i32
      %dma_wait3A_162 = tpu.memref_slice %arg2[%dma_wait3A_160, %dma_wait3A_161] : memref<10000x48xf32, #tpu.memory_space<hbm>> -> memref<10000x48xf32, #tpu.memory_space<hbm>>
      tpu.wait_indirect_dma semaphore(%arg21 : memref<!tpu.dma_semaphore, #tpu.memory_space<semaphore_mem>>) src(%dma_wait3A_162 : memref<10000x48xf32, #tpu.memory_space<hbm>>) dst(%arg12 : memref<125x48xf32, #tpu.memory_space<vmem>>)
      %dma_start3A_163 = arith.constant 0 : i32
      %dma_start3A_164 = tpu.memref_slice %arg8[%add3A_156, %dma_start3A_163] : memref<80x125xi32, #tpu.memory_space<vmem>> -> memref<1x125xi32, #tpu.memory_space<vmem>>
      %dma_start3A_165 = tpu.memref_squeeze %dma_start3A_164 : memref<1x125xi32, #tpu.memory_space<vmem>> -> memref<125xi32, #tpu.memory_space<vmem>>
      %dma_start3A_166 = arith.constant 0 : i32
      %dma_start3A_167 = arith.constant 0 : i32
      %dma_start3A_168 = tpu.memref_slice %arg17[%dma_start3A_166, %dma_start3A_167] : memref<10000x48xf32, #tpu.memory_space<vmem_shared>> -> memref<10000x48xf32, #tpu.memory_space<vmem_shared>>
      tpu.enqueue_indirect_dma source(%arg12 : memref<125x48xf32, #tpu.memory_space<vmem>>) target(%dma_start3A_168 : memref<10000x48xf32, #tpu.memory_space<vmem_shared>>) offsets(%dma_start3A_165 : memref<125xi32, #tpu.memory_space<vmem>>) semaphore(%arg29 : memref<!tpu.dma_semaphore, #tpu.memory_space<semaphore_mem>>) {add = true}
      %sub3A_169 = arith.constant 2 : i32
      %sub3A_170 = arith.subi %add3A_156, %sub3A_169 : i32
      %dma_wait3A_171 = arith.constant 0 : i32
      %dma_wait3A_172 = tpu.memref_slice %arg8[%sub3A_170, %dma_wait3A_171] : memref<80x125xi32, #tpu.memory_space<vmem>> -> memref<1x125xi32, #tpu.memory_space<vmem>>
      %dma_wait3A_173 = tpu.memref_squeeze %dma_wait3A_172 : memref<1x125xi32, #tpu.memory_space<vmem>> -> memref<125xi32, #tpu.memory_space<vmem>>
      %dma_wait3A_174 = arith.constant 0 : i32
      %dma_wait3A_175 = arith.constant 0 : i32
      %dma_wait3A_176 = tpu.memref_slice %arg17[%dma_wait3A_174, %dma_wait3A_175] : memref<10000x48xf32, #tpu.memory_space<vmem_shared>> -> memref<10000x48xf32, #tpu.memory_space<vmem_shared>>
      tpu.wait_indirect_dma semaphore(%arg27 : memref<!tpu.dma_semaphore, #tpu.memory_space<semaphore_mem>>) src(%arg10 : memref<125x48xf32, #tpu.memory_space<vmem>>) dst(%dma_wait3A_176 : memref<10000x48xf32, #tpu.memory_space<vmem_shared>>)
      %lt3A_177 = arith.constant 9 : i32
      %lt3A_178 = arith.cmpi slt, %scan3A_69, %lt3A_177 : i32
      %convert_element_type3A_179 = arith.extui %lt3A_178 : i1 to i32
      %cond3A_180 = arith.constant 0 : i32
      %cond3A_181 = arith.cmpi ne, %convert_element_type3A_179, %cond3A_180 : i32
      scf.if %cond3A_181 {
        %add3A_299 = arith.constant 6 : i32
        %add3A_300 = arith.addi %add3A_156, %add3A_299 : i32
        %dma_start3A_301 = arith.constant 0 : i32
        %dma_start3A_302 = tpu.memref_slice %arg7[%add3A_300, %dma_start3A_301] : memref<80x125xi32, #tpu.memory_space<vmem>> -> memref<1x125xi32, #tpu.memory_space<vmem>>
        %dma_start3A_303 = tpu.memref_squeeze %dma_start3A_302 : memref<1x125xi32, #tpu.memory_space<vmem>> -> memref<125xi32, #tpu.memory_space<vmem>>
        %dma_start3A_304 = arith.constant 0 : i32
        %dma_start3A_305 = arith.constant 0 : i32
        %dma_start3A_306 = tpu.memref_slice %arg2[%dma_start3A_304, %dma_start3A_305] : memref<10000x48xf32, #tpu.memory_space<hbm>> -> memref<10000x48xf32, #tpu.memory_space<hbm>>
        tpu.enqueue_indirect_dma source(%dma_start3A_306 : memref<10000x48xf32, #tpu.memory_space<hbm>>) target(%arg10 : memref<125x48xf32, #tpu.memory_space<vmem>>) offsets(%dma_start3A_303 : memref<125xi32, #tpu.memory_space<vmem>>) semaphore(%arg19 : memref<!tpu.dma_semaphore, #tpu.memory_space<semaphore_mem>>)
      } else {
      }
      %mul3A_182 = arith.constant 8 : i32
      %mul3A_183 = arith.muli %mul3A_182, %scan3A_69 : i32
      %add3A_184 = arith.constant 4 : i32
      %add3A_185 = arith.addi %mul3A_183, %add3A_184 : i32
      %dma_wait3A_186 = arith.constant 0 : i32
      %dma_wait3A_187 = tpu.memref_slice %arg7[%add3A_185, %dma_wait3A_186] : memref<80x125xi32, #tpu.memory_space<vmem>> -> memref<1x125xi32, #tpu.memory_space<vmem>>
      %dma_wait3A_188 = tpu.memref_squeeze %dma_wait3A_187 : memref<1x125xi32, #tpu.memory_space<vmem>> -> memref<125xi32, #tpu.memory_space<vmem>>
      %dma_wait3A_189 = arith.constant 0 : i32
      %dma_wait3A_190 = arith.constant 0 : i32
      %dma_wait3A_191 = tpu.memref_slice %arg2[%dma_wait3A_189, %dma_wait3A_190] : memref<10000x48xf32, #tpu.memory_space<hbm>> -> memref<10000x48xf32, #tpu.memory_space<hbm>>
      tpu.wait_indirect_dma semaphore(%arg22 : memref<!tpu.dma_semaphore, #tpu.memory_space<semaphore_mem>>) src(%dma_wait3A_191 : memref<10000x48xf32, #tpu.memory_space<hbm>>) dst(%arg13 : memref<125x48xf32, #tpu.memory_space<vmem>>)
      %dma_start3A_192 = arith.constant 0 : i32
      %dma_start3A_193 = tpu.memref_slice %arg8[%add3A_185, %dma_start3A_192] : memref<80x125xi32, #tpu.memory_space<vmem>> -> memref<1x125xi32, #tpu.memory_space<vmem>>
      %dma_start3A_194 = tpu.memref_squeeze %dma_start3A_193 : memref<1x125xi32, #tpu.memory_space<vmem>> -> memref<125xi32, #tpu.memory_space<vmem>>
      %dma_start3A_195 = arith.constant 0 : i32
      %dma_start3A_196 = arith.constant 0 : i32
      %dma_start3A_197 = tpu.memref_slice %arg17[%dma_start3A_195, %dma_start3A_196] : memref<10000x48xf32, #tpu.memory_space<vmem_shared>> -> memref<10000x48xf32, #tpu.memory_space<vmem_shared>>
      tpu.enqueue_indirect_dma source(%arg13 : memref<125x48xf32, #tpu.memory_space<vmem>>) target(%dma_start3A_197 : memref<10000x48xf32, #tpu.memory_space<vmem_shared>>) offsets(%dma_start3A_194 : memref<125xi32, #tpu.memory_space<vmem>>) semaphore(%arg30 : memref<!tpu.dma_semaphore, #tpu.memory_space<semaphore_mem>>) {add = true}
      %sub3A_198 = arith.constant 2 : i32
      %sub3A_199 = arith.subi %add3A_185, %sub3A_198 : i32
      %dma_wait3A_200 = arith.constant 0 : i32
      %dma_wait3A_201 = tpu.memref_slice %arg8[%sub3A_199, %dma_wait3A_200] : memref<80x125xi32, #tpu.memory_space<vmem>> -> memref<1x125xi32, #tpu.memory_space<vmem>>
      %dma_wait3A_202 = tpu.memref_squeeze %dma_wait3A_201 : memref<1x125xi32, #tpu.memory_space<vmem>> -> memref<125xi32, #tpu.memory_space<vmem>>
      %dma_wait3A_203 = arith.constant 0 : i32
      %dma_wait3A_204 = arith.constant 0 : i32
      %dma_wait3A_205 = tpu.memref_slice %arg17[%dma_wait3A_203, %dma_wait3A_204] : memref<10000x48xf32, #tpu.memory_space<vmem_shared>> -> memref<10000x48xf32, #tpu.memory_space<vmem_shared>>
      tpu.wait_indirect_dma semaphore(%arg28 : memref<!tpu.dma_semaphore, #tpu.memory_space<semaphore_mem>>) src(%arg11 : memref<125x48xf32, #tpu.memory_space<vmem>>) dst(%dma_wait3A_205 : memref<10000x48xf32, #tpu.memory_space<vmem_shared>>)
      %lt3A_206 = arith.constant 9 : i32
      %lt3A_207 = arith.cmpi slt, %scan3A_69, %lt3A_206 : i32
      %convert_element_type3A_208 = arith.extui %lt3A_207 : i1 to i32
      %cond3A_209 = arith.constant 0 : i32
      %cond3A_210 = arith.cmpi ne, %convert_element_type3A_208, %cond3A_209 : i32
      scf.if %cond3A_210 {
        %add3A_299 = arith.constant 6 : i32
        %add3A_300 = arith.addi %add3A_185, %add3A_299 : i32
        %dma_start3A_301 = arith.constant 0 : i32
        %dma_start3A_302 = tpu.memref_slice %arg7[%add3A_300, %dma_start3A_301] : memref<80x125xi32, #tpu.memory_space<vmem>> -> memref<1x125xi32, #tpu.memory_space<vmem>>
        %dma_start3A_303 = tpu.memref_squeeze %dma_start3A_302 : memref<1x125xi32, #tpu.memory_space<vmem>> -> memref<125xi32, #tpu.memory_space<vmem>>
        %dma_start3A_304 = arith.constant 0 : i32
        %dma_start3A_305 = arith.constant 0 : i32
        %dma_start3A_306 = tpu.memref_slice %arg2[%dma_start3A_304, %dma_start3A_305] : memref<10000x48xf32, #tpu.memory_space<hbm>> -> memref<10000x48xf32, #tpu.memory_space<hbm>>
        tpu.enqueue_indirect_dma source(%dma_start3A_306 : memref<10000x48xf32, #tpu.memory_space<hbm>>) target(%arg11 : memref<125x48xf32, #tpu.memory_space<vmem>>) offsets(%dma_start3A_303 : memref<125xi32, #tpu.memory_space<vmem>>) semaphore(%arg20 : memref<!tpu.dma_semaphore, #tpu.memory_space<semaphore_mem>>)
      } else {
      }
      %mul3A_211 = arith.constant 8 : i32
      %mul3A_212 = arith.muli %mul3A_211, %scan3A_69 : i32
      %add3A_213 = arith.constant 5 : i32
      %add3A_214 = arith.addi %mul3A_212, %add3A_213 : i32
      %dma_wait3A_215 = arith.constant 0 : i32
      %dma_wait3A_216 = tpu.memref_slice %arg7[%add3A_214, %dma_wait3A_215] : memref<80x125xi32, #tpu.memory_space<vmem>> -> memref<1x125xi32, #tpu.memory_space<vmem>>
      %dma_wait3A_217 = tpu.memref_squeeze %dma_wait3A_216 : memref<1x125xi32, #tpu.memory_space<vmem>> -> memref<125xi32, #tpu.memory_space<vmem>>
      %dma_wait3A_218 = arith.constant 0 : i32
      %dma_wait3A_219 = arith.constant 0 : i32
      %dma_wait3A_220 = tpu.memref_slice %arg2[%dma_wait3A_218, %dma_wait3A_219] : memref<10000x48xf32, #tpu.memory_space<hbm>> -> memref<10000x48xf32, #tpu.memory_space<hbm>>
      tpu.wait_indirect_dma semaphore(%arg23 : memref<!tpu.dma_semaphore, #tpu.memory_space<semaphore_mem>>) src(%dma_wait3A_220 : memref<10000x48xf32, #tpu.memory_space<hbm>>) dst(%arg14 : memref<125x48xf32, #tpu.memory_space<vmem>>)
      %dma_start3A_221 = arith.constant 0 : i32
      %dma_start3A_222 = tpu.memref_slice %arg8[%add3A_214, %dma_start3A_221] : memref<80x125xi32, #tpu.memory_space<vmem>> -> memref<1x125xi32, #tpu.memory_space<vmem>>
      %dma_start3A_223 = tpu.memref_squeeze %dma_start3A_222 : memref<1x125xi32, #tpu.memory_space<vmem>> -> memref<125xi32, #tpu.memory_space<vmem>>
      %dma_start3A_224 = arith.constant 0 : i32
      %dma_start3A_225 = arith.constant 0 : i32
      %dma_start3A_226 = tpu.memref_slice %arg17[%dma_start3A_224, %dma_start3A_225] : memref<10000x48xf32, #tpu.memory_space<vmem_shared>> -> memref<10000x48xf32, #tpu.memory_space<vmem_shared>>
      tpu.enqueue_indirect_dma source(%arg14 : memref<125x48xf32, #tpu.memory_space<vmem>>) target(%dma_start3A_226 : memref<10000x48xf32, #tpu.memory_space<vmem_shared>>) offsets(%dma_start3A_223 : memref<125xi32, #tpu.memory_space<vmem>>) semaphore(%arg31 : memref<!tpu.dma_semaphore, #tpu.memory_space<semaphore_mem>>) {add = true}
      %sub3A_227 = arith.constant 2 : i32
      %sub3A_228 = arith.subi %add3A_214, %sub3A_227 : i32
      %dma_wait3A_229 = arith.constant 0 : i32
      %dma_wait3A_230 = tpu.memref_slice %arg8[%sub3A_228, %dma_wait3A_229] : memref<80x125xi32, #tpu.memory_space<vmem>> -> memref<1x125xi32, #tpu.memory_space<vmem>>
      %dma_wait3A_231 = tpu.memref_squeeze %dma_wait3A_230 : memref<1x125xi32, #tpu.memory_space<vmem>> -> memref<125xi32, #tpu.memory_space<vmem>>
      %dma_wait3A_232 = arith.constant 0 : i32
      %dma_wait3A_233 = arith.constant 0 : i32
      %dma_wait3A_234 = tpu.memref_slice %arg17[%dma_wait3A_232, %dma_wait3A_233] : memref<10000x48xf32, #tpu.memory_space<vmem_shared>> -> memref<10000x48xf32, #tpu.memory_space<vmem_shared>>
      tpu.wait_indirect_dma semaphore(%arg29 : memref<!tpu.dma_semaphore, #tpu.memory_space<semaphore_mem>>) src(%arg12 : memref<125x48xf32, #tpu.memory_space<vmem>>) dst(%dma_wait3A_234 : memref<10000x48xf32, #tpu.memory_space<vmem_shared>>)
      %lt3A_235 = arith.constant 9 : i32
      %lt3A_236 = arith.cmpi slt, %scan3A_69, %lt3A_235 : i32
      %convert_element_type3A_237 = arith.extui %lt3A_236 : i1 to i32
      %cond3A_238 = arith.constant 0 : i32
      %cond3A_239 = arith.cmpi ne, %convert_element_type3A_237, %cond3A_238 : i32
      scf.if %cond3A_239 {
        %add3A_299 = arith.constant 6 : i32
        %add3A_300 = arith.addi %add3A_214, %add3A_299 : i32
        %dma_start3A_301 = arith.constant 0 : i32
        %dma_start3A_302 = tpu.memref_slice %arg7[%add3A_300, %dma_start3A_301] : memref<80x125xi32, #tpu.memory_space<vmem>> -> memref<1x125xi32, #tpu.memory_space<vmem>>
        %dma_start3A_303 = tpu.memref_squeeze %dma_start3A_302 : memref<1x125xi32, #tpu.memory_space<vmem>> -> memref<125xi32, #tpu.memory_space<vmem>>
        %dma_start3A_304 = arith.constant 0 : i32
        %dma_start3A_305 = arith.constant 0 : i32
        %dma_start3A_306 = tpu.memref_slice %arg2[%dma_start3A_304, %dma_start3A_305] : memref<10000x48xf32, #tpu.memory_space<hbm>> -> memref<10000x48xf32, #tpu.memory_space<hbm>>
        tpu.enqueue_indirect_dma source(%dma_start3A_306 : memref<10000x48xf32, #tpu.memory_space<hbm>>) target(%arg12 : memref<125x48xf32, #tpu.memory_space<vmem>>) offsets(%dma_start3A_303 : memref<125xi32, #tpu.memory_space<vmem>>) semaphore(%arg21 : memref<!tpu.dma_semaphore, #tpu.memory_space<semaphore_mem>>)
      } else {
      }
      %mul3A_240 = arith.constant 8 : i32
      %mul3A_241 = arith.muli %mul3A_240, %scan3A_69 : i32
      %add3A_242 = arith.constant 6 : i32
      %add3A_243 = arith.addi %mul3A_241, %add3A_242 : i32
      %dma_wait3A_244 = arith.constant 0 : i32
      %dma_wait3A_245 = tpu.memref_slice %arg7[%add3A_243, %dma_wait3A_244] : memref<80x125xi32, #tpu.memory_space<vmem>> -> memref<1x125xi32, #tpu.memory_space<vmem>>
      %dma_wait3A_246 = tpu.memref_squeeze %dma_wait3A_245 : memref<1x125xi32, #tpu.memory_space<vmem>> -> memref<125xi32, #tpu.memory_space<vmem>>
      %dma_wait3A_247 = arith.constant 0 : i32
      %dma_wait3A_248 = arith.constant 0 : i32
      %dma_wait3A_249 = tpu.memref_slice %arg2[%dma_wait3A_247, %dma_wait3A_248] : memref<10000x48xf32, #tpu.memory_space<hbm>> -> memref<10000x48xf32, #tpu.memory_space<hbm>>
      tpu.wait_indirect_dma semaphore(%arg24 : memref<!tpu.dma_semaphore, #tpu.memory_space<semaphore_mem>>) src(%dma_wait3A_249 : memref<10000x48xf32, #tpu.memory_space<hbm>>) dst(%arg15 : memref<125x48xf32, #tpu.memory_space<vmem>>)
      %dma_start3A_250 = arith.constant 0 : i32
      %dma_start3A_251 = tpu.memref_slice %arg8[%add3A_243, %dma_start3A_250] : memref<80x125xi32, #tpu.memory_space<vmem>> -> memref<1x125xi32, #tpu.memory_space<vmem>>
      %dma_start3A_252 = tpu.memref_squeeze %dma_start3A_251 : memref<1x125xi32, #tpu.memory_space<vmem>> -> memref<125xi32, #tpu.memory_space<vmem>>
      %dma_start3A_253 = arith.constant 0 : i32
      %dma_start3A_254 = arith.constant 0 : i32
      %dma_start3A_255 = tpu.memref_slice %arg17[%dma_start3A_253, %dma_start3A_254] : memref<10000x48xf32, #tpu.memory_space<vmem_shared>> -> memref<10000x48xf32, #tpu.memory_space<vmem_shared>>
      tpu.enqueue_indirect_dma source(%arg15 : memref<125x48xf32, #tpu.memory_space<vmem>>) target(%dma_start3A_255 : memref<10000x48xf32, #tpu.memory_space<vmem_shared>>) offsets(%dma_start3A_252 : memref<125xi32, #tpu.memory_space<vmem>>) semaphore(%arg32 : memref<!tpu.dma_semaphore, #tpu.memory_space<semaphore_mem>>) {add = true}
      %sub3A_256 = arith.constant 2 : i32
      %sub3A_257 = arith.subi %add3A_243, %sub3A_256 : i32
      %dma_wait3A_258 = arith.constant 0 : i32
      %dma_wait3A_259 = tpu.memref_slice %arg8[%sub3A_257, %dma_wait3A_258] : memref<80x125xi32, #tpu.memory_space<vmem>> -> memref<1x125xi32, #tpu.memory_space<vmem>>
      %dma_wait3A_260 = tpu.memref_squeeze %dma_wait3A_259 : memref<1x125xi32, #tpu.memory_space<vmem>> -> memref<125xi32, #tpu.memory_space<vmem>>
      %dma_wait3A_261 = arith.constant 0 : i32
      %dma_wait3A_262 = arith.constant 0 : i32
      %dma_wait3A_263 = tpu.memref_slice %arg17[%dma_wait3A_261, %dma_wait3A_262] : memref<10000x48xf32, #tpu.memory_space<vmem_shared>> -> memref<10000x48xf32, #tpu.memory_space<vmem_shared>>
      tpu.wait_indirect_dma semaphore(%arg30 : memref<!tpu.dma_semaphore, #tpu.memory_space<semaphore_mem>>) src(%arg13 : memref<125x48xf32, #tpu.memory_space<vmem>>) dst(%dma_wait3A_263 : memref<10000x48xf32, #tpu.memory_space<vmem_shared>>)
      %lt3A_264 = arith.constant 9 : i32
      %lt3A_265 = arith.cmpi slt, %scan3A_69, %lt3A_264 : i32
      %convert_element_type3A_266 = arith.extui %lt3A_265 : i1 to i32
      %cond3A_267 = arith.constant 0 : i32
      %cond3A_268 = arith.cmpi ne, %convert_element_type3A_266, %cond3A_267 : i32
      scf.if %cond3A_268 {
        %add3A_299 = arith.constant 6 : i32
        %add3A_300 = arith.addi %add3A_243, %add3A_299 : i32
        %dma_start3A_301 = arith.constant 0 : i32
        %dma_start3A_302 = tpu.memref_slice %arg7[%add3A_300, %dma_start3A_301] : memref<80x125xi32, #tpu.memory_space<vmem>> -> memref<1x125xi32, #tpu.memory_space<vmem>>
        %dma_start3A_303 = tpu.memref_squeeze %dma_start3A_302 : memref<1x125xi32, #tpu.memory_space<vmem>> -> memref<125xi32, #tpu.memory_space<vmem>>
        %dma_start3A_304 = arith.constant 0 : i32
        %dma_start3A_305 = arith.constant 0 : i32
        %dma_start3A_306 = tpu.memref_slice %arg2[%dma_start3A_304, %dma_start3A_305] : memref<10000x48xf32, #tpu.memory_space<hbm>> -> memref<10000x48xf32, #tpu.memory_space<hbm>>
        tpu.enqueue_indirect_dma source(%dma_start3A_306 : memref<10000x48xf32, #tpu.memory_space<hbm>>) target(%arg13 : memref<125x48xf32, #tpu.memory_space<vmem>>) offsets(%dma_start3A_303 : memref<125xi32, #tpu.memory_space<vmem>>) semaphore(%arg22 : memref<!tpu.dma_semaphore, #tpu.memory_space<semaphore_mem>>)
      } else {
      }
      %mul3A_269 = arith.constant 8 : i32
      %mul3A_270 = arith.muli %mul3A_269, %scan3A_69 : i32
      %add3A_271 = arith.constant 7 : i32
      %add3A_272 = arith.addi %mul3A_270, %add3A_271 : i32
      %dma_wait3A_273 = arith.constant 0 : i32
      %dma_wait3A_274 = tpu.memref_slice %arg7[%add3A_272, %dma_wait3A_273] : memref<80x125xi32, #tpu.memory_space<vmem>> -> memref<1x125xi32, #tpu.memory_space<vmem>>
      %dma_wait3A_275 = tpu.memref_squeeze %dma_wait3A_274 : memref<1x125xi32, #tpu.memory_space<vmem>> -> memref<125xi32, #tpu.memory_space<vmem>>
      %dma_wait3A_276 = arith.constant 0 : i32
      %dma_wait3A_277 = arith.constant 0 : i32
      %dma_wait3A_278 = tpu.memref_slice %arg2[%dma_wait3A_276, %dma_wait3A_277] : memref<10000x48xf32, #tpu.memory_space<hbm>> -> memref<10000x48xf32, #tpu.memory_space<hbm>>
      tpu.wait_indirect_dma semaphore(%arg25 : memref<!tpu.dma_semaphore, #tpu.memory_space<semaphore_mem>>) src(%dma_wait3A_278 : memref<10000x48xf32, #tpu.memory_space<hbm>>) dst(%arg16 : memref<125x48xf32, #tpu.memory_space<vmem>>)
      %dma_start3A_279 = arith.constant 0 : i32
      %dma_start3A_280 = tpu.memref_slice %arg8[%add3A_272, %dma_start3A_279] : memref<80x125xi32, #tpu.memory_space<vmem>> -> memref<1x125xi32, #tpu.memory_space<vmem>>
      %dma_start3A_281 = tpu.memref_squeeze %dma_start3A_280 : memref<1x125xi32, #tpu.memory_space<vmem>> -> memref<125xi32, #tpu.memory_space<vmem>>
      %dma_start3A_282 = arith.constant 0 : i32
      %dma_start3A_283 = arith.constant 0 : i32
      %dma_start3A_284 = tpu.memref_slice %arg17[%dma_start3A_282, %dma_start3A_283] : memref<10000x48xf32, #tpu.memory_space<vmem_shared>> -> memref<10000x48xf32, #tpu.memory_space<vmem_shared>>
      tpu.enqueue_indirect_dma source(%arg16 : memref<125x48xf32, #tpu.memory_space<vmem>>) target(%dma_start3A_284 : memref<10000x48xf32, #tpu.memory_space<vmem_shared>>) offsets(%dma_start3A_281 : memref<125xi32, #tpu.memory_space<vmem>>) semaphore(%arg33 : memref<!tpu.dma_semaphore, #tpu.memory_space<semaphore_mem>>) {add = true}
      %sub3A_285 = arith.constant 2 : i32
      %sub3A_286 = arith.subi %add3A_272, %sub3A_285 : i32
      %dma_wait3A_287 = arith.constant 0 : i32
      %dma_wait3A_288 = tpu.memref_slice %arg8[%sub3A_286, %dma_wait3A_287] : memref<80x125xi32, #tpu.memory_space<vmem>> -> memref<1x125xi32, #tpu.memory_space<vmem>>
      %dma_wait3A_289 = tpu.memref_squeeze %dma_wait3A_288 : memref<1x125xi32, #tpu.memory_space<vmem>> -> memref<125xi32, #tpu.memory_space<vmem>>
      %dma_wait3A_290 = arith.constant 0 : i32
      %dma_wait3A_291 = arith.constant 0 : i32
      %dma_wait3A_292 = tpu.memref_slice %arg17[%dma_wait3A_290, %dma_wait3A_291] : memref<10000x48xf32, #tpu.memory_space<vmem_shared>> -> memref<10000x48xf32, #tpu.memory_space<vmem_shared>>
      tpu.wait_indirect_dma semaphore(%arg31 : memref<!tpu.dma_semaphore, #tpu.memory_space<semaphore_mem>>) src(%arg14 : memref<125x48xf32, #tpu.memory_space<vmem>>) dst(%dma_wait3A_292 : memref<10000x48xf32, #tpu.memory_space<vmem_shared>>)
      %lt3A_293 = arith.constant 9 : i32
      %lt3A_294 = arith.cmpi slt, %scan3A_69, %lt3A_293 : i32
      %convert_element_type3A_295 = arith.extui %lt3A_294 : i1 to i32
      %cond3A_296 = arith.constant 0 : i32
      %cond3A_297 = arith.cmpi ne, %convert_element_type3A_295, %cond3A_296 : i32
      scf.if %cond3A_297 {
        %add3A_299 = arith.constant 6 : i32
        %add3A_300 = arith.addi %add3A_272, %add3A_299 : i32
        %dma_start3A_301 = arith.constant 0 : i32
        %dma_start3A_302 = tpu.memref_slice %arg7[%add3A_300, %dma_start3A_301] : memref<80x125xi32, #tpu.memory_space<vmem>> -> memref<1x125xi32, #tpu.memory_space<vmem>>
        %dma_start3A_303 = tpu.memref_squeeze %dma_start3A_302 : memref<1x125xi32, #tpu.memory_space<vmem>> -> memref<125xi32, #tpu.memory_space<vmem>>
        %dma_start3A_304 = arith.constant 0 : i32
        %dma_start3A_305 = arith.constant 0 : i32
        %dma_start3A_306 = tpu.memref_slice %arg2[%dma_start3A_304, %dma_start3A_305] : memref<10000x48xf32, #tpu.memory_space<hbm>> -> memref<10000x48xf32, #tpu.memory_space<hbm>>
        tpu.enqueue_indirect_dma source(%dma_start3A_306 : memref<10000x48xf32, #tpu.memory_space<hbm>>) target(%arg14 : memref<125x48xf32, #tpu.memory_space<vmem>>) offsets(%dma_start3A_303 : memref<125xi32, #tpu.memory_space<vmem>>) semaphore(%arg23 : memref<!tpu.dma_semaphore, #tpu.memory_space<semaphore_mem>>)
      } else {
      }
      %scan3A_298 = arith.constant 0 : i32
      scf.yield %scan3A_298 : i32
    }
    %scan3A_50 = arith.constant 10 : i32
    %dma_wait3A = arith.constant 78 : i32
    %dma_wait3A_51 = arith.constant 0 : i32
    %dma_wait3A_52 = tpu.memref_slice %arg8[%dma_wait3A, %dma_wait3A_51] : memref<80x125xi32, #tpu.memory_space<vmem>> -> memref<1x125xi32, #tpu.memory_space<vmem>>
    %dma_wait3A_53 = tpu.memref_squeeze %dma_wait3A_52 : memref<1x125xi32, #tpu.memory_space<vmem>> -> memref<125xi32, #tpu.memory_space<vmem>>
    %dma_wait3A_54 = arith.constant 0 : i32
    %dma_wait3A_55 = arith.constant 0 : i32
    %dma_wait3A_56 = tpu.memref_slice %arg17[%dma_wait3A_54, %dma_wait3A_55] : memref<10000x48xf32, #tpu.memory_space<vmem_shared>> -> memref<10000x48xf32, #tpu.memory_space<vmem_shared>>
    tpu.wait_indirect_dma semaphore(%arg32 : memref<!tpu.dma_semaphore, #tpu.memory_space<semaphore_mem>>) src(%arg15 : memref<125x48xf32, #tpu.memory_space<vmem>>) dst(%dma_wait3A_56 : memref<10000x48xf32, #tpu.memory_space<vmem_shared>>)
    %dma_wait3A_57 = arith.constant 79 : i32
    %dma_wait3A_58 = arith.constant 0 : i32
    %dma_wait3A_59 = tpu.memref_slice %arg8[%dma_wait3A_57, %dma_wait3A_58] : memref<80x125xi32, #tpu.memory_space<vmem>> -> memref<1x125xi32, #tpu.memory_space<vmem>>
    %dma_wait3A_60 = tpu.memref_squeeze %dma_wait3A_59 : memref<1x125xi32, #tpu.memory_space<vmem>> -> memref<125xi32, #tpu.memory_space<vmem>>
    %dma_wait3A_61 = arith.constant 0 : i32
    %dma_wait3A_62 = arith.constant 0 : i32
    %dma_wait3A_63 = tpu.memref_slice %arg17[%dma_wait3A_61, %dma_wait3A_62] : memref<10000x48xf32, #tpu.memory_space<vmem_shared>> -> memref<10000x48xf32, #tpu.memory_space<vmem_shared>>
    tpu.wait_indirect_dma semaphore(%arg33 : memref<!tpu.dma_semaphore, #tpu.memory_space<semaphore_mem>>) src(%arg16 : memref<125x48xf32, #tpu.memory_space<vmem>>) dst(%dma_wait3A_63 : memref<10000x48xf32, #tpu.memory_space<vmem_shared>>)
    %barrier3A_64 = arith.constant 0 : index
    tpu.barrier barrier_id(%barrier3A_64)
    %mul3A_65 = arith.constant 625 : i32
    %mul3A_66 = arith.muli %arg1, %mul3A_65 : i32
    %mul3A_67 = arith.constant 625 : i32
    %mul3A_68 = arith.muli %arg1, %mul3A_67 : i32
    "tpu.region"() ({
      %run_scoped3A_69 = tpu.sem_alloc : memref<!tpu.dma_semaphore, #tpu.memory_space<semaphore_mem>>
      %dma_start3A_70 = arith.constant 0 : i32
      %dma_start3A_71 = tpu.memref_slice %arg6[%arg0, %mul3A_68, %dma_start3A_70] : memref<2x10000x48xf32, #tpu.memory_space<hbm>> -> memref<1x625x48xf32, #tpu.memory_space<hbm>>
      %dma_start3A_72 = tpu.memref_squeeze %dma_start3A_71 : memref<1x625x48xf32, #tpu.memory_space<hbm>> -> memref<625x48xf32, #tpu.memory_space<hbm>>
      %dma_start3A_73 = arith.constant 0 : i32
      %dma_start3A_74 = tpu.memref_slice %arg17[%mul3A_66, %dma_start3A_73] : memref<10000x48xf32, #tpu.memory_space<vmem_shared>> -> memref<625x48xf32, #tpu.memory_space<vmem_shared>>
      tpu.enqueue_dma source(%dma_start3A_74 : memref<625x48xf32, #tpu.memory_space<vmem_shared>>) target(%dma_start3A_72 : memref<625x48xf32, #tpu.memory_space<hbm>>) target_semaphore(%run_scoped3A_69 : memref<!tpu.dma_semaphore, #tpu.memory_space<semaphore_mem>>)
      %dma_wait3A_75 = arith.constant 0 : i32
      %dma_wait3A_76 = tpu.memref_slice %arg6[%arg0, %mul3A_68, %dma_wait3A_75] : memref<2x10000x48xf32, #tpu.memory_space<hbm>> -> memref<1x625x48xf32, #tpu.memory_space<hbm>>
      %dma_wait3A_77 = tpu.memref_squeeze %dma_wait3A_76 : memref<1x625x48xf32, #tpu.memory_space<hbm>> -> memref<625x48xf32, #tpu.memory_space<hbm>>
      %dma_wait3A_78 = arith.constant 0 : i32
      %dma_wait3A_79 = tpu.memref_slice %arg17[%mul3A_66, %dma_wait3A_78] : memref<10000x48xf32, #tpu.memory_space<vmem_shared>> -> memref<625x48xf32, #tpu.memory_space<vmem_shared>>
      tpu.wait_dma2 semaphore(%run_scoped3A_69 : memref<!tpu.dma_semaphore, #tpu.memory_space<semaphore_mem>>) src(%dma_wait3A_79 : memref<625x48xf32, #tpu.memory_space<vmem_shared>>) dst(%dma_wait3A_77 : memref<625x48xf32, #tpu.memory_space<hbm>>)
      tpu.yield
    }) : () -> ()
    return
  }
}

#map = affine_map<(d0, d1) -> (0)>
#map1 = affine_map<(d0, d1) -> (0, 0)>
module attributes {stable_mosaic.version = 14 : i64} {
  func.func @_deg_body(%arg0: i32, %arg1: i32, %arg2: memref<320000xi32, #tpu.memory_space<hbm>>, %arg3: memref<32x10000xf32, #tpu.memory_space<hbm>>, %arg4: memref<10000xi32, #tpu.memory_space<vmem>>, %arg5: memref<10000xf32, #tpu.memory_space<vmem>>) attributes {dimension_semantics = [#tpu.dimension_semantics<core_parallel>, #tpu.dimension_semantics<subcore_parallel>], iteration_bounds = array<i64: 2, 16>, scalar_prefetch = 0 : i64, scratch_operands = 2 : i64, tpu.core_type = #tpu.core_type<sc_vector_subcore>, window_params = [{transform_indices = #map}, {transform_indices = #map1}]} {
    %mul3A = arith.constant 2 : i32
    %mul3A_0 = arith.muli %arg1, %mul3A : i32
    %add3A = arith.addi %mul3A_0, %arg0 : i32
    %mul3A_1 = arith.constant 10000 : i32
    %mul3A_2 = arith.muli %add3A, %mul3A_1 : i32
    "tpu.region"() ({
      %run_scoped3A = tpu.sem_alloc : memref<!tpu.dma_semaphore, #tpu.memory_space<semaphore_mem>>
      %dma_start3A = tpu.memref_slice %arg2[%mul3A_2] : memref<320000xi32, #tpu.memory_space<hbm>> -> memref<10000xi32, #tpu.memory_space<hbm>>
      %dma_start3A_19 = tpu.memref_slice %arg2[%mul3A_2] : memref<320000xi32, #tpu.memory_space<hbm>> -> memref<10000xi32, #tpu.memory_space<hbm>>
      tpu.enqueue_dma source(%dma_start3A_19 : memref<10000xi32, #tpu.memory_space<hbm>>) target(%arg4 : memref<10000xi32, #tpu.memory_space<vmem>>) target_semaphore(%run_scoped3A : memref<!tpu.dma_semaphore, #tpu.memory_space<semaphore_mem>>)
      %dma_wait3A = tpu.memref_slice %arg2[%mul3A_2] : memref<320000xi32, #tpu.memory_space<hbm>> -> memref<10000xi32, #tpu.memory_space<hbm>>
      %dma_wait3A_20 = tpu.memref_slice %arg2[%mul3A_2] : memref<320000xi32, #tpu.memory_space<hbm>> -> memref<10000xi32, #tpu.memory_space<hbm>>
      tpu.wait_dma2 semaphore(%run_scoped3A : memref<!tpu.dma_semaphore, #tpu.memory_space<semaphore_mem>>) src(%dma_wait3A_20 : memref<10000xi32, #tpu.memory_space<hbm>>) dst(%arg4 : memref<10000xi32, #tpu.memory_space<vmem>>)
      tpu.yield
    }) : () -> ()
    %broadcast_in_dim3A = arith.constant 0.000000e+00 : f32
    %broadcast_in_dim3A_3 = vector.broadcast %broadcast_in_dim3A : f32 to vector<16xf32>
    %scan3A = arith.constant 0 : i32
    %scan3A_4 = arith.constant 0 : i32
    %scan3A_5 = arith.constant 625 : i32
    %scan3A_6 = arith.addi %scan3A_4, %scan3A_5 : i32
    %scan3A_7 = arith.constant 1 : i32
    %scan3A_8 = scf.for %scan3A_19 = %scan3A_4 to %scan3A_6 step %scan3A_7 iter_args(%scan3A_20 = %scan3A) -> (i32)  : i32 {
      %mul3A_21 = arith.constant 16 : i32
      %mul3A_22 = arith.muli %scan3A_19, %mul3A_21 : i32
      %swap3A = arith.index_cast %mul3A_22 : i32 to index
      %swap3A_23 = tpu.vector_load %arg5[%swap3A] {strides = array<i32>} : memref<10000xf32, #tpu.memory_space<vmem>>, vector<16xf32>,
      tpu.vector_store %arg5[%swap3A], %broadcast_in_dim3A_3 {strides = array<i32>} : memref<10000xf32, #tpu.memory_space<vmem>>, vector<16xf32>,
      %scan3A_24 = arith.constant 0 : i32
      scf.yield %scan3A_24 : i32
    }
    %scan3A_9 = arith.constant 625 : i32
    %broadcast_in_dim3A_10 = arith.constant 1.000000e+00 : f32
    %broadcast_in_dim3A_11 = vector.broadcast %broadcast_in_dim3A_10 : f32 to vector<16xf32>
    %scan3A_12 = arith.constant 0 : i32
    %scan3A_13 = arith.constant 0 : i32
    %scan3A_14 = arith.constant 625 : i32
    %scan3A_15 = arith.addi %scan3A_13, %scan3A_14 : i32
    %scan3A_16 = arith.constant 1 : i32
    %scan3A_17 = scf.for %scan3A_19 = %scan3A_13 to %scan3A_15 step %scan3A_16 iter_args(%scan3A_20 = %scan3A_12) -> (i32)  : i32 {
      %mul3A_21 = arith.constant 16 : i32
      %mul3A_22 = arith.muli %scan3A_19, %mul3A_21 : i32
      %get3A = arith.index_cast %mul3A_22 : i32 to index
      %get3A_23 = tpu.vector_load %arg4[%get3A] {strides = array<i32>} : memref<10000xi32, #tpu.memory_space<vmem>>, vector<16xi32>,
      tpu.vector_store_idx %arg5[%get3A_23], %broadcast_in_dim3A_11 {add = true} : memref<10000xf32, #tpu.memory_space<vmem>>[vector<16xi32>], vector<16xf32>,
      %scan3A_24 = arith.constant 0 : i32
      scf.yield %scan3A_24 : i32
    }
    %scan3A_18 = arith.constant 625 : i32
    "tpu.region"() ({
      %run_scoped3A = tpu.sem_alloc : memref<!tpu.dma_semaphore, #tpu.memory_space<semaphore_mem>>
      %dma_start3A = arith.constant 0 : i32
      %dma_start3A_19 = tpu.memref_slice %arg3[%add3A, %dma_start3A] : memref<32x10000xf32, #tpu.memory_space<hbm>> -> memref<1x10000xf32, #tpu.memory_space<hbm>>
      %dma_start3A_20 = tpu.memref_squeeze %dma_start3A_19 : memref<1x10000xf32, #tpu.memory_space<hbm>> -> memref<10000xf32, #tpu.memory_space<hbm>>
      %dma_start3A_21 = arith.constant 0 : i32
      %dma_start3A_22 = tpu.memref_slice %arg3[%add3A, %dma_start3A_21] : memref<32x10000xf32, #tpu.memory_space<hbm>> -> memref<1x10000xf32, #tpu.memory_space<hbm>>
      %dma_start3A_23 = tpu.memref_squeeze %dma_start3A_22 : memref<1x10000xf32, #tpu.memory_space<hbm>> -> memref<10000xf32, #tpu.memory_space<hbm>>
      tpu.enqueue_dma source(%arg5 : memref<10000xf32, #tpu.memory_space<vmem>>) target(%dma_start3A_23 : memref<10000xf32, #tpu.memory_space<hbm>>) target_semaphore(%run_scoped3A : memref<!tpu.dma_semaphore, #tpu.memory_space<semaphore_mem>>)
      %dma_wait3A = arith.constant 0 : i32
      %dma_wait3A_24 = tpu.memref_slice %arg3[%add3A, %dma_wait3A] : memref<32x10000xf32, #tpu.memory_space<hbm>> -> memref<1x10000xf32, #tpu.memory_space<hbm>>
      %dma_wait3A_25 = tpu.memref_squeeze %dma_wait3A_24 : memref<1x10000xf32, #tpu.memory_space<hbm>> -> memref<10000xf32, #tpu.memory_space<hbm>>
      %dma_wait3A_26 = arith.constant 0 : i32
      %dma_wait3A_27 = tpu.memref_slice %arg3[%add3A, %dma_wait3A_26] : memref<32x10000xf32, #tpu.memory_space<hbm>> -> memref<1x10000xf32, #tpu.memory_space<hbm>>
      %dma_wait3A_28 = tpu.memref_squeeze %dma_wait3A_27 : memref<1x10000xf32, #tpu.memory_space<hbm>> -> memref<10000xf32, #tpu.memory_space<hbm>>
      tpu.wait_dma2 semaphore(%run_scoped3A : memref<!tpu.dma_semaphore, #tpu.memory_space<semaphore_mem>>) src(%arg5 : memref<10000xf32, #tpu.memory_space<vmem>>) dst(%dma_wait3A_28 : memref<10000xf32, #tpu.memory_space<hbm>>)
      tpu.yield
    }) : () -> ()
    return
  }
}

#map = affine_map<(d0, d1) -> (0, 0)>
#map1 = affine_map<(d0, d1) -> (0, 0, 0, 0, 0)>
#map2 = affine_map<(d0, d1) -> (0, 0, 0, 0)>
#map3 = affine_map<(d0, d1) -> (0, 0, 0)>
module attributes {stable_mosaic.version = 14 : i64} {
  func.func @_agg_body(%arg0: i32, %arg1: i32, %arg2: memref<20000x64xf32, #tpu.memory_space<hbm>>, %arg3: memref<2x16x2x80x125xi32, #tpu.memory_space<hbm>>, %arg4: memref<16x2x80x125xi32, #tpu.memory_space<hbm>>, %arg5: memref<625x64xf32, #tpu.memory_space<hbm>>, %arg6: memref<2x10000x64xf32, #tpu.memory_space<hbm>>, %arg7: memref<80x125xi32, #tpu.memory_space<vmem>>, %arg8: memref<80x125xi32, #tpu.memory_space<vmem>>, %arg9: memref<125x64xf32, #tpu.memory_space<vmem>>, %arg10: memref<125x64xf32, #tpu.memory_space<vmem>>, %arg11: memref<125x64xf32, #tpu.memory_space<vmem>>, %arg12: memref<125x64xf32, #tpu.memory_space<vmem>>, %arg13: memref<125x64xf32, #tpu.memory_space<vmem>>, %arg14: memref<125x64xf32, #tpu.memory_space<vmem>>, %arg15: memref<125x64xf32, #tpu.memory_space<vmem>>, %arg16: memref<125x64xf32, #tpu.memory_space<vmem>>, %arg17: memref<10000x64xf32, #tpu.memory_space<vmem_shared>>, %arg18: memref<!tpu.dma_semaphore, #tpu.memory_space<semaphore_mem>>, %arg19: memref<!tpu.dma_semaphore, #tpu.memory_space<semaphore_mem>>, %arg20: memref<!tpu.dma_semaphore, #tpu.memory_space<semaphore_mem>>, %arg21: memref<!tpu.dma_semaphore, #tpu.memory_space<semaphore_mem>>, %arg22: memref<!tpu.dma_semaphore, #tpu.memory_space<semaphore_mem>>, %arg23: memref<!tpu.dma_semaphore, #tpu.memory_space<semaphore_mem>>, %arg24: memref<!tpu.dma_semaphore, #tpu.memory_space<semaphore_mem>>, %arg25: memref<!tpu.dma_semaphore, #tpu.memory_space<semaphore_mem>>, %arg26: memref<!tpu.dma_semaphore, #tpu.memory_space<semaphore_mem>>, %arg27: memref<!tpu.dma_semaphore, #tpu.memory_space<semaphore_mem>>, %arg28: memref<!tpu.dma_semaphore, #tpu.memory_space<semaphore_mem>>, %arg29: memref<!tpu.dma_semaphore, #tpu.memory_space<semaphore_mem>>, %arg30: memref<!tpu.dma_semaphore, #tpu.memory_space<semaphore_mem>>, %arg31: memref<!tpu.dma_semaphore, #tpu.memory_space<semaphore_mem>>, %arg32: memref<!tpu.dma_semaphore, #tpu.memory_space<semaphore_mem>>, %arg33: memref<!tpu.dma_semaphore, #tpu.memory_space<semaphore_mem>>) attributes {dimension_semantics = [#tpu.dimension_semantics<core_parallel>, #tpu.dimension_semantics<subcore_parallel>], iteration_bounds = array<i64: 2, 16>, scalar_prefetch = 0 : i64, scratch_operands = 27 : i64, tpu.core_type = #tpu.core_type<sc_vector_subcore>, window_params = [{transform_indices = #map}, {transform_indices = #map1}, {transform_indices = #map2}, {transform_indices = #map}, {transform_indices = #map3}]} {
    %mul3A = arith.constant 2 : i32
    %mul3A_0 = arith.muli %arg1, %mul3A : i32
    %add3A = arith.addi %mul3A_0, %arg0 : i32
    %mul3A_1 = arith.constant 625 : i32
    %mul3A_2 = arith.muli %arg1, %mul3A_1 : i32
    "tpu.region"() ({
      %run_scoped3A_134 = tpu.sem_alloc : memref<!tpu.dma_semaphore, #tpu.memory_space<semaphore_mem>>
      %dma_start3A_135 = arith.constant 0 : i32
      %dma_start3A_136 = tpu.memref_slice %arg17[%mul3A_2, %dma_start3A_135] : memref<10000x64xf32, #tpu.memory_space<vmem_shared>> -> memref<625x64xf32, #tpu.memory_space<vmem_shared>>
      tpu.enqueue_dma source(%arg5 : memref<625x64xf32, #tpu.memory_space<hbm>>) target(%dma_start3A_136 : memref<625x64xf32, #tpu.memory_space<vmem_shared>>) target_semaphore(%run_scoped3A_134 : memref<!tpu.dma_semaphore, #tpu.memory_space<semaphore_mem>>)
      %dma_wait3A_137 = arith.constant 0 : i32
      %dma_wait3A_138 = tpu.memref_slice %arg17[%mul3A_2, %dma_wait3A_137] : memref<10000x64xf32, #tpu.memory_space<vmem_shared>> -> memref<625x64xf32, #tpu.memory_space<vmem_shared>>
      tpu.wait_dma2 semaphore(%run_scoped3A_134 : memref<!tpu.dma_semaphore, #tpu.memory_space<semaphore_mem>>) src(%arg5 : memref<625x64xf32, #tpu.memory_space<hbm>>) dst(%dma_wait3A_138 : memref<625x64xf32, #tpu.memory_space<vmem_shared>>)
      tpu.yield
    }) : () -> ()
    %barrier3A = arith.constant 0 : index
    tpu.barrier barrier_id(%barrier3A)
    %run_scoped3A = arith.constant 0 : i32
    "tpu.region"() ({
      %run_scoped3A_134 = tpu.sem_alloc : memref<!tpu.dma_semaphore, #tpu.memory_space<semaphore_mem>>
      %dma_start3A_135 = arith.constant 0 : i32
      %dma_start3A_136 = arith.constant 0 : i32
      %dma_start3A_137 = tpu.memref_slice %arg3[%arg0, %arg1, %run_scoped3A, %dma_start3A_135, %dma_start3A_136] : memref<2x16x2x80x125xi32, #tpu.memory_space<hbm>> -> memref<1x1x1x80x125xi32, #tpu.memory_space<hbm>>
      %dma_start3A_138 = tpu.memref_squeeze %dma_start3A_137 : memref<1x1x1x80x125xi32, #tpu.memory_space<hbm>> -> memref<80x125xi32, #tpu.memory_space<hbm>>
      %dma_start3A_139 = arith.constant 0 : i32
      %dma_start3A_140 = arith.constant 0 : i32
      %dma_start3A_141 = tpu.memref_slice %arg3[%arg0, %arg1, %run_scoped3A, %dma_start3A_139, %dma_start3A_140] : memref<2x16x2x80x125xi32, #tpu.memory_space<hbm>> -> memref<1x1x1x80x125xi32, #tpu.memory_space<hbm>>
      %dma_start3A_142 = tpu.memref_squeeze %dma_start3A_141 : memref<1x1x1x80x125xi32, #tpu.memory_space<hbm>> -> memref<80x125xi32, #tpu.memory_space<hbm>>
      tpu.enqueue_dma source(%dma_start3A_142 : memref<80x125xi32, #tpu.memory_space<hbm>>) target(%arg7 : memref<80x125xi32, #tpu.memory_space<vmem>>) target_semaphore(%run_scoped3A_134 : memref<!tpu.dma_semaphore, #tpu.memory_space<semaphore_mem>>)
      %dma_wait3A_143 = arith.constant 0 : i32
      %dma_wait3A_144 = arith.constant 0 : i32
      %dma_wait3A_145 = tpu.memref_slice %arg3[%arg0, %arg1, %run_scoped3A, %dma_wait3A_143, %dma_wait3A_144] : memref<2x16x2x80x125xi32, #tpu.memory_space<hbm>> -> memref<1x1x1x80x125xi32, #tpu.memory_space<hbm>>
      %dma_wait3A_146 = tpu.memref_squeeze %dma_wait3A_145 : memref<1x1x1x80x125xi32, #tpu.memory_space<hbm>> -> memref<80x125xi32, #tpu.memory_space<hbm>>
      %dma_wait3A_147 = arith.constant 0 : i32
      %dma_wait3A_148 = arith.constant 0 : i32
      %dma_wait3A_149 = tpu.memref_slice %arg3[%arg0, %arg1, %run_scoped3A, %dma_wait3A_147, %dma_wait3A_148] : memref<2x16x2x80x125xi32, #tpu.memory_space<hbm>> -> memref<1x1x1x80x125xi32, #tpu.memory_space<hbm>>
      %dma_wait3A_150 = tpu.memref_squeeze %dma_wait3A_149 : memref<1x1x1x80x125xi32, #tpu.memory_space<hbm>> -> memref<80x125xi32, #tpu.memory_space<hbm>>
      tpu.wait_dma2 semaphore(%run_scoped3A_134 : memref<!tpu.dma_semaphore, #tpu.memory_space<semaphore_mem>>) src(%dma_wait3A_150 : memref<80x125xi32, #tpu.memory_space<hbm>>) dst(%arg7 : memref<80x125xi32, #tpu.memory_space<vmem>>)
      tpu.yield
    }) : () -> ()
    %run_scoped3A_3 = arith.constant 0 : i32
    "tpu.region"() ({
      %run_scoped3A_134 = tpu.sem_alloc : memref<!tpu.dma_semaphore, #tpu.memory_space<semaphore_mem>>
      %dma_start3A_135 = arith.constant 0 : i32
      %dma_start3A_136 = arith.constant 0 : i32
      %dma_start3A_137 = tpu.memref_slice %arg4[%arg1, %run_scoped3A_3, %dma_start3A_135, %dma_start3A_136] : memref<16x2x80x125xi32, #tpu.memory_space<hbm>> -> memref<1x1x80x125xi32, #tpu.memory_space<hbm>>
      %dma_start3A_138 = tpu.memref_squeeze %dma_start3A_137 : memref<1x1x80x125xi32, #tpu.memory_space<hbm>> -> memref<80x125xi32, #tpu.memory_space<hbm>>
      %dma_start3A_139 = arith.constant 0 : i32
      %dma_start3A_140 = arith.constant 0 : i32
      %dma_start3A_141 = tpu.memref_slice %arg4[%arg1, %run_scoped3A_3, %dma_start3A_139, %dma_start3A_140] : memref<16x2x80x125xi32, #tpu.memory_space<hbm>> -> memref<1x1x80x125xi32, #tpu.memory_space<hbm>>
      %dma_start3A_142 = tpu.memref_squeeze %dma_start3A_141 : memref<1x1x80x125xi32, #tpu.memory_space<hbm>> -> memref<80x125xi32, #tpu.memory_space<hbm>>
      tpu.enqueue_dma source(%dma_start3A_142 : memref<80x125xi32, #tpu.memory_space<hbm>>) target(%arg8 : memref<80x125xi32, #tpu.memory_space<vmem>>) target_semaphore(%run_scoped3A_134 : memref<!tpu.dma_semaphore, #tpu.memory_space<semaphore_mem>>)
      %dma_wait3A_143 = arith.constant 0 : i32
      %dma_wait3A_144 = arith.constant 0 : i32
      %dma_wait3A_145 = tpu.memref_slice %arg4[%arg1, %run_scoped3A_3, %dma_wait3A_143, %dma_wait3A_144] : memref<16x2x80x125xi32, #tpu.memory_space<hbm>> -> memref<1x1x80x125xi32, #tpu.memory_space<hbm>>
      %dma_wait3A_146 = tpu.memref_squeeze %dma_wait3A_145 : memref<1x1x80x125xi32, #tpu.memory_space<hbm>> -> memref<80x125xi32, #tpu.memory_space<hbm>>
      %dma_wait3A_147 = arith.constant 0 : i32
      %dma_wait3A_148 = arith.constant 0 : i32
      %dma_wait3A_149 = tpu.memref_slice %arg4[%arg1, %run_scoped3A_3, %dma_wait3A_147, %dma_wait3A_148] : memref<16x2x80x125xi32, #tpu.memory_space<hbm>> -> memref<1x1x80x125xi32, #tpu.memory_space<hbm>>
      %dma_wait3A_150 = tpu.memref_squeeze %dma_wait3A_149 : memref<1x1x80x125xi32, #tpu.memory_space<hbm>> -> memref<80x125xi32, #tpu.memory_space<hbm>>
      tpu.wait_dma2 semaphore(%run_scoped3A_134 : memref<!tpu.dma_semaphore, #tpu.memory_space<semaphore_mem>>) src(%dma_wait3A_150 : memref<80x125xi32, #tpu.memory_space<hbm>>) dst(%arg8 : memref<80x125xi32, #tpu.memory_space<vmem>>)
      tpu.yield
    }) : () -> ()
    %dma_start3A = arith.constant 0 : i32
    %dma_start3A_4 = arith.constant 0 : i32
    %dma_start3A_5 = tpu.memref_slice %arg7[%dma_start3A, %dma_start3A_4] : memref<80x125xi32, #tpu.memory_space<vmem>> -> memref<1x125xi32, #tpu.memory_space<vmem>>
    %dma_start3A_6 = tpu.memref_squeeze %dma_start3A_5 : memref<1x125xi32, #tpu.memory_space<vmem>> -> memref<125xi32, #tpu.memory_space<vmem>>
    %dma_start3A_7 = arith.constant 0 : i32
    %dma_start3A_8 = arith.constant 0 : i32
    %dma_start3A_9 = tpu.memref_slice %arg2[%dma_start3A_7, %dma_start3A_8] : memref<20000x64xf32, #tpu.memory_space<hbm>> -> memref<20000x64xf32, #tpu.memory_space<hbm>>
    tpu.enqueue_indirect_dma source(%dma_start3A_9 : memref<20000x64xf32, #tpu.memory_space<hbm>>) target(%arg9 : memref<125x64xf32, #tpu.memory_space<vmem>>) offsets(%dma_start3A_6 : memref<125xi32, #tpu.memory_space<vmem>>) semaphore(%arg18 : memref<!tpu.dma_semaphore, #tpu.memory_space<semaphore_mem>>)
    %dma_start3A_10 = arith.constant 1 : i32
    %dma_start3A_11 = arith.constant 0 : i32
    %dma_start3A_12 = tpu.memref_slice %arg7[%dma_start3A_10, %dma_start3A_11] : memref<80x125xi32, #tpu.memory_space<vmem>> -> memref<1x125xi32, #tpu.memory_space<vmem>>
    %dma_start3A_13 = tpu.memref_squeeze %dma_start3A_12 : memref<1x125xi32, #tpu.memory_space<vmem>> -> memref<125xi32, #tpu.memory_space<vmem>>
    %dma_start3A_14 = arith.constant 0 : i32
    %dma_start3A_15 = arith.constant 0 : i32
    %dma_start3A_16 = tpu.memref_slice %arg2[%dma_start3A_14, %dma_start3A_15] : memref<20000x64xf32, #tpu.memory_space<hbm>> -> memref<20000x64xf32, #tpu.memory_space<hbm>>
    tpu.enqueue_indirect_dma source(%dma_start3A_16 : memref<20000x64xf32, #tpu.memory_space<hbm>>) target(%arg10 : memref<125x64xf32, #tpu.memory_space<vmem>>) offsets(%dma_start3A_13 : memref<125xi32, #tpu.memory_space<vmem>>) semaphore(%arg19 : memref<!tpu.dma_semaphore, #tpu.memory_space<semaphore_mem>>)
    %dma_start3A_17 = arith.constant 2 : i32
    %dma_start3A_18 = arith.constant 0 : i32
    %dma_start3A_19 = tpu.memref_slice %arg7[%dma_start3A_17, %dma_start3A_18] : memref<80x125xi32, #tpu.memory_space<vmem>> -> memref<1x125xi32, #tpu.memory_space<vmem>>
    %dma_start3A_20 = tpu.memref_squeeze %dma_start3A_19 : memref<1x125xi32, #tpu.memory_space<vmem>> -> memref<125xi32, #tpu.memory_space<vmem>>
    %dma_start3A_21 = arith.constant 0 : i32
    %dma_start3A_22 = arith.constant 0 : i32
    %dma_start3A_23 = tpu.memref_slice %arg2[%dma_start3A_21, %dma_start3A_22] : memref<20000x64xf32, #tpu.memory_space<hbm>> -> memref<20000x64xf32, #tpu.memory_space<hbm>>
    tpu.enqueue_indirect_dma source(%dma_start3A_23 : memref<20000x64xf32, #tpu.memory_space<hbm>>) target(%arg11 : memref<125x64xf32, #tpu.memory_space<vmem>>) offsets(%dma_start3A_20 : memref<125xi32, #tpu.memory_space<vmem>>) semaphore(%arg20 : memref<!tpu.dma_semaphore, #tpu.memory_space<semaphore_mem>>)
    %dma_start3A_24 = arith.constant 3 : i32
    %dma_start3A_25 = arith.constant 0 : i32
    %dma_start3A_26 = tpu.memref_slice %arg7[%dma_start3A_24, %dma_start3A_25] : memref<80x125xi32, #tpu.memory_space<vmem>> -> memref<1x125xi32, #tpu.memory_space<vmem>>
    %dma_start3A_27 = tpu.memref_squeeze %dma_start3A_26 : memref<1x125xi32, #tpu.memory_space<vmem>> -> memref<125xi32, #tpu.memory_space<vmem>>
    %dma_start3A_28 = arith.constant 0 : i32
    %dma_start3A_29 = arith.constant 0 : i32
    %dma_start3A_30 = tpu.memref_slice %arg2[%dma_start3A_28, %dma_start3A_29] : memref<20000x64xf32, #tpu.memory_space<hbm>> -> memref<20000x64xf32, #tpu.memory_space<hbm>>
    tpu.enqueue_indirect_dma source(%dma_start3A_30 : memref<20000x64xf32, #tpu.memory_space<hbm>>) target(%arg12 : memref<125x64xf32, #tpu.memory_space<vmem>>) offsets(%dma_start3A_27 : memref<125xi32, #tpu.memory_space<vmem>>) semaphore(%arg21 : memref<!tpu.dma_semaphore, #tpu.memory_space<semaphore_mem>>)
    %dma_start3A_31 = arith.constant 4 : i32
    %dma_start3A_32 = arith.constant 0 : i32
    %dma_start3A_33 = tpu.memref_slice %arg7[%dma_start3A_31, %dma_start3A_32] : memref<80x125xi32, #tpu.memory_space<vmem>> -> memref<1x125xi32, #tpu.memory_space<vmem>>
    %dma_start3A_34 = tpu.memref_squeeze %dma_start3A_33 : memref<1x125xi32, #tpu.memory_space<vmem>> -> memref<125xi32, #tpu.memory_space<vmem>>
    %dma_start3A_35 = arith.constant 0 : i32
    %dma_start3A_36 = arith.constant 0 : i32
    %dma_start3A_37 = tpu.memref_slice %arg2[%dma_start3A_35, %dma_start3A_36] : memref<20000x64xf32, #tpu.memory_space<hbm>> -> memref<20000x64xf32, #tpu.memory_space<hbm>>
    tpu.enqueue_indirect_dma source(%dma_start3A_37 : memref<20000x64xf32, #tpu.memory_space<hbm>>) target(%arg13 : memref<125x64xf32, #tpu.memory_space<vmem>>) offsets(%dma_start3A_34 : memref<125xi32, #tpu.memory_space<vmem>>) semaphore(%arg22 : memref<!tpu.dma_semaphore, #tpu.memory_space<semaphore_mem>>)
    %dma_start3A_38 = arith.constant 5 : i32
    %dma_start3A_39 = arith.constant 0 : i32
    %dma_start3A_40 = tpu.memref_slice %arg7[%dma_start3A_38, %dma_start3A_39] : memref<80x125xi32, #tpu.memory_space<vmem>> -> memref<1x125xi32, #tpu.memory_space<vmem>>
    %dma_start3A_41 = tpu.memref_squeeze %dma_start3A_40 : memref<1x125xi32, #tpu.memory_space<vmem>> -> memref<125xi32, #tpu.memory_space<vmem>>
    %dma_start3A_42 = arith.constant 0 : i32
    %dma_start3A_43 = arith.constant 0 : i32
    %dma_start3A_44 = tpu.memref_slice %arg2[%dma_start3A_42, %dma_start3A_43] : memref<20000x64xf32, #tpu.memory_space<hbm>> -> memref<20000x64xf32, #tpu.memory_space<hbm>>
    tpu.enqueue_indirect_dma source(%dma_start3A_44 : memref<20000x64xf32, #tpu.memory_space<hbm>>) target(%arg14 : memref<125x64xf32, #tpu.memory_space<vmem>>) offsets(%dma_start3A_41 : memref<125xi32, #tpu.memory_space<vmem>>) semaphore(%arg23 : memref<!tpu.dma_semaphore, #tpu.memory_space<semaphore_mem>>)
    %scan3A = arith.constant 0 : i32
    %scan3A_45 = arith.constant 0 : i32
    %scan3A_46 = arith.constant 10 : i32
    %scan3A_47 = arith.addi %scan3A_45, %scan3A_46 : i32
    %scan3A_48 = arith.constant 1 : i32
    %scan3A_49 = scf.for %scan3A_134 = %scan3A_45 to %scan3A_47 step %scan3A_48 iter_args(%scan3A_135 = %scan3A) -> (i32)  : i32 {
      %mul3A_136 = arith.constant 8 : i32
      %mul3A_137 = arith.muli %mul3A_136, %scan3A_134 : i32
      %add3A_138 = arith.constant 0 : i32
      %add3A_139 = arith.addi %mul3A_137, %add3A_138 : i32
      %dma_wait3A_140 = arith.constant 0 : i32
      %dma_wait3A_141 = tpu.memref_slice %arg7[%add3A_139, %dma_wait3A_140] : memref<80x125xi32, #tpu.memory_space<vmem>> -> memref<1x125xi32, #tpu.memory_space<vmem>>
      %dma_wait3A_142 = tpu.memref_squeeze %dma_wait3A_141 : memref<1x125xi32, #tpu.memory_space<vmem>> -> memref<125xi32, #tpu.memory_space<vmem>>
      %dma_wait3A_143 = arith.constant 0 : i32
      %dma_wait3A_144 = arith.constant 0 : i32
      %dma_wait3A_145 = tpu.memref_slice %arg2[%dma_wait3A_143, %dma_wait3A_144] : memref<20000x64xf32, #tpu.memory_space<hbm>> -> memref<20000x64xf32, #tpu.memory_space<hbm>>
      tpu.wait_indirect_dma semaphore(%arg18 : memref<!tpu.dma_semaphore, #tpu.memory_space<semaphore_mem>>) src(%dma_wait3A_145 : memref<20000x64xf32, #tpu.memory_space<hbm>>) dst(%arg9 : memref<125x64xf32, #tpu.memory_space<vmem>>)
      %dma_start3A_146 = arith.constant 0 : i32
      %dma_start3A_147 = tpu.memref_slice %arg8[%add3A_139, %dma_start3A_146] : memref<80x125xi32, #tpu.memory_space<vmem>> -> memref<1x125xi32, #tpu.memory_space<vmem>>
      %dma_start3A_148 = tpu.memref_squeeze %dma_start3A_147 : memref<1x125xi32, #tpu.memory_space<vmem>> -> memref<125xi32, #tpu.memory_space<vmem>>
      %dma_start3A_149 = arith.constant 0 : i32
      %dma_start3A_150 = arith.constant 0 : i32
      %dma_start3A_151 = tpu.memref_slice %arg17[%dma_start3A_149, %dma_start3A_150] : memref<10000x64xf32, #tpu.memory_space<vmem_shared>> -> memref<10000x64xf32, #tpu.memory_space<vmem_shared>>
      tpu.enqueue_indirect_dma source(%arg9 : memref<125x64xf32, #tpu.memory_space<vmem>>) target(%dma_start3A_151 : memref<10000x64xf32, #tpu.memory_space<vmem_shared>>) offsets(%dma_start3A_148 : memref<125xi32, #tpu.memory_space<vmem>>) semaphore(%arg26 : memref<!tpu.dma_semaphore, #tpu.memory_space<semaphore_mem>>) {add = true}
      %gt3A = arith.constant 0 : i32
      %gt3A_152 = arith.cmpi sgt, %scan3A_134, %gt3A : i32
      %convert_element_type3A = arith.extui %gt3A_152 : i1 to i32
      %cond3A = arith.constant 0 : i32
      %cond3A_153 = arith.cmpi ne, %convert_element_type3A, %cond3A : i32
      scf.if %cond3A_153 {
        %sub3A_364 = arith.constant 2 : i32
        %sub3A_365 = arith.subi %add3A_139, %sub3A_364 : i32
        %dma_wait3A_366 = arith.constant 0 : i32
        %dma_wait3A_367 = tpu.memref_slice %arg8[%sub3A_365, %dma_wait3A_366] : memref<80x125xi32, #tpu.memory_space<vmem>> -> memref<1x125xi32, #tpu.memory_space<vmem>>
        %dma_wait3A_368 = tpu.memref_squeeze %dma_wait3A_367 : memref<1x125xi32, #tpu.memory_space<vmem>> -> memref<125xi32, #tpu.memory_space<vmem>>
        %dma_wait3A_369 = arith.constant 0 : i32
        %dma_wait3A_370 = arith.constant 0 : i32
        %dma_wait3A_371 = tpu.memref_slice %arg17[%dma_wait3A_369, %dma_wait3A_370] : memref<10000x64xf32, #tpu.memory_space<vmem_shared>> -> memref<10000x64xf32, #tpu.memory_space<vmem_shared>>
        tpu.wait_indirect_dma semaphore(%arg32 : memref<!tpu.dma_semaphore, #tpu.memory_space<semaphore_mem>>) src(%arg15 : memref<125x64xf32, #tpu.memory_space<vmem>>) dst(%dma_wait3A_371 : memref<10000x64xf32, #tpu.memory_space<vmem_shared>>)
      } else {
      }
      %add3A_154 = arith.constant 6 : i32
      %add3A_155 = arith.addi %add3A_139, %add3A_154 : i32
      %dma_start3A_156 = arith.constant 0 : i32
      %dma_start3A_157 = tpu.memref_slice %arg7[%add3A_155, %dma_start3A_156] : memref<80x125xi32, #tpu.memory_space<vmem>> -> memref<1x125xi32, #tpu.memory_space<vmem>>
      %dma_start3A_158 = tpu.memref_squeeze %dma_start3A_157 : memref<1x125xi32, #tpu.memory_space<vmem>> -> memref<125xi32, #tpu.memory_space<vmem>>
      %dma_start3A_159 = arith.constant 0 : i32
      %dma_start3A_160 = arith.constant 0 : i32
      %dma_start3A_161 = tpu.memref_slice %arg2[%dma_start3A_159, %dma_start3A_160] : memref<20000x64xf32, #tpu.memory_space<hbm>> -> memref<20000x64xf32, #tpu.memory_space<hbm>>
      tpu.enqueue_indirect_dma source(%dma_start3A_161 : memref<20000x64xf32, #tpu.memory_space<hbm>>) target(%arg15 : memref<125x64xf32, #tpu.memory_space<vmem>>) offsets(%dma_start3A_158 : memref<125xi32, #tpu.memory_space<vmem>>) semaphore(%arg24 : memref<!tpu.dma_semaphore, #tpu.memory_space<semaphore_mem>>)
      %mul3A_162 = arith.constant 8 : i32
      %mul3A_163 = arith.muli %mul3A_162, %scan3A_134 : i32
      %add3A_164 = arith.constant 1 : i32
      %add3A_165 = arith.addi %mul3A_163, %add3A_164 : i32
      %dma_wait3A_166 = arith.constant 0 : i32
      %dma_wait3A_167 = tpu.memref_slice %arg7[%add3A_165, %dma_wait3A_166] : memref<80x125xi32, #tpu.memory_space<vmem>> -> memref<1x125xi32, #tpu.memory_space<vmem>>
      %dma_wait3A_168 = tpu.memref_squeeze %dma_wait3A_167 : memref<1x125xi32, #tpu.memory_space<vmem>> -> memref<125xi32, #tpu.memory_space<vmem>>
      %dma_wait3A_169 = arith.constant 0 : i32
      %dma_wait3A_170 = arith.constant 0 : i32
      %dma_wait3A_171 = tpu.memref_slice %arg2[%dma_wait3A_169, %dma_wait3A_170] : memref<20000x64xf32, #tpu.memory_space<hbm>> -> memref<20000x64xf32, #tpu.memory_space<hbm>>
      tpu.wait_indirect_dma semaphore(%arg19 : memref<!tpu.dma_semaphore, #tpu.memory_space<semaphore_mem>>) src(%dma_wait3A_171 : memref<20000x64xf32, #tpu.memory_space<hbm>>) dst(%arg10 : memref<125x64xf32, #tpu.memory_space<vmem>>)
      %dma_start3A_172 = arith.constant 0 : i32
      %dma_start3A_173 = tpu.memref_slice %arg8[%add3A_165, %dma_start3A_172] : memref<80x125xi32, #tpu.memory_space<vmem>> -> memref<1x125xi32, #tpu.memory_space<vmem>>
      %dma_start3A_174 = tpu.memref_squeeze %dma_start3A_173 : memref<1x125xi32, #tpu.memory_space<vmem>> -> memref<125xi32, #tpu.memory_space<vmem>>
      %dma_start3A_175 = arith.constant 0 : i32
      %dma_start3A_176 = arith.constant 0 : i32
      %dma_start3A_177 = tpu.memref_slice %arg17[%dma_start3A_175, %dma_start3A_176] : memref<10000x64xf32, #tpu.memory_space<vmem_shared>> -> memref<10000x64xf32, #tpu.memory_space<vmem_shared>>
      tpu.enqueue_indirect_dma source(%arg10 : memref<125x64xf32, #tpu.memory_space<vmem>>) target(%dma_start3A_177 : memref<10000x64xf32, #tpu.memory_space<vmem_shared>>) offsets(%dma_start3A_174 : memref<125xi32, #tpu.memory_space<vmem>>) semaphore(%arg27 : memref<!tpu.dma_semaphore, #tpu.memory_space<semaphore_mem>>) {add = true}
      %gt3A_178 = arith.constant 0 : i32
      %gt3A_179 = arith.cmpi sgt, %scan3A_134, %gt3A_178 : i32
      %convert_element_type3A_180 = arith.extui %gt3A_179 : i1 to i32
      %cond3A_181 = arith.constant 0 : i32
      %cond3A_182 = arith.cmpi ne, %convert_element_type3A_180, %cond3A_181 : i32
      scf.if %cond3A_182 {
        %sub3A_364 = arith.constant 2 : i32
        %sub3A_365 = arith.subi %add3A_165, %sub3A_364 : i32
        %dma_wait3A_366 = arith.constant 0 : i32
        %dma_wait3A_367 = tpu.memref_slice %arg8[%sub3A_365, %dma_wait3A_366] : memref<80x125xi32, #tpu.memory_space<vmem>> -> memref<1x125xi32, #tpu.memory_space<vmem>>
        %dma_wait3A_368 = tpu.memref_squeeze %dma_wait3A_367 : memref<1x125xi32, #tpu.memory_space<vmem>> -> memref<125xi32, #tpu.memory_space<vmem>>
        %dma_wait3A_369 = arith.constant 0 : i32
        %dma_wait3A_370 = arith.constant 0 : i32
        %dma_wait3A_371 = tpu.memref_slice %arg17[%dma_wait3A_369, %dma_wait3A_370] : memref<10000x64xf32, #tpu.memory_space<vmem_shared>> -> memref<10000x64xf32, #tpu.memory_space<vmem_shared>>
        tpu.wait_indirect_dma semaphore(%arg33 : memref<!tpu.dma_semaphore, #tpu.memory_space<semaphore_mem>>) src(%arg16 : memref<125x64xf32, #tpu.memory_space<vmem>>) dst(%dma_wait3A_371 : memref<10000x64xf32, #tpu.memory_space<vmem_shared>>)
      } else {
      }
      %add3A_183 = arith.constant 6 : i32
      %add3A_184 = arith.addi %add3A_165, %add3A_183 : i32
      %dma_start3A_185 = arith.constant 0 : i32
      %dma_start3A_186 = tpu.memref_slice %arg7[%add3A_184, %dma_start3A_185] : memref<80x125xi32, #tpu.memory_space<vmem>> -> memref<1x125xi32, #tpu.memory_space<vmem>>
      %dma_start3A_187 = tpu.memref_squeeze %dma_start3A_186 : memref<1x125xi32, #tpu.memory_space<vmem>> -> memref<125xi32, #tpu.memory_space<vmem>>
      %dma_start3A_188 = arith.constant 0 : i32
      %dma_start3A_189 = arith.constant 0 : i32
      %dma_start3A_190 = tpu.memref_slice %arg2[%dma_start3A_188, %dma_start3A_189] : memref<20000x64xf32, #tpu.memory_space<hbm>> -> memref<20000x64xf32, #tpu.memory_space<hbm>>
      tpu.enqueue_indirect_dma source(%dma_start3A_190 : memref<20000x64xf32, #tpu.memory_space<hbm>>) target(%arg16 : memref<125x64xf32, #tpu.memory_space<vmem>>) offsets(%dma_start3A_187 : memref<125xi32, #tpu.memory_space<vmem>>) semaphore(%arg25 : memref<!tpu.dma_semaphore, #tpu.memory_space<semaphore_mem>>)
      %mul3A_191 = arith.constant 8 : i32
      %mul3A_192 = arith.muli %mul3A_191, %scan3A_134 : i32
      %add3A_193 = arith.constant 2 : i32
      %add3A_194 = arith.addi %mul3A_192, %add3A_193 : i32
      %dma_wait3A_195 = arith.constant 0 : i32
      %dma_wait3A_196 = tpu.memref_slice %arg7[%add3A_194, %dma_wait3A_195] : memref<80x125xi32, #tpu.memory_space<vmem>> -> memref<1x125xi32, #tpu.memory_space<vmem>>
      %dma_wait3A_197 = tpu.memref_squeeze %dma_wait3A_196 : memref<1x125xi32, #tpu.memory_space<vmem>> -> memref<125xi32, #tpu.memory_space<vmem>>
      %dma_wait3A_198 = arith.constant 0 : i32
      %dma_wait3A_199 = arith.constant 0 : i32
      %dma_wait3A_200 = tpu.memref_slice %arg2[%dma_wait3A_198, %dma_wait3A_199] : memref<20000x64xf32, #tpu.memory_space<hbm>> -> memref<20000x64xf32, #tpu.memory_space<hbm>>
      tpu.wait_indirect_dma semaphore(%arg20 : memref<!tpu.dma_semaphore, #tpu.memory_space<semaphore_mem>>) src(%dma_wait3A_200 : memref<20000x64xf32, #tpu.memory_space<hbm>>) dst(%arg11 : memref<125x64xf32, #tpu.memory_space<vmem>>)
      %dma_start3A_201 = arith.constant 0 : i32
      %dma_start3A_202 = tpu.memref_slice %arg8[%add3A_194, %dma_start3A_201] : memref<80x125xi32, #tpu.memory_space<vmem>> -> memref<1x125xi32, #tpu.memory_space<vmem>>
      %dma_start3A_203 = tpu.memref_squeeze %dma_start3A_202 : memref<1x125xi32, #tpu.memory_space<vmem>> -> memref<125xi32, #tpu.memory_space<vmem>>
      %dma_start3A_204 = arith.constant 0 : i32
      %dma_start3A_205 = arith.constant 0 : i32
      %dma_start3A_206 = tpu.memref_slice %arg17[%dma_start3A_204, %dma_start3A_205] : memref<10000x64xf32, #tpu.memory_space<vmem_shared>> -> memref<10000x64xf32, #tpu.memory_space<vmem_shared>>
      tpu.enqueue_indirect_dma source(%arg11 : memref<125x64xf32, #tpu.memory_space<vmem>>) target(%dma_start3A_206 : memref<10000x64xf32, #tpu.memory_space<vmem_shared>>) offsets(%dma_start3A_203 : memref<125xi32, #tpu.memory_space<vmem>>) semaphore(%arg28 : memref<!tpu.dma_semaphore, #tpu.memory_space<semaphore_mem>>) {add = true}
      %sub3A = arith.constant 2 : i32
      %sub3A_207 = arith.subi %add3A_194, %sub3A : i32
      %dma_wait3A_208 = arith.constant 0 : i32
      %dma_wait3A_209 = tpu.memref_slice %arg8[%sub3A_207, %dma_wait3A_208] : memref<80x125xi32, #tpu.memory_space<vmem>> -> memref<1x125xi32, #tpu.memory_space<vmem>>
      %dma_wait3A_210 = tpu.memref_squeeze %dma_wait3A_209 : memref<1x125xi32, #tpu.memory_space<vmem>> -> memref<125xi32, #tpu.memory_space<vmem>>
      %dma_wait3A_211 = arith.constant 0 : i32
      %dma_wait3A_212 = arith.constant 0 : i32
      %dma_wait3A_213 = tpu.memref_slice %arg17[%dma_wait3A_211, %dma_wait3A_212] : memref<10000x64xf32, #tpu.memory_space<vmem_shared>> -> memref<10000x64xf32, #tpu.memory_space<vmem_shared>>
      tpu.wait_indirect_dma semaphore(%arg26 : memref<!tpu.dma_semaphore, #tpu.memory_space<semaphore_mem>>) src(%arg9 : memref<125x64xf32, #tpu.memory_space<vmem>>) dst(%dma_wait3A_213 : memref<10000x64xf32, #tpu.memory_space<vmem_shared>>)
      %lt3A = arith.constant 9 : i32
      %lt3A_214 = arith.cmpi slt, %scan3A_134, %lt3A : i32
      %convert_element_type3A_215 = arith.extui %lt3A_214 : i1 to i32
      %cond3A_216 = arith.constant 0 : i32
      %cond3A_217 = arith.cmpi ne, %convert_element_type3A_215, %cond3A_216 : i32
      scf.if %cond3A_217 {
        %add3A_364 = arith.constant 6 : i32
        %add3A_365 = arith.addi %add3A_194, %add3A_364 : i32
        %dma_start3A_366 = arith.constant 0 : i32
        %dma_start3A_367 = tpu.memref_slice %arg7[%add3A_365, %dma_start3A_366] : memref<80x125xi32, #tpu.memory_space<vmem>> -> memref<1x125xi32, #tpu.memory_space<vmem>>
        %dma_start3A_368 = tpu.memref_squeeze %dma_start3A_367 : memref<1x125xi32, #tpu.memory_space<vmem>> -> memref<125xi32, #tpu.memory_space<vmem>>
        %dma_start3A_369 = arith.constant 0 : i32
        %dma_start3A_370 = arith.constant 0 : i32
        %dma_start3A_371 = tpu.memref_slice %arg2[%dma_start3A_369, %dma_start3A_370] : memref<20000x64xf32, #tpu.memory_space<hbm>> -> memref<20000x64xf32, #tpu.memory_space<hbm>>
        tpu.enqueue_indirect_dma source(%dma_start3A_371 : memref<20000x64xf32, #tpu.memory_space<hbm>>) target(%arg9 : memref<125x64xf32, #tpu.memory_space<vmem>>) offsets(%dma_start3A_368 : memref<125xi32, #tpu.memory_space<vmem>>) semaphore(%arg18 : memref<!tpu.dma_semaphore, #tpu.memory_space<semaphore_mem>>)
      } else {
      }
      %mul3A_218 = arith.constant 8 : i32
      %mul3A_219 = arith.muli %mul3A_218, %scan3A_134 : i32
      %add3A_220 = arith.constant 3 : i32
      %add3A_221 = arith.addi %mul3A_219, %add3A_220 : i32
      %dma_wait3A_222 = arith.constant 0 : i32
      %dma_wait3A_223 = tpu.memref_slice %arg7[%add3A_221, %dma_wait3A_222] : memref<80x125xi32, #tpu.memory_space<vmem>> -> memref<1x125xi32, #tpu.memory_space<vmem>>
      %dma_wait3A_224 = tpu.memref_squeeze %dma_wait3A_223 : memref<1x125xi32, #tpu.memory_space<vmem>> -> memref<125xi32, #tpu.memory_space<vmem>>
      %dma_wait3A_225 = arith.constant 0 : i32
      %dma_wait3A_226 = arith.constant 0 : i32
      %dma_wait3A_227 = tpu.memref_slice %arg2[%dma_wait3A_225, %dma_wait3A_226] : memref<20000x64xf32, #tpu.memory_space<hbm>> -> memref<20000x64xf32, #tpu.memory_space<hbm>>
      tpu.wait_indirect_dma semaphore(%arg21 : memref<!tpu.dma_semaphore, #tpu.memory_space<semaphore_mem>>) src(%dma_wait3A_227 : memref<20000x64xf32, #tpu.memory_space<hbm>>) dst(%arg12 : memref<125x64xf32, #tpu.memory_space<vmem>>)
      %dma_start3A_228 = arith.constant 0 : i32
      %dma_start3A_229 = tpu.memref_slice %arg8[%add3A_221, %dma_start3A_228] : memref<80x125xi32, #tpu.memory_space<vmem>> -> memref<1x125xi32, #tpu.memory_space<vmem>>
      %dma_start3A_230 = tpu.memref_squeeze %dma_start3A_229 : memref<1x125xi32, #tpu.memory_space<vmem>> -> memref<125xi32, #tpu.memory_space<vmem>>
      %dma_start3A_231 = arith.constant 0 : i32
      %dma_start3A_232 = arith.constant 0 : i32
      %dma_start3A_233 = tpu.memref_slice %arg17[%dma_start3A_231, %dma_start3A_232] : memref<10000x64xf32, #tpu.memory_space<vmem_shared>> -> memref<10000x64xf32, #tpu.memory_space<vmem_shared>>
      tpu.enqueue_indirect_dma source(%arg12 : memref<125x64xf32, #tpu.memory_space<vmem>>) target(%dma_start3A_233 : memref<10000x64xf32, #tpu.memory_space<vmem_shared>>) offsets(%dma_start3A_230 : memref<125xi32, #tpu.memory_space<vmem>>) semaphore(%arg29 : memref<!tpu.dma_semaphore, #tpu.memory_space<semaphore_mem>>) {add = true}
      %sub3A_234 = arith.constant 2 : i32
      %sub3A_235 = arith.subi %add3A_221, %sub3A_234 : i32
      %dma_wait3A_236 = arith.constant 0 : i32
      %dma_wait3A_237 = tpu.memref_slice %arg8[%sub3A_235, %dma_wait3A_236] : memref<80x125xi32, #tpu.memory_space<vmem>> -> memref<1x125xi32, #tpu.memory_space<vmem>>
      %dma_wait3A_238 = tpu.memref_squeeze %dma_wait3A_237 : memref<1x125xi32, #tpu.memory_space<vmem>> -> memref<125xi32, #tpu.memory_space<vmem>>
      %dma_wait3A_239 = arith.constant 0 : i32
      %dma_wait3A_240 = arith.constant 0 : i32
      %dma_wait3A_241 = tpu.memref_slice %arg17[%dma_wait3A_239, %dma_wait3A_240] : memref<10000x64xf32, #tpu.memory_space<vmem_shared>> -> memref<10000x64xf32, #tpu.memory_space<vmem_shared>>
      tpu.wait_indirect_dma semaphore(%arg27 : memref<!tpu.dma_semaphore, #tpu.memory_space<semaphore_mem>>) src(%arg10 : memref<125x64xf32, #tpu.memory_space<vmem>>) dst(%dma_wait3A_241 : memref<10000x64xf32, #tpu.memory_space<vmem_shared>>)
      %lt3A_242 = arith.constant 9 : i32
      %lt3A_243 = arith.cmpi slt, %scan3A_134, %lt3A_242 : i32
      %convert_element_type3A_244 = arith.extui %lt3A_243 : i1 to i32
      %cond3A_245 = arith.constant 0 : i32
      %cond3A_246 = arith.cmpi ne, %convert_element_type3A_244, %cond3A_245 : i32
      scf.if %cond3A_246 {
        %add3A_364 = arith.constant 6 : i32
        %add3A_365 = arith.addi %add3A_221, %add3A_364 : i32
        %dma_start3A_366 = arith.constant 0 : i32
        %dma_start3A_367 = tpu.memref_slice %arg7[%add3A_365, %dma_start3A_366] : memref<80x125xi32, #tpu.memory_space<vmem>> -> memref<1x125xi32, #tpu.memory_space<vmem>>
        %dma_start3A_368 = tpu.memref_squeeze %dma_start3A_367 : memref<1x125xi32, #tpu.memory_space<vmem>> -> memref<125xi32, #tpu.memory_space<vmem>>
        %dma_start3A_369 = arith.constant 0 : i32
        %dma_start3A_370 = arith.constant 0 : i32
        %dma_start3A_371 = tpu.memref_slice %arg2[%dma_start3A_369, %dma_start3A_370] : memref<20000x64xf32, #tpu.memory_space<hbm>> -> memref<20000x64xf32, #tpu.memory_space<hbm>>
        tpu.enqueue_indirect_dma source(%dma_start3A_371 : memref<20000x64xf32, #tpu.memory_space<hbm>>) target(%arg10 : memref<125x64xf32, #tpu.memory_space<vmem>>) offsets(%dma_start3A_368 : memref<125xi32, #tpu.memory_space<vmem>>) semaphore(%arg19 : memref<!tpu.dma_semaphore, #tpu.memory_space<semaphore_mem>>)
      } else {
      }
      %mul3A_247 = arith.constant 8 : i32
      %mul3A_248 = arith.muli %mul3A_247, %scan3A_134 : i32
      %add3A_249 = arith.constant 4 : i32
      %add3A_250 = arith.addi %mul3A_248, %add3A_249 : i32
      %dma_wait3A_251 = arith.constant 0 : i32
      %dma_wait3A_252 = tpu.memref_slice %arg7[%add3A_250, %dma_wait3A_251] : memref<80x125xi32, #tpu.memory_space<vmem>> -> memref<1x125xi32, #tpu.memory_space<vmem>>
      %dma_wait3A_253 = tpu.memref_squeeze %dma_wait3A_252 : memref<1x125xi32, #tpu.memory_space<vmem>> -> memref<125xi32, #tpu.memory_space<vmem>>
      %dma_wait3A_254 = arith.constant 0 : i32
      %dma_wait3A_255 = arith.constant 0 : i32
      %dma_wait3A_256 = tpu.memref_slice %arg2[%dma_wait3A_254, %dma_wait3A_255] : memref<20000x64xf32, #tpu.memory_space<hbm>> -> memref<20000x64xf32, #tpu.memory_space<hbm>>
      tpu.wait_indirect_dma semaphore(%arg22 : memref<!tpu.dma_semaphore, #tpu.memory_space<semaphore_mem>>) src(%dma_wait3A_256 : memref<20000x64xf32, #tpu.memory_space<hbm>>) dst(%arg13 : memref<125x64xf32, #tpu.memory_space<vmem>>)
      %dma_start3A_257 = arith.constant 0 : i32
      %dma_start3A_258 = tpu.memref_slice %arg8[%add3A_250, %dma_start3A_257] : memref<80x125xi32, #tpu.memory_space<vmem>> -> memref<1x125xi32, #tpu.memory_space<vmem>>
      %dma_start3A_259 = tpu.memref_squeeze %dma_start3A_258 : memref<1x125xi32, #tpu.memory_space<vmem>> -> memref<125xi32, #tpu.memory_space<vmem>>
      %dma_start3A_260 = arith.constant 0 : i32
      %dma_start3A_261 = arith.constant 0 : i32
      %dma_start3A_262 = tpu.memref_slice %arg17[%dma_start3A_260, %dma_start3A_261] : memref<10000x64xf32, #tpu.memory_space<vmem_shared>> -> memref<10000x64xf32, #tpu.memory_space<vmem_shared>>
      tpu.enqueue_indirect_dma source(%arg13 : memref<125x64xf32, #tpu.memory_space<vmem>>) target(%dma_start3A_262 : memref<10000x64xf32, #tpu.memory_space<vmem_shared>>) offsets(%dma_start3A_259 : memref<125xi32, #tpu.memory_space<vmem>>) semaphore(%arg30 : memref<!tpu.dma_semaphore, #tpu.memory_space<semaphore_mem>>) {add = true}
      %sub3A_263 = arith.constant 2 : i32
      %sub3A_264 = arith.subi %add3A_250, %sub3A_263 : i32
      %dma_wait3A_265 = arith.constant 0 : i32
      %dma_wait3A_266 = tpu.memref_slice %arg8[%sub3A_264, %dma_wait3A_265] : memref<80x125xi32, #tpu.memory_space<vmem>> -> memref<1x125xi32, #tpu.memory_space<vmem>>
      %dma_wait3A_267 = tpu.memref_squeeze %dma_wait3A_266 : memref<1x125xi32, #tpu.memory_space<vmem>> -> memref<125xi32, #tpu.memory_space<vmem>>
      %dma_wait3A_268 = arith.constant 0 : i32
      %dma_wait3A_269 = arith.constant 0 : i32
      %dma_wait3A_270 = tpu.memref_slice %arg17[%dma_wait3A_268, %dma_wait3A_269] : memref<10000x64xf32, #tpu.memory_space<vmem_shared>> -> memref<10000x64xf32, #tpu.memory_space<vmem_shared>>
      tpu.wait_indirect_dma semaphore(%arg28 : memref<!tpu.dma_semaphore, #tpu.memory_space<semaphore_mem>>) src(%arg11 : memref<125x64xf32, #tpu.memory_space<vmem>>) dst(%dma_wait3A_270 : memref<10000x64xf32, #tpu.memory_space<vmem_shared>>)
      %lt3A_271 = arith.constant 9 : i32
      %lt3A_272 = arith.cmpi slt, %scan3A_134, %lt3A_271 : i32
      %convert_element_type3A_273 = arith.extui %lt3A_272 : i1 to i32
      %cond3A_274 = arith.constant 0 : i32
      %cond3A_275 = arith.cmpi ne, %convert_element_type3A_273, %cond3A_274 : i32
      scf.if %cond3A_275 {
        %add3A_364 = arith.constant 6 : i32
        %add3A_365 = arith.addi %add3A_250, %add3A_364 : i32
        %dma_start3A_366 = arith.constant 0 : i32
        %dma_start3A_367 = tpu.memref_slice %arg7[%add3A_365, %dma_start3A_366] : memref<80x125xi32, #tpu.memory_space<vmem>> -> memref<1x125xi32, #tpu.memory_space<vmem>>
        %dma_start3A_368 = tpu.memref_squeeze %dma_start3A_367 : memref<1x125xi32, #tpu.memory_space<vmem>> -> memref<125xi32, #tpu.memory_space<vmem>>
        %dma_start3A_369 = arith.constant 0 : i32
        %dma_start3A_370 = arith.constant 0 : i32
        %dma_start3A_371 = tpu.memref_slice %arg2[%dma_start3A_369, %dma_start3A_370] : memref<20000x64xf32, #tpu.memory_space<hbm>> -> memref<20000x64xf32, #tpu.memory_space<hbm>>
        tpu.enqueue_indirect_dma source(%dma_start3A_371 : memref<20000x64xf32, #tpu.memory_space<hbm>>) target(%arg11 : memref<125x64xf32, #tpu.memory_space<vmem>>) offsets(%dma_start3A_368 : memref<125xi32, #tpu.memory_space<vmem>>) semaphore(%arg20 : memref<!tpu.dma_semaphore, #tpu.memory_space<semaphore_mem>>)
      } else {
      }
      %mul3A_276 = arith.constant 8 : i32
      %mul3A_277 = arith.muli %mul3A_276, %scan3A_134 : i32
      %add3A_278 = arith.constant 5 : i32
      %add3A_279 = arith.addi %mul3A_277, %add3A_278 : i32
      %dma_wait3A_280 = arith.constant 0 : i32
      %dma_wait3A_281 = tpu.memref_slice %arg7[%add3A_279, %dma_wait3A_280] : memref<80x125xi32, #tpu.memory_space<vmem>> -> memref<1x125xi32, #tpu.memory_space<vmem>>
      %dma_wait3A_282 = tpu.memref_squeeze %dma_wait3A_281 : memref<1x125xi32, #tpu.memory_space<vmem>> -> memref<125xi32, #tpu.memory_space<vmem>>
      %dma_wait3A_283 = arith.constant 0 : i32
      %dma_wait3A_284 = arith.constant 0 : i32
      %dma_wait3A_285 = tpu.memref_slice %arg2[%dma_wait3A_283, %dma_wait3A_284] : memref<20000x64xf32, #tpu.memory_space<hbm>> -> memref<20000x64xf32, #tpu.memory_space<hbm>>
      tpu.wait_indirect_dma semaphore(%arg23 : memref<!tpu.dma_semaphore, #tpu.memory_space<semaphore_mem>>) src(%dma_wait3A_285 : memref<20000x64xf32, #tpu.memory_space<hbm>>) dst(%arg14 : memref<125x64xf32, #tpu.memory_space<vmem>>)
      %dma_start3A_286 = arith.constant 0 : i32
      %dma_start3A_287 = tpu.memref_slice %arg8[%add3A_279, %dma_start3A_286] : memref<80x125xi32, #tpu.memory_space<vmem>> -> memref<1x125xi32, #tpu.memory_space<vmem>>
      %dma_start3A_288 = tpu.memref_squeeze %dma_start3A_287 : memref<1x125xi32, #tpu.memory_space<vmem>> -> memref<125xi32, #tpu.memory_space<vmem>>
      %dma_start3A_289 = arith.constant 0 : i32
      %dma_start3A_290 = arith.constant 0 : i32
      %dma_start3A_291 = tpu.memref_slice %arg17[%dma_start3A_289, %dma_start3A_290] : memref<10000x64xf32, #tpu.memory_space<vmem_shared>> -> memref<10000x64xf32, #tpu.memory_space<vmem_shared>>
      tpu.enqueue_indirect_dma source(%arg14 : memref<125x64xf32, #tpu.memory_space<vmem>>) target(%dma_start3A_291 : memref<10000x64xf32, #tpu.memory_space<vmem_shared>>) offsets(%dma_start3A_288 : memref<125xi32, #tpu.memory_space<vmem>>) semaphore(%arg31 : memref<!tpu.dma_semaphore, #tpu.memory_space<semaphore_mem>>) {add = true}
      %sub3A_292 = arith.constant 2 : i32
      %sub3A_293 = arith.subi %add3A_279, %sub3A_292 : i32
      %dma_wait3A_294 = arith.constant 0 : i32
      %dma_wait3A_295 = tpu.memref_slice %arg8[%sub3A_293, %dma_wait3A_294] : memref<80x125xi32, #tpu.memory_space<vmem>> -> memref<1x125xi32, #tpu.memory_space<vmem>>
      %dma_wait3A_296 = tpu.memref_squeeze %dma_wait3A_295 : memref<1x125xi32, #tpu.memory_space<vmem>> -> memref<125xi32, #tpu.memory_space<vmem>>
      %dma_wait3A_297 = arith.constant 0 : i32
      %dma_wait3A_298 = arith.constant 0 : i32
      %dma_wait3A_299 = tpu.memref_slice %arg17[%dma_wait3A_297, %dma_wait3A_298] : memref<10000x64xf32, #tpu.memory_space<vmem_shared>> -> memref<10000x64xf32, #tpu.memory_space<vmem_shared>>
      tpu.wait_indirect_dma semaphore(%arg29 : memref<!tpu.dma_semaphore, #tpu.memory_space<semaphore_mem>>) src(%arg12 : memref<125x64xf32, #tpu.memory_space<vmem>>) dst(%dma_wait3A_299 : memref<10000x64xf32, #tpu.memory_space<vmem_shared>>)
      %lt3A_300 = arith.constant 9 : i32
      %lt3A_301 = arith.cmpi slt, %scan3A_134, %lt3A_300 : i32
      %convert_element_type3A_302 = arith.extui %lt3A_301 : i1 to i32
      %cond3A_303 = arith.constant 0 : i32
      %cond3A_304 = arith.cmpi ne, %convert_element_type3A_302, %cond3A_303 : i32
      scf.if %cond3A_304 {
        %add3A_364 = arith.constant 6 : i32
        %add3A_365 = arith.addi %add3A_279, %add3A_364 : i32
        %dma_start3A_366 = arith.constant 0 : i32
        %dma_start3A_367 = tpu.memref_slice %arg7[%add3A_365, %dma_start3A_366] : memref<80x125xi32, #tpu.memory_space<vmem>> -> memref<1x125xi32, #tpu.memory_space<vmem>>
        %dma_start3A_368 = tpu.memref_squeeze %dma_start3A_367 : memref<1x125xi32, #tpu.memory_space<vmem>> -> memref<125xi32, #tpu.memory_space<vmem>>
        %dma_start3A_369 = arith.constant 0 : i32
        %dma_start3A_370 = arith.constant 0 : i32
        %dma_start3A_371 = tpu.memref_slice %arg2[%dma_start3A_369, %dma_start3A_370] : memref<20000x64xf32, #tpu.memory_space<hbm>> -> memref<20000x64xf32, #tpu.memory_space<hbm>>
        tpu.enqueue_indirect_dma source(%dma_start3A_371 : memref<20000x64xf32, #tpu.memory_space<hbm>>) target(%arg12 : memref<125x64xf32, #tpu.memory_space<vmem>>) offsets(%dma_start3A_368 : memref<125xi32, #tpu.memory_space<vmem>>) semaphore(%arg21 : memref<!tpu.dma_semaphore, #tpu.memory_space<semaphore_mem>>)
      } else {
      }
      %mul3A_305 = arith.constant 8 : i32
      %mul3A_306 = arith.muli %mul3A_305, %scan3A_134 : i32
      %add3A_307 = arith.constant 6 : i32
      %add3A_308 = arith.addi %mul3A_306, %add3A_307 : i32
      %dma_wait3A_309 = arith.constant 0 : i32
      %dma_wait3A_310 = tpu.memref_slice %arg7[%add3A_308, %dma_wait3A_309] : memref<80x125xi32, #tpu.memory_space<vmem>> -> memref<1x125xi32, #tpu.memory_space<vmem>>
      %dma_wait3A_311 = tpu.memref_squeeze %dma_wait3A_310 : memref<1x125xi32, #tpu.memory_space<vmem>> -> memref<125xi32, #tpu.memory_space<vmem>>
      %dma_wait3A_312 = arith.constant 0 : i32
      %dma_wait3A_313 = arith.constant 0 : i32
      %dma_wait3A_314 = tpu.memref_slice %arg2[%dma_wait3A_312, %dma_wait3A_313] : memref<20000x64xf32, #tpu.memory_space<hbm>> -> memref<20000x64xf32, #tpu.memory_space<hbm>>
      tpu.wait_indirect_dma semaphore(%arg24 : memref<!tpu.dma_semaphore, #tpu.memory_space<semaphore_mem>>) src(%dma_wait3A_314 : memref<20000x64xf32, #tpu.memory_space<hbm>>) dst(%arg15 : memref<125x64xf32, #tpu.memory_space<vmem>>)
      %dma_start3A_315 = arith.constant 0 : i32
      %dma_start3A_316 = tpu.memref_slice %arg8[%add3A_308, %dma_start3A_315] : memref<80x125xi32, #tpu.memory_space<vmem>> -> memref<1x125xi32, #tpu.memory_space<vmem>>
      %dma_start3A_317 = tpu.memref_squeeze %dma_start3A_316 : memref<1x125xi32, #tpu.memory_space<vmem>> -> memref<125xi32, #tpu.memory_space<vmem>>
      %dma_start3A_318 = arith.constant 0 : i32
      %dma_start3A_319 = arith.constant 0 : i32
      %dma_start3A_320 = tpu.memref_slice %arg17[%dma_start3A_318, %dma_start3A_319] : memref<10000x64xf32, #tpu.memory_space<vmem_shared>> -> memref<10000x64xf32, #tpu.memory_space<vmem_shared>>
      tpu.enqueue_indirect_dma source(%arg15 : memref<125x64xf32, #tpu.memory_space<vmem>>) target(%dma_start3A_320 : memref<10000x64xf32, #tpu.memory_space<vmem_shared>>) offsets(%dma_start3A_317 : memref<125xi32, #tpu.memory_space<vmem>>) semaphore(%arg32 : memref<!tpu.dma_semaphore, #tpu.memory_space<semaphore_mem>>) {add = true}
      %sub3A_321 = arith.constant 2 : i32
      %sub3A_322 = arith.subi %add3A_308, %sub3A_321 : i32
      %dma_wait3A_323 = arith.constant 0 : i32
      %dma_wait3A_324 = tpu.memref_slice %arg8[%sub3A_322, %dma_wait3A_323] : memref<80x125xi32, #tpu.memory_space<vmem>> -> memref<1x125xi32, #tpu.memory_space<vmem>>
      %dma_wait3A_325 = tpu.memref_squeeze %dma_wait3A_324 : memref<1x125xi32, #tpu.memory_space<vmem>> -> memref<125xi32, #tpu.memory_space<vmem>>
      %dma_wait3A_326 = arith.constant 0 : i32
      %dma_wait3A_327 = arith.constant 0 : i32
      %dma_wait3A_328 = tpu.memref_slice %arg17[%dma_wait3A_326, %dma_wait3A_327] : memref<10000x64xf32, #tpu.memory_space<vmem_shared>> -> memref<10000x64xf32, #tpu.memory_space<vmem_shared>>
      tpu.wait_indirect_dma semaphore(%arg30 : memref<!tpu.dma_semaphore, #tpu.memory_space<semaphore_mem>>) src(%arg13 : memref<125x64xf32, #tpu.memory_space<vmem>>) dst(%dma_wait3A_328 : memref<10000x64xf32, #tpu.memory_space<vmem_shared>>)
      %lt3A_329 = arith.constant 9 : i32
      %lt3A_330 = arith.cmpi slt, %scan3A_134, %lt3A_329 : i32
      %convert_element_type3A_331 = arith.extui %lt3A_330 : i1 to i32
      %cond3A_332 = arith.constant 0 : i32
      %cond3A_333 = arith.cmpi ne, %convert_element_type3A_331, %cond3A_332 : i32
      scf.if %cond3A_333 {
        %add3A_364 = arith.constant 6 : i32
        %add3A_365 = arith.addi %add3A_308, %add3A_364 : i32
        %dma_start3A_366 = arith.constant 0 : i32
        %dma_start3A_367 = tpu.memref_slice %arg7[%add3A_365, %dma_start3A_366] : memref<80x125xi32, #tpu.memory_space<vmem>> -> memref<1x125xi32, #tpu.memory_space<vmem>>
        %dma_start3A_368 = tpu.memref_squeeze %dma_start3A_367 : memref<1x125xi32, #tpu.memory_space<vmem>> -> memref<125xi32, #tpu.memory_space<vmem>>
        %dma_start3A_369 = arith.constant 0 : i32
        %dma_start3A_370 = arith.constant 0 : i32
        %dma_start3A_371 = tpu.memref_slice %arg2[%dma_start3A_369, %dma_start3A_370] : memref<20000x64xf32, #tpu.memory_space<hbm>> -> memref<20000x64xf32, #tpu.memory_space<hbm>>
        tpu.enqueue_indirect_dma source(%dma_start3A_371 : memref<20000x64xf32, #tpu.memory_space<hbm>>) target(%arg13 : memref<125x64xf32, #tpu.memory_space<vmem>>) offsets(%dma_start3A_368 : memref<125xi32, #tpu.memory_space<vmem>>) semaphore(%arg22 : memref<!tpu.dma_semaphore, #tpu.memory_space<semaphore_mem>>)
      } else {
      }
      %mul3A_334 = arith.constant 8 : i32
      %mul3A_335 = arith.muli %mul3A_334, %scan3A_134 : i32
      %add3A_336 = arith.constant 7 : i32
      %add3A_337 = arith.addi %mul3A_335, %add3A_336 : i32
      %dma_wait3A_338 = arith.constant 0 : i32
      %dma_wait3A_339 = tpu.memref_slice %arg7[%add3A_337, %dma_wait3A_338] : memref<80x125xi32, #tpu.memory_space<vmem>> -> memref<1x125xi32, #tpu.memory_space<vmem>>
      %dma_wait3A_340 = tpu.memref_squeeze %dma_wait3A_339 : memref<1x125xi32, #tpu.memory_space<vmem>> -> memref<125xi32, #tpu.memory_space<vmem>>
      %dma_wait3A_341 = arith.constant 0 : i32
      %dma_wait3A_342 = arith.constant 0 : i32
      %dma_wait3A_343 = tpu.memref_slice %arg2[%dma_wait3A_341, %dma_wait3A_342] : memref<20000x64xf32, #tpu.memory_space<hbm>> -> memref<20000x64xf32, #tpu.memory_space<hbm>>
      tpu.wait_indirect_dma semaphore(%arg25 : memref<!tpu.dma_semaphore, #tpu.memory_space<semaphore_mem>>) src(%dma_wait3A_343 : memref<20000x64xf32, #tpu.memory_space<hbm>>) dst(%arg16 : memref<125x64xf32, #tpu.memory_space<vmem>>)
      %dma_start3A_344 = arith.constant 0 : i32
      %dma_start3A_345 = tpu.memref_slice %arg8[%add3A_337, %dma_start3A_344] : memref<80x125xi32, #tpu.memory_space<vmem>> -> memref<1x125xi32, #tpu.memory_space<vmem>>
      %dma_start3A_346 = tpu.memref_squeeze %dma_start3A_345 : memref<1x125xi32, #tpu.memory_space<vmem>> -> memref<125xi32, #tpu.memory_space<vmem>>
      %dma_start3A_347 = arith.constant 0 : i32
      %dma_start3A_348 = arith.constant 0 : i32
      %dma_start3A_349 = tpu.memref_slice %arg17[%dma_start3A_347, %dma_start3A_348] : memref<10000x64xf32, #tpu.memory_space<vmem_shared>> -> memref<10000x64xf32, #tpu.memory_space<vmem_shared>>
      tpu.enqueue_indirect_dma source(%arg16 : memref<125x64xf32, #tpu.memory_space<vmem>>) target(%dma_start3A_349 : memref<10000x64xf32, #tpu.memory_space<vmem_shared>>) offsets(%dma_start3A_346 : memref<125xi32, #tpu.memory_space<vmem>>) semaphore(%arg33 : memref<!tpu.dma_semaphore, #tpu.memory_space<semaphore_mem>>) {add = true}
      %sub3A_350 = arith.constant 2 : i32
      %sub3A_351 = arith.subi %add3A_337, %sub3A_350 : i32
      %dma_wait3A_352 = arith.constant 0 : i32
      %dma_wait3A_353 = tpu.memref_slice %arg8[%sub3A_351, %dma_wait3A_352] : memref<80x125xi32, #tpu.memory_space<vmem>> -> memref<1x125xi32, #tpu.memory_space<vmem>>
      %dma_wait3A_354 = tpu.memref_squeeze %dma_wait3A_353 : memref<1x125xi32, #tpu.memory_space<vmem>> -> memref<125xi32, #tpu.memory_space<vmem>>
      %dma_wait3A_355 = arith.constant 0 : i32
      %dma_wait3A_356 = arith.constant 0 : i32
      %dma_wait3A_357 = tpu.memref_slice %arg17[%dma_wait3A_355, %dma_wait3A_356] : memref<10000x64xf32, #tpu.memory_space<vmem_shared>> -> memref<10000x64xf32, #tpu.memory_space<vmem_shared>>
      tpu.wait_indirect_dma semaphore(%arg31 : memref<!tpu.dma_semaphore, #tpu.memory_space<semaphore_mem>>) src(%arg14 : memref<125x64xf32, #tpu.memory_space<vmem>>) dst(%dma_wait3A_357 : memref<10000x64xf32, #tpu.memory_space<vmem_shared>>)
      %lt3A_358 = arith.constant 9 : i32
      %lt3A_359 = arith.cmpi slt, %scan3A_134, %lt3A_358 : i32
      %convert_element_type3A_360 = arith.extui %lt3A_359 : i1 to i32
      %cond3A_361 = arith.constant 0 : i32
      %cond3A_362 = arith.cmpi ne, %convert_element_type3A_360, %cond3A_361 : i32
      scf.if %cond3A_362 {
        %add3A_364 = arith.constant 6 : i32
        %add3A_365 = arith.addi %add3A_337, %add3A_364 : i32
        %dma_start3A_366 = arith.constant 0 : i32
        %dma_start3A_367 = tpu.memref_slice %arg7[%add3A_365, %dma_start3A_366] : memref<80x125xi32, #tpu.memory_space<vmem>> -> memref<1x125xi32, #tpu.memory_space<vmem>>
        %dma_start3A_368 = tpu.memref_squeeze %dma_start3A_367 : memref<1x125xi32, #tpu.memory_space<vmem>> -> memref<125xi32, #tpu.memory_space<vmem>>
        %dma_start3A_369 = arith.constant 0 : i32
        %dma_start3A_370 = arith.constant 0 : i32
        %dma_start3A_371 = tpu.memref_slice %arg2[%dma_start3A_369, %dma_start3A_370] : memref<20000x64xf32, #tpu.memory_space<hbm>> -> memref<20000x64xf32, #tpu.memory_space<hbm>>
        tpu.enqueue_indirect_dma source(%dma_start3A_371 : memref<20000x64xf32, #tpu.memory_space<hbm>>) target(%arg14 : memref<125x64xf32, #tpu.memory_space<vmem>>) offsets(%dma_start3A_368 : memref<125xi32, #tpu.memory_space<vmem>>) semaphore(%arg23 : memref<!tpu.dma_semaphore, #tpu.memory_space<semaphore_mem>>)
      } else {
      }
      %scan3A_363 = arith.constant 0 : i32
      scf.yield %scan3A_363 : i32
    }
    %scan3A_50 = arith.constant 10 : i32
    %dma_wait3A = arith.constant 78 : i32
    %dma_wait3A_51 = arith.constant 0 : i32
    %dma_wait3A_52 = tpu.memref_slice %arg8[%dma_wait3A, %dma_wait3A_51] : memref<80x125xi32, #tpu.memory_space<vmem>> -> memref<1x125xi32, #tpu.memory_space<vmem>>
    %dma_wait3A_53 = tpu.memref_squeeze %dma_wait3A_52 : memref<1x125xi32, #tpu.memory_space<vmem>> -> memref<125xi32, #tpu.memory_space<vmem>>
    %dma_wait3A_54 = arith.constant 0 : i32
    %dma_wait3A_55 = arith.constant 0 : i32
    %dma_wait3A_56 = tpu.memref_slice %arg17[%dma_wait3A_54, %dma_wait3A_55] : memref<10000x64xf32, #tpu.memory_space<vmem_shared>> -> memref<10000x64xf32, #tpu.memory_space<vmem_shared>>
    tpu.wait_indirect_dma semaphore(%arg32 : memref<!tpu.dma_semaphore, #tpu.memory_space<semaphore_mem>>) src(%arg15 : memref<125x64xf32, #tpu.memory_space<vmem>>) dst(%dma_wait3A_56 : memref<10000x64xf32, #tpu.memory_space<vmem_shared>>)
    %dma_wait3A_57 = arith.constant 79 : i32
    %dma_wait3A_58 = arith.constant 0 : i32
    %dma_wait3A_59 = tpu.memref_slice %arg8[%dma_wait3A_57, %dma_wait3A_58] : memref<80x125xi32, #tpu.memory_space<vmem>> -> memref<1x125xi32, #tpu.memory_space<vmem>>
    %dma_wait3A_60 = tpu.memref_squeeze %dma_wait3A_59 : memref<1x125xi32, #tpu.memory_space<vmem>> -> memref<125xi32, #tpu.memory_space<vmem>>
    %dma_wait3A_61 = arith.constant 0 : i32
    %dma_wait3A_62 = arith.constant 0 : i32
    %dma_wait3A_63 = tpu.memref_slice %arg17[%dma_wait3A_61, %dma_wait3A_62] : memref<10000x64xf32, #tpu.memory_space<vmem_shared>> -> memref<10000x64xf32, #tpu.memory_space<vmem_shared>>
    tpu.wait_indirect_dma semaphore(%arg33 : memref<!tpu.dma_semaphore, #tpu.memory_space<semaphore_mem>>) src(%arg16 : memref<125x64xf32, #tpu.memory_space<vmem>>) dst(%dma_wait3A_63 : memref<10000x64xf32, #tpu.memory_space<vmem_shared>>)
    %run_scoped3A_64 = arith.constant 1 : i32
    "tpu.region"() ({
      %run_scoped3A_134 = tpu.sem_alloc : memref<!tpu.dma_semaphore, #tpu.memory_space<semaphore_mem>>
      %dma_start3A_135 = arith.constant 0 : i32
      %dma_start3A_136 = arith.constant 0 : i32
      %dma_start3A_137 = tpu.memref_slice %arg3[%arg0, %arg1, %run_scoped3A_64, %dma_start3A_135, %dma_start3A_136] : memref<2x16x2x80x125xi32, #tpu.memory_space<hbm>> -> memref<1x1x1x80x125xi32, #tpu.memory_space<hbm>>
      %dma_start3A_138 = tpu.memref_squeeze %dma_start3A_137 : memref<1x1x1x80x125xi32, #tpu.memory_space<hbm>> -> memref<80x125xi32, #tpu.memory_space<hbm>>
      %dma_start3A_139 = arith.constant 0 : i32
      %dma_start3A_140 = arith.constant 0 : i32
      %dma_start3A_141 = tpu.memref_slice %arg3[%arg0, %arg1, %run_scoped3A_64, %dma_start3A_139, %dma_start3A_140] : memref<2x16x2x80x125xi32, #tpu.memory_space<hbm>> -> memref<1x1x1x80x125xi32, #tpu.memory_space<hbm>>
      %dma_start3A_142 = tpu.memref_squeeze %dma_start3A_141 : memref<1x1x1x80x125xi32, #tpu.memory_space<hbm>> -> memref<80x125xi32, #tpu.memory_space<hbm>>
      tpu.enqueue_dma source(%dma_start3A_142 : memref<80x125xi32, #tpu.memory_space<hbm>>) target(%arg7 : memref<80x125xi32, #tpu.memory_space<vmem>>) target_semaphore(%run_scoped3A_134 : memref<!tpu.dma_semaphore, #tpu.memory_space<semaphore_mem>>)
      %dma_wait3A_143 = arith.constant 0 : i32
      %dma_wait3A_144 = arith.constant 0 : i32
      %dma_wait3A_145 = tpu.memref_slice %arg3[%arg0, %arg1, %run_scoped3A_64, %dma_wait3A_143, %dma_wait3A_144] : memref<2x16x2x80x125xi32, #tpu.memory_space<hbm>> -> memref<1x1x1x80x125xi32, #tpu.memory_space<hbm>>
      %dma_wait3A_146 = tpu.memref_squeeze %dma_wait3A_145 : memref<1x1x1x80x125xi32, #tpu.memory_space<hbm>> -> memref<80x125xi32, #tpu.memory_space<hbm>>
      %dma_wait3A_147 = arith.constant 0 : i32
      %dma_wait3A_148 = arith.constant 0 : i32
      %dma_wait3A_149 = tpu.memref_slice %arg3[%arg0, %arg1, %run_scoped3A_64, %dma_wait3A_147, %dma_wait3A_148] : memref<2x16x2x80x125xi32, #tpu.memory_space<hbm>> -> memref<1x1x1x80x125xi32, #tpu.memory_space<hbm>>
      %dma_wait3A_150 = tpu.memref_squeeze %dma_wait3A_149 : memref<1x1x1x80x125xi32, #tpu.memory_space<hbm>> -> memref<80x125xi32, #tpu.memory_space<hbm>>
      tpu.wait_dma2 semaphore(%run_scoped3A_134 : memref<!tpu.dma_semaphore, #tpu.memory_space<semaphore_mem>>) src(%dma_wait3A_150 : memref<80x125xi32, #tpu.memory_space<hbm>>) dst(%arg7 : memref<80x125xi32, #tpu.memory_space<vmem>>)
      tpu.yield
    }) : () -> ()
    %run_scoped3A_65 = arith.constant 1 : i32
    "tpu.region"() ({
      %run_scoped3A_134 = tpu.sem_alloc : memref<!tpu.dma_semaphore, #tpu.memory_space<semaphore_mem>>
      %dma_start3A_135 = arith.constant 0 : i32
      %dma_start3A_136 = arith.constant 0 : i32
      %dma_start3A_137 = tpu.memref_slice %arg4[%arg1, %run_scoped3A_65, %dma_start3A_135, %dma_start3A_136] : memref<16x2x80x125xi32, #tpu.memory_space<hbm>> -> memref<1x1x80x125xi32, #tpu.memory_space<hbm>>
      %dma_start3A_138 = tpu.memref_squeeze %dma_start3A_137 : memref<1x1x80x125xi32, #tpu.memory_space<hbm>> -> memref<80x125xi32, #tpu.memory_space<hbm>>
      %dma_start3A_139 = arith.constant 0 : i32
      %dma_start3A_140 = arith.constant 0 : i32
      %dma_start3A_141 = tpu.memref_slice %arg4[%arg1, %run_scoped3A_65, %dma_start3A_139, %dma_start3A_140] : memref<16x2x80x125xi32, #tpu.memory_space<hbm>> -> memref<1x1x80x125xi32, #tpu.memory_space<hbm>>
      %dma_start3A_142 = tpu.memref_squeeze %dma_start3A_141 : memref<1x1x80x125xi32, #tpu.memory_space<hbm>> -> memref<80x125xi32, #tpu.memory_space<hbm>>
      tpu.enqueue_dma source(%dma_start3A_142 : memref<80x125xi32, #tpu.memory_space<hbm>>) target(%arg8 : memref<80x125xi32, #tpu.memory_space<vmem>>) target_semaphore(%run_scoped3A_134 : memref<!tpu.dma_semaphore, #tpu.memory_space<semaphore_mem>>)
      %dma_wait3A_143 = arith.constant 0 : i32
      %dma_wait3A_144 = arith.constant 0 : i32
      %dma_wait3A_145 = tpu.memref_slice %arg4[%arg1, %run_scoped3A_65, %dma_wait3A_143, %dma_wait3A_144] : memref<16x2x80x125xi32, #tpu.memory_space<hbm>> -> memref<1x1x80x125xi32, #tpu.memory_space<hbm>>
      %dma_wait3A_146 = tpu.memref_squeeze %dma_wait3A_145 : memref<1x1x80x125xi32, #tpu.memory_space<hbm>> -> memref<80x125xi32, #tpu.memory_space<hbm>>
      %dma_wait3A_147 = arith.constant 0 : i32
      %dma_wait3A_148 = arith.constant 0 : i32
      %dma_wait3A_149 = tpu.memref_slice %arg4[%arg1, %run_scoped3A_65, %dma_wait3A_147, %dma_wait3A_148] : memref<16x2x80x125xi32, #tpu.memory_space<hbm>> -> memref<1x1x80x125xi32, #tpu.memory_space<hbm>>
      %dma_wait3A_150 = tpu.memref_squeeze %dma_wait3A_149 : memref<1x1x80x125xi32, #tpu.memory_space<hbm>> -> memref<80x125xi32, #tpu.memory_space<hbm>>
      tpu.wait_dma2 semaphore(%run_scoped3A_134 : memref<!tpu.dma_semaphore, #tpu.memory_space<semaphore_mem>>) src(%dma_wait3A_150 : memref<80x125xi32, #tpu.memory_space<hbm>>) dst(%arg8 : memref<80x125xi32, #tpu.memory_space<vmem>>)
      tpu.yield
    }) : () -> ()
    %dma_start3A_66 = arith.constant 0 : i32
    %dma_start3A_67 = arith.constant 0 : i32
    %dma_start3A_68 = tpu.memref_slice %arg7[%dma_start3A_66, %dma_start3A_67] : memref<80x125xi32, #tpu.memory_space<vmem>> -> memref<1x125xi32, #tpu.memory_space<vmem>>
    %dma_start3A_69 = tpu.memref_squeeze %dma_start3A_68 : memref<1x125xi32, #tpu.memory_space<vmem>> -> memref<125xi32, #tpu.memory_space<vmem>>
    %dma_start3A_70 = arith.constant 0 : i32
    %dma_start3A_71 = arith.constant 0 : i32
    %dma_start3A_72 = tpu.memref_slice %arg2[%dma_start3A_70, %dma_start3A_71] : memref<20000x64xf32, #tpu.memory_space<hbm>> -> memref<20000x64xf32, #tpu.memory_space<hbm>>
    tpu.enqueue_indirect_dma source(%dma_start3A_72 : memref<20000x64xf32, #tpu.memory_space<hbm>>) target(%arg9 : memref<125x64xf32, #tpu.memory_space<vmem>>) offsets(%dma_start3A_69 : memref<125xi32, #tpu.memory_space<vmem>>) semaphore(%arg18 : memref<!tpu.dma_semaphore, #tpu.memory_space<semaphore_mem>>)
    %dma_start3A_73 = arith.constant 1 : i32
    %dma_start3A_74 = arith.constant 0 : i32
    %dma_start3A_75 = tpu.memref_slice %arg7[%dma_start3A_73, %dma_start3A_74] : memref<80x125xi32, #tpu.memory_space<vmem>> -> memref<1x125xi32, #tpu.memory_space<vmem>>
    %dma_start3A_76 = tpu.memref_squeeze %dma_start3A_75 : memref<1x125xi32, #tpu.memory_space<vmem>> -> memref<125xi32, #tpu.memory_space<vmem>>
    %dma_start3A_77 = arith.constant 0 : i32
    %dma_start3A_78 = arith.constant 0 : i32
    %dma_start3A_79 = tpu.memref_slice %arg2[%dma_start3A_77, %dma_start3A_78] : memref<20000x64xf32, #tpu.memory_space<hbm>> -> memref<20000x64xf32, #tpu.memory_space<hbm>>
    tpu.enqueue_indirect_dma source(%dma_start3A_79 : memref<20000x64xf32, #tpu.memory_space<hbm>>) target(%arg10 : memref<125x64xf32, #tpu.memory_space<vmem>>) offsets(%dma_start3A_76 : memref<125xi32, #tpu.memory_space<vmem>>) semaphore(%arg19 : memref<!tpu.dma_semaphore, #tpu.memory_space<semaphore_mem>>)
    %dma_start3A_80 = arith.constant 2 : i32
    %dma_start3A_81 = arith.constant 0 : i32
    %dma_start3A_82 = tpu.memref_slice %arg7[%dma_start3A_80, %dma_start3A_81] : memref<80x125xi32, #tpu.memory_space<vmem>> -> memref<1x125xi32, #tpu.memory_space<vmem>>
    %dma_start3A_83 = tpu.memref_squeeze %dma_start3A_82 : memref<1x125xi32, #tpu.memory_space<vmem>> -> memref<125xi32, #tpu.memory_space<vmem>>
    %dma_start3A_84 = arith.constant 0 : i32
    %dma_start3A_85 = arith.constant 0 : i32
    %dma_start3A_86 = tpu.memref_slice %arg2[%dma_start3A_84, %dma_start3A_85] : memref<20000x64xf32, #tpu.memory_space<hbm>> -> memref<20000x64xf32, #tpu.memory_space<hbm>>
    tpu.enqueue_indirect_dma source(%dma_start3A_86 : memref<20000x64xf32, #tpu.memory_space<hbm>>) target(%arg11 : memref<125x64xf32, #tpu.memory_space<vmem>>) offsets(%dma_start3A_83 : memref<125xi32, #tpu.memory_space<vmem>>) semaphore(%arg20 : memref<!tpu.dma_semaphore, #tpu.memory_space<semaphore_mem>>)
    %dma_start3A_87 = arith.constant 3 : i32
    %dma_start3A_88 = arith.constant 0 : i32
    %dma_start3A_89 = tpu.memref_slice %arg7[%dma_start3A_87, %dma_start3A_88] : memref<80x125xi32, #tpu.memory_space<vmem>> -> memref<1x125xi32, #tpu.memory_space<vmem>>
    %dma_start3A_90 = tpu.memref_squeeze %dma_start3A_89 : memref<1x125xi32, #tpu.memory_space<vmem>> -> memref<125xi32, #tpu.memory_space<vmem>>
    %dma_start3A_91 = arith.constant 0 : i32
    %dma_start3A_92 = arith.constant 0 : i32
    %dma_start3A_93 = tpu.memref_slice %arg2[%dma_start3A_91, %dma_start3A_92] : memref<20000x64xf32, #tpu.memory_space<hbm>> -> memref<20000x64xf32, #tpu.memory_space<hbm>>
    tpu.enqueue_indirect_dma source(%dma_start3A_93 : memref<20000x64xf32, #tpu.memory_space<hbm>>) target(%arg12 : memref<125x64xf32, #tpu.memory_space<vmem>>) offsets(%dma_start3A_90 : memref<125xi32, #tpu.memory_space<vmem>>) semaphore(%arg21 : memref<!tpu.dma_semaphore, #tpu.memory_space<semaphore_mem>>)
    %dma_start3A_94 = arith.constant 4 : i32
    %dma_start3A_95 = arith.constant 0 : i32
    %dma_start3A_96 = tpu.memref_slice %arg7[%dma_start3A_94, %dma_start3A_95] : memref<80x125xi32, #tpu.memory_space<vmem>> -> memref<1x125xi32, #tpu.memory_space<vmem>>
    %dma_start3A_97 = tpu.memref_squeeze %dma_start3A_96 : memref<1x125xi32, #tpu.memory_space<vmem>> -> memref<125xi32, #tpu.memory_space<vmem>>
    %dma_start3A_98 = arith.constant 0 : i32
    %dma_start3A_99 = arith.constant 0 : i32
    %dma_start3A_100 = tpu.memref_slice %arg2[%dma_start3A_98, %dma_start3A_99] : memref<20000x64xf32, #tpu.memory_space<hbm>> -> memref<20000x64xf32, #tpu.memory_space<hbm>>
    tpu.enqueue_indirect_dma source(%dma_start3A_100 : memref<20000x64xf32, #tpu.memory_space<hbm>>) target(%arg13 : memref<125x64xf32, #tpu.memory_space<vmem>>) offsets(%dma_start3A_97 : memref<125xi32, #tpu.memory_space<vmem>>) semaphore(%arg22 : memref<!tpu.dma_semaphore, #tpu.memory_space<semaphore_mem>>)
    %dma_start3A_101 = arith.constant 5 : i32
    %dma_start3A_102 = arith.constant 0 : i32
    %dma_start3A_103 = tpu.memref_slice %arg7[%dma_start3A_101, %dma_start3A_102] : memref<80x125xi32, #tpu.memory_space<vmem>> -> memref<1x125xi32, #tpu.memory_space<vmem>>
    %dma_start3A_104 = tpu.memref_squeeze %dma_start3A_103 : memref<1x125xi32, #tpu.memory_space<vmem>> -> memref<125xi32, #tpu.memory_space<vmem>>
    %dma_start3A_105 = arith.constant 0 : i32
    %dma_start3A_106 = arith.constant 0 : i32
    %dma_start3A_107 = tpu.memref_slice %arg2[%dma_start3A_105, %dma_start3A_106] : memref<20000x64xf32, #tpu.memory_space<hbm>> -> memref<20000x64xf32, #tpu.memory_space<hbm>>
    tpu.enqueue_indirect_dma source(%dma_start3A_107 : memref<20000x64xf32, #tpu.memory_space<hbm>>) target(%arg14 : memref<125x64xf32, #tpu.memory_space<vmem>>) offsets(%dma_start3A_104 : memref<125xi32, #tpu.memory_space<vmem>>) semaphore(%arg23 : memref<!tpu.dma_semaphore, #tpu.memory_space<semaphore_mem>>)
    %scan3A_108 = arith.constant 0 : i32
    %scan3A_109 = arith.constant 0 : i32
    %scan3A_110 = arith.constant 10 : i32
    %scan3A_111 = arith.addi %scan3A_109, %scan3A_110 : i32
    %scan3A_112 = arith.constant 1 : i32
    %scan3A_113 = scf.for %scan3A_134 = %scan3A_109 to %scan3A_111 step %scan3A_112 iter_args(%scan3A_135 = %scan3A_108) -> (i32)  : i32 {
      %mul3A_136 = arith.constant 8 : i32
      %mul3A_137 = arith.muli %mul3A_136, %scan3A_134 : i32
      %add3A_138 = arith.constant 0 : i32
      %add3A_139 = arith.addi %mul3A_137, %add3A_138 : i32
      %dma_wait3A_140 = arith.constant 0 : i32
      %dma_wait3A_141 = tpu.memref_slice %arg7[%add3A_139, %dma_wait3A_140] : memref<80x125xi32, #tpu.memory_space<vmem>> -> memref<1x125xi32, #tpu.memory_space<vmem>>
      %dma_wait3A_142 = tpu.memref_squeeze %dma_wait3A_141 : memref<1x125xi32, #tpu.memory_space<vmem>> -> memref<125xi32, #tpu.memory_space<vmem>>
      %dma_wait3A_143 = arith.constant 0 : i32
      %dma_wait3A_144 = arith.constant 0 : i32
      %dma_wait3A_145 = tpu.memref_slice %arg2[%dma_wait3A_143, %dma_wait3A_144] : memref<20000x64xf32, #tpu.memory_space<hbm>> -> memref<20000x64xf32, #tpu.memory_space<hbm>>
      tpu.wait_indirect_dma semaphore(%arg18 : memref<!tpu.dma_semaphore, #tpu.memory_space<semaphore_mem>>) src(%dma_wait3A_145 : memref<20000x64xf32, #tpu.memory_space<hbm>>) dst(%arg9 : memref<125x64xf32, #tpu.memory_space<vmem>>)
      %dma_start3A_146 = arith.constant 0 : i32
      %dma_start3A_147 = tpu.memref_slice %arg8[%add3A_139, %dma_start3A_146] : memref<80x125xi32, #tpu.memory_space<vmem>> -> memref<1x125xi32, #tpu.memory_space<vmem>>
      %dma_start3A_148 = tpu.memref_squeeze %dma_start3A_147 : memref<1x125xi32, #tpu.memory_space<vmem>> -> memref<125xi32, #tpu.memory_space<vmem>>
      %dma_start3A_149 = arith.constant 0 : i32
      %dma_start3A_150 = arith.constant 0 : i32
      %dma_start3A_151 = tpu.memref_slice %arg17[%dma_start3A_149, %dma_start3A_150] : memref<10000x64xf32, #tpu.memory_space<vmem_shared>> -> memref<10000x64xf32, #tpu.memory_space<vmem_shared>>
      tpu.enqueue_indirect_dma source(%arg9 : memref<125x64xf32, #tpu.memory_space<vmem>>) target(%dma_start3A_151 : memref<10000x64xf32, #tpu.memory_space<vmem_shared>>) offsets(%dma_start3A_148 : memref<125xi32, #tpu.memory_space<vmem>>) semaphore(%arg26 : memref<!tpu.dma_semaphore, #tpu.memory_space<semaphore_mem>>) {add = true}
      %gt3A = arith.constant 0 : i32
      %gt3A_152 = arith.cmpi sgt, %scan3A_134, %gt3A : i32
      %convert_element_type3A = arith.extui %gt3A_152 : i1 to i32
      %cond3A = arith.constant 0 : i32
      %cond3A_153 = arith.cmpi ne, %convert_element_type3A, %cond3A : i32
      scf.if %cond3A_153 {
        %sub3A_364 = arith.constant 2 : i32
        %sub3A_365 = arith.subi %add3A_139, %sub3A_364 : i32
        %dma_wait3A_366 = arith.constant 0 : i32
        %dma_wait3A_367 = tpu.memref_slice %arg8[%sub3A_365, %dma_wait3A_366] : memref<80x125xi32, #tpu.memory_space<vmem>> -> memref<1x125xi32, #tpu.memory_space<vmem>>
        %dma_wait3A_368 = tpu.memref_squeeze %dma_wait3A_367 : memref<1x125xi32, #tpu.memory_space<vmem>> -> memref<125xi32, #tpu.memory_space<vmem>>
        %dma_wait3A_369 = arith.constant 0 : i32
        %dma_wait3A_370 = arith.constant 0 : i32
        %dma_wait3A_371 = tpu.memref_slice %arg17[%dma_wait3A_369, %dma_wait3A_370] : memref<10000x64xf32, #tpu.memory_space<vmem_shared>> -> memref<10000x64xf32, #tpu.memory_space<vmem_shared>>
        tpu.wait_indirect_dma semaphore(%arg32 : memref<!tpu.dma_semaphore, #tpu.memory_space<semaphore_mem>>) src(%arg15 : memref<125x64xf32, #tpu.memory_space<vmem>>) dst(%dma_wait3A_371 : memref<10000x64xf32, #tpu.memory_space<vmem_shared>>)
      } else {
      }
      %add3A_154 = arith.constant 6 : i32
      %add3A_155 = arith.addi %add3A_139, %add3A_154 : i32
      %dma_start3A_156 = arith.constant 0 : i32
      %dma_start3A_157 = tpu.memref_slice %arg7[%add3A_155, %dma_start3A_156] : memref<80x125xi32, #tpu.memory_space<vmem>> -> memref<1x125xi32, #tpu.memory_space<vmem>>
      %dma_start3A_158 = tpu.memref_squeeze %dma_start3A_157 : memref<1x125xi32, #tpu.memory_space<vmem>> -> memref<125xi32, #tpu.memory_space<vmem>>
      %dma_start3A_159 = arith.constant 0 : i32
      %dma_start3A_160 = arith.constant 0 : i32
      %dma_start3A_161 = tpu.memref_slice %arg2[%dma_start3A_159, %dma_start3A_160] : memref<20000x64xf32, #tpu.memory_space<hbm>> -> memref<20000x64xf32, #tpu.memory_space<hbm>>
      tpu.enqueue_indirect_dma source(%dma_start3A_161 : memref<20000x64xf32, #tpu.memory_space<hbm>>) target(%arg15 : memref<125x64xf32, #tpu.memory_space<vmem>>) offsets(%dma_start3A_158 : memref<125xi32, #tpu.memory_space<vmem>>) semaphore(%arg24 : memref<!tpu.dma_semaphore, #tpu.memory_space<semaphore_mem>>)
      %mul3A_162 = arith.constant 8 : i32
      %mul3A_163 = arith.muli %mul3A_162, %scan3A_134 : i32
      %add3A_164 = arith.constant 1 : i32
      %add3A_165 = arith.addi %mul3A_163, %add3A_164 : i32
      %dma_wait3A_166 = arith.constant 0 : i32
      %dma_wait3A_167 = tpu.memref_slice %arg7[%add3A_165, %dma_wait3A_166] : memref<80x125xi32, #tpu.memory_space<vmem>> -> memref<1x125xi32, #tpu.memory_space<vmem>>
      %dma_wait3A_168 = tpu.memref_squeeze %dma_wait3A_167 : memref<1x125xi32, #tpu.memory_space<vmem>> -> memref<125xi32, #tpu.memory_space<vmem>>
      %dma_wait3A_169 = arith.constant 0 : i32
      %dma_wait3A_170 = arith.constant 0 : i32
      %dma_wait3A_171 = tpu.memref_slice %arg2[%dma_wait3A_169, %dma_wait3A_170] : memref<20000x64xf32, #tpu.memory_space<hbm>> -> memref<20000x64xf32, #tpu.memory_space<hbm>>
      tpu.wait_indirect_dma semaphore(%arg19 : memref<!tpu.dma_semaphore, #tpu.memory_space<semaphore_mem>>) src(%dma_wait3A_171 : memref<20000x64xf32, #tpu.memory_space<hbm>>) dst(%arg10 : memref<125x64xf32, #tpu.memory_space<vmem>>)
      %dma_start3A_172 = arith.constant 0 : i32
      %dma_start3A_173 = tpu.memref_slice %arg8[%add3A_165, %dma_start3A_172] : memref<80x125xi32, #tpu.memory_space<vmem>> -> memref<1x125xi32, #tpu.memory_space<vmem>>
      %dma_start3A_174 = tpu.memref_squeeze %dma_start3A_173 : memref<1x125xi32, #tpu.memory_space<vmem>> -> memref<125xi32, #tpu.memory_space<vmem>>
      %dma_start3A_175 = arith.constant 0 : i32
      %dma_start3A_176 = arith.constant 0 : i32
      %dma_start3A_177 = tpu.memref_slice %arg17[%dma_start3A_175, %dma_start3A_176] : memref<10000x64xf32, #tpu.memory_space<vmem_shared>> -> memref<10000x64xf32, #tpu.memory_space<vmem_shared>>
      tpu.enqueue_indirect_dma source(%arg10 : memref<125x64xf32, #tpu.memory_space<vmem>>) target(%dma_start3A_177 : memref<10000x64xf32, #tpu.memory_space<vmem_shared>>) offsets(%dma_start3A_174 : memref<125xi32, #tpu.memory_space<vmem>>) semaphore(%arg27 : memref<!tpu.dma_semaphore, #tpu.memory_space<semaphore_mem>>) {add = true}
      %gt3A_178 = arith.constant 0 : i32
      %gt3A_179 = arith.cmpi sgt, %scan3A_134, %gt3A_178 : i32
      %convert_element_type3A_180 = arith.extui %gt3A_179 : i1 to i32
      %cond3A_181 = arith.constant 0 : i32
      %cond3A_182 = arith.cmpi ne, %convert_element_type3A_180, %cond3A_181 : i32
      scf.if %cond3A_182 {
        %sub3A_364 = arith.constant 2 : i32
        %sub3A_365 = arith.subi %add3A_165, %sub3A_364 : i32
        %dma_wait3A_366 = arith.constant 0 : i32
        %dma_wait3A_367 = tpu.memref_slice %arg8[%sub3A_365, %dma_wait3A_366] : memref<80x125xi32, #tpu.memory_space<vmem>> -> memref<1x125xi32, #tpu.memory_space<vmem>>
        %dma_wait3A_368 = tpu.memref_squeeze %dma_wait3A_367 : memref<1x125xi32, #tpu.memory_space<vmem>> -> memref<125xi32, #tpu.memory_space<vmem>>
        %dma_wait3A_369 = arith.constant 0 : i32
        %dma_wait3A_370 = arith.constant 0 : i32
        %dma_wait3A_371 = tpu.memref_slice %arg17[%dma_wait3A_369, %dma_wait3A_370] : memref<10000x64xf32, #tpu.memory_space<vmem_shared>> -> memref<10000x64xf32, #tpu.memory_space<vmem_shared>>
        tpu.wait_indirect_dma semaphore(%arg33 : memref<!tpu.dma_semaphore, #tpu.memory_space<semaphore_mem>>) src(%arg16 : memref<125x64xf32, #tpu.memory_space<vmem>>) dst(%dma_wait3A_371 : memref<10000x64xf32, #tpu.memory_space<vmem_shared>>)
      } else {
      }
      %add3A_183 = arith.constant 6 : i32
      %add3A_184 = arith.addi %add3A_165, %add3A_183 : i32
      %dma_start3A_185 = arith.constant 0 : i32
      %dma_start3A_186 = tpu.memref_slice %arg7[%add3A_184, %dma_start3A_185] : memref<80x125xi32, #tpu.memory_space<vmem>> -> memref<1x125xi32, #tpu.memory_space<vmem>>
      %dma_start3A_187 = tpu.memref_squeeze %dma_start3A_186 : memref<1x125xi32, #tpu.memory_space<vmem>> -> memref<125xi32, #tpu.memory_space<vmem>>
      %dma_start3A_188 = arith.constant 0 : i32
      %dma_start3A_189 = arith.constant 0 : i32
      %dma_start3A_190 = tpu.memref_slice %arg2[%dma_start3A_188, %dma_start3A_189] : memref<20000x64xf32, #tpu.memory_space<hbm>> -> memref<20000x64xf32, #tpu.memory_space<hbm>>
      tpu.enqueue_indirect_dma source(%dma_start3A_190 : memref<20000x64xf32, #tpu.memory_space<hbm>>) target(%arg16 : memref<125x64xf32, #tpu.memory_space<vmem>>) offsets(%dma_start3A_187 : memref<125xi32, #tpu.memory_space<vmem>>) semaphore(%arg25 : memref<!tpu.dma_semaphore, #tpu.memory_space<semaphore_mem>>)
      %mul3A_191 = arith.constant 8 : i32
      %mul3A_192 = arith.muli %mul3A_191, %scan3A_134 : i32
      %add3A_193 = arith.constant 2 : i32
      %add3A_194 = arith.addi %mul3A_192, %add3A_193 : i32
      %dma_wait3A_195 = arith.constant 0 : i32
      %dma_wait3A_196 = tpu.memref_slice %arg7[%add3A_194, %dma_wait3A_195] : memref<80x125xi32, #tpu.memory_space<vmem>> -> memref<1x125xi32, #tpu.memory_space<vmem>>
      %dma_wait3A_197 = tpu.memref_squeeze %dma_wait3A_196 : memref<1x125xi32, #tpu.memory_space<vmem>> -> memref<125xi32, #tpu.memory_space<vmem>>
      %dma_wait3A_198 = arith.constant 0 : i32
      %dma_wait3A_199 = arith.constant 0 : i32
      %dma_wait3A_200 = tpu.memref_slice %arg2[%dma_wait3A_198, %dma_wait3A_199] : memref<20000x64xf32, #tpu.memory_space<hbm>> -> memref<20000x64xf32, #tpu.memory_space<hbm>>
      tpu.wait_indirect_dma semaphore(%arg20 : memref<!tpu.dma_semaphore, #tpu.memory_space<semaphore_mem>>) src(%dma_wait3A_200 : memref<20000x64xf32, #tpu.memory_space<hbm>>) dst(%arg11 : memref<125x64xf32, #tpu.memory_space<vmem>>)
      %dma_start3A_201 = arith.constant 0 : i32
      %dma_start3A_202 = tpu.memref_slice %arg8[%add3A_194, %dma_start3A_201] : memref<80x125xi32, #tpu.memory_space<vmem>> -> memref<1x125xi32, #tpu.memory_space<vmem>>
      %dma_start3A_203 = tpu.memref_squeeze %dma_start3A_202 : memref<1x125xi32, #tpu.memory_space<vmem>> -> memref<125xi32, #tpu.memory_space<vmem>>
      %dma_start3A_204 = arith.constant 0 : i32
      %dma_start3A_205 = arith.constant 0 : i32
      %dma_start3A_206 = tpu.memref_slice %arg17[%dma_start3A_204, %dma_start3A_205] : memref<10000x64xf32, #tpu.memory_space<vmem_shared>> -> memref<10000x64xf32, #tpu.memory_space<vmem_shared>>
      tpu.enqueue_indirect_dma source(%arg11 : memref<125x64xf32, #tpu.memory_space<vmem>>) target(%dma_start3A_206 : memref<10000x64xf32, #tpu.memory_space<vmem_shared>>) offsets(%dma_start3A_203 : memref<125xi32, #tpu.memory_space<vmem>>) semaphore(%arg28 : memref<!tpu.dma_semaphore, #tpu.memory_space<semaphore_mem>>) {add = true}
      %sub3A = arith.constant 2 : i32
      %sub3A_207 = arith.subi %add3A_194, %sub3A : i32
      %dma_wait3A_208 = arith.constant 0 : i32
      %dma_wait3A_209 = tpu.memref_slice %arg8[%sub3A_207, %dma_wait3A_208] : memref<80x125xi32, #tpu.memory_space<vmem>> -> memref<1x125xi32, #tpu.memory_space<vmem>>
      %dma_wait3A_210 = tpu.memref_squeeze %dma_wait3A_209 : memref<1x125xi32, #tpu.memory_space<vmem>> -> memref<125xi32, #tpu.memory_space<vmem>>
      %dma_wait3A_211 = arith.constant 0 : i32
      %dma_wait3A_212 = arith.constant 0 : i32
      %dma_wait3A_213 = tpu.memref_slice %arg17[%dma_wait3A_211, %dma_wait3A_212] : memref<10000x64xf32, #tpu.memory_space<vmem_shared>> -> memref<10000x64xf32, #tpu.memory_space<vmem_shared>>
      tpu.wait_indirect_dma semaphore(%arg26 : memref<!tpu.dma_semaphore, #tpu.memory_space<semaphore_mem>>) src(%arg9 : memref<125x64xf32, #tpu.memory_space<vmem>>) dst(%dma_wait3A_213 : memref<10000x64xf32, #tpu.memory_space<vmem_shared>>)
      %lt3A = arith.constant 9 : i32
      %lt3A_214 = arith.cmpi slt, %scan3A_134, %lt3A : i32
      %convert_element_type3A_215 = arith.extui %lt3A_214 : i1 to i32
      %cond3A_216 = arith.constant 0 : i32
      %cond3A_217 = arith.cmpi ne, %convert_element_type3A_215, %cond3A_216 : i32
      scf.if %cond3A_217 {
        %add3A_364 = arith.constant 6 : i32
        %add3A_365 = arith.addi %add3A_194, %add3A_364 : i32
        %dma_start3A_366 = arith.constant 0 : i32
        %dma_start3A_367 = tpu.memref_slice %arg7[%add3A_365, %dma_start3A_366] : memref<80x125xi32, #tpu.memory_space<vmem>> -> memref<1x125xi32, #tpu.memory_space<vmem>>
        %dma_start3A_368 = tpu.memref_squeeze %dma_start3A_367 : memref<1x125xi32, #tpu.memory_space<vmem>> -> memref<125xi32, #tpu.memory_space<vmem>>
        %dma_start3A_369 = arith.constant 0 : i32
        %dma_start3A_370 = arith.constant 0 : i32
        %dma_start3A_371 = tpu.memref_slice %arg2[%dma_start3A_369, %dma_start3A_370] : memref<20000x64xf32, #tpu.memory_space<hbm>> -> memref<20000x64xf32, #tpu.memory_space<hbm>>
        tpu.enqueue_indirect_dma source(%dma_start3A_371 : memref<20000x64xf32, #tpu.memory_space<hbm>>) target(%arg9 : memref<125x64xf32, #tpu.memory_space<vmem>>) offsets(%dma_start3A_368 : memref<125xi32, #tpu.memory_space<vmem>>) semaphore(%arg18 : memref<!tpu.dma_semaphore, #tpu.memory_space<semaphore_mem>>)
      } else {
      }
      %mul3A_218 = arith.constant 8 : i32
      %mul3A_219 = arith.muli %mul3A_218, %scan3A_134 : i32
      %add3A_220 = arith.constant 3 : i32
      %add3A_221 = arith.addi %mul3A_219, %add3A_220 : i32
      %dma_wait3A_222 = arith.constant 0 : i32
      %dma_wait3A_223 = tpu.memref_slice %arg7[%add3A_221, %dma_wait3A_222] : memref<80x125xi32, #tpu.memory_space<vmem>> -> memref<1x125xi32, #tpu.memory_space<vmem>>
      %dma_wait3A_224 = tpu.memref_squeeze %dma_wait3A_223 : memref<1x125xi32, #tpu.memory_space<vmem>> -> memref<125xi32, #tpu.memory_space<vmem>>
      %dma_wait3A_225 = arith.constant 0 : i32
      %dma_wait3A_226 = arith.constant 0 : i32
      %dma_wait3A_227 = tpu.memref_slice %arg2[%dma_wait3A_225, %dma_wait3A_226] : memref<20000x64xf32, #tpu.memory_space<hbm>> -> memref<20000x64xf32, #tpu.memory_space<hbm>>
      tpu.wait_indirect_dma semaphore(%arg21 : memref<!tpu.dma_semaphore, #tpu.memory_space<semaphore_mem>>) src(%dma_wait3A_227 : memref<20000x64xf32, #tpu.memory_space<hbm>>) dst(%arg12 : memref<125x64xf32, #tpu.memory_space<vmem>>)
      %dma_start3A_228 = arith.constant 0 : i32
      %dma_start3A_229 = tpu.memref_slice %arg8[%add3A_221, %dma_start3A_228] : memref<80x125xi32, #tpu.memory_space<vmem>> -> memref<1x125xi32, #tpu.memory_space<vmem>>
      %dma_start3A_230 = tpu.memref_squeeze %dma_start3A_229 : memref<1x125xi32, #tpu.memory_space<vmem>> -> memref<125xi32, #tpu.memory_space<vmem>>
      %dma_start3A_231 = arith.constant 0 : i32
      %dma_start3A_232 = arith.constant 0 : i32
      %dma_start3A_233 = tpu.memref_slice %arg17[%dma_start3A_231, %dma_start3A_232] : memref<10000x64xf32, #tpu.memory_space<vmem_shared>> -> memref<10000x64xf32, #tpu.memory_space<vmem_shared>>
      tpu.enqueue_indirect_dma source(%arg12 : memref<125x64xf32, #tpu.memory_space<vmem>>) target(%dma_start3A_233 : memref<10000x64xf32, #tpu.memory_space<vmem_shared>>) offsets(%dma_start3A_230 : memref<125xi32, #tpu.memory_space<vmem>>) semaphore(%arg29 : memref<!tpu.dma_semaphore, #tpu.memory_space<semaphore_mem>>) {add = true}
      %sub3A_234 = arith.constant 2 : i32
      %sub3A_235 = arith.subi %add3A_221, %sub3A_234 : i32
      %dma_wait3A_236 = arith.constant 0 : i32
      %dma_wait3A_237 = tpu.memref_slice %arg8[%sub3A_235, %dma_wait3A_236] : memref<80x125xi32, #tpu.memory_space<vmem>> -> memref<1x125xi32, #tpu.memory_space<vmem>>
      %dma_wait3A_238 = tpu.memref_squeeze %dma_wait3A_237 : memref<1x125xi32, #tpu.memory_space<vmem>> -> memref<125xi32, #tpu.memory_space<vmem>>
      %dma_wait3A_239 = arith.constant 0 : i32
      %dma_wait3A_240 = arith.constant 0 : i32
      %dma_wait3A_241 = tpu.memref_slice %arg17[%dma_wait3A_239, %dma_wait3A_240] : memref<10000x64xf32, #tpu.memory_space<vmem_shared>> -> memref<10000x64xf32, #tpu.memory_space<vmem_shared>>
      tpu.wait_indirect_dma semaphore(%arg27 : memref<!tpu.dma_semaphore, #tpu.memory_space<semaphore_mem>>) src(%arg10 : memref<125x64xf32, #tpu.memory_space<vmem>>) dst(%dma_wait3A_241 : memref<10000x64xf32, #tpu.memory_space<vmem_shared>>)
      %lt3A_242 = arith.constant 9 : i32
      %lt3A_243 = arith.cmpi slt, %scan3A_134, %lt3A_242 : i32
      %convert_element_type3A_244 = arith.extui %lt3A_243 : i1 to i32
      %cond3A_245 = arith.constant 0 : i32
      %cond3A_246 = arith.cmpi ne, %convert_element_type3A_244, %cond3A_245 : i32
      scf.if %cond3A_246 {
        %add3A_364 = arith.constant 6 : i32
        %add3A_365 = arith.addi %add3A_221, %add3A_364 : i32
        %dma_start3A_366 = arith.constant 0 : i32
        %dma_start3A_367 = tpu.memref_slice %arg7[%add3A_365, %dma_start3A_366] : memref<80x125xi32, #tpu.memory_space<vmem>> -> memref<1x125xi32, #tpu.memory_space<vmem>>
        %dma_start3A_368 = tpu.memref_squeeze %dma_start3A_367 : memref<1x125xi32, #tpu.memory_space<vmem>> -> memref<125xi32, #tpu.memory_space<vmem>>
        %dma_start3A_369 = arith.constant 0 : i32
        %dma_start3A_370 = arith.constant 0 : i32
        %dma_start3A_371 = tpu.memref_slice %arg2[%dma_start3A_369, %dma_start3A_370] : memref<20000x64xf32, #tpu.memory_space<hbm>> -> memref<20000x64xf32, #tpu.memory_space<hbm>>
        tpu.enqueue_indirect_dma source(%dma_start3A_371 : memref<20000x64xf32, #tpu.memory_space<hbm>>) target(%arg10 : memref<125x64xf32, #tpu.memory_space<vmem>>) offsets(%dma_start3A_368 : memref<125xi32, #tpu.memory_space<vmem>>) semaphore(%arg19 : memref<!tpu.dma_semaphore, #tpu.memory_space<semaphore_mem>>)
      } else {
      }
      %mul3A_247 = arith.constant 8 : i32
      %mul3A_248 = arith.muli %mul3A_247, %scan3A_134 : i32
      %add3A_249 = arith.constant 4 : i32
      %add3A_250 = arith.addi %mul3A_248, %add3A_249 : i32
      %dma_wait3A_251 = arith.constant 0 : i32
      %dma_wait3A_252 = tpu.memref_slice %arg7[%add3A_250, %dma_wait3A_251] : memref<80x125xi32, #tpu.memory_space<vmem>> -> memref<1x125xi32, #tpu.memory_space<vmem>>
      %dma_wait3A_253 = tpu.memref_squeeze %dma_wait3A_252 : memref<1x125xi32, #tpu.memory_space<vmem>> -> memref<125xi32, #tpu.memory_space<vmem>>
      %dma_wait3A_254 = arith.constant 0 : i32
      %dma_wait3A_255 = arith.constant 0 : i32
      %dma_wait3A_256 = tpu.memref_slice %arg2[%dma_wait3A_254, %dma_wait3A_255] : memref<20000x64xf32, #tpu.memory_space<hbm>> -> memref<20000x64xf32, #tpu.memory_space<hbm>>
      tpu.wait_indirect_dma semaphore(%arg22 : memref<!tpu.dma_semaphore, #tpu.memory_space<semaphore_mem>>) src(%dma_wait3A_256 : memref<20000x64xf32, #tpu.memory_space<hbm>>) dst(%arg13 : memref<125x64xf32, #tpu.memory_space<vmem>>)
      %dma_start3A_257 = arith.constant 0 : i32
      %dma_start3A_258 = tpu.memref_slice %arg8[%add3A_250, %dma_start3A_257] : memref<80x125xi32, #tpu.memory_space<vmem>> -> memref<1x125xi32, #tpu.memory_space<vmem>>
      %dma_start3A_259 = tpu.memref_squeeze %dma_start3A_258 : memref<1x125xi32, #tpu.memory_space<vmem>> -> memref<125xi32, #tpu.memory_space<vmem>>
      %dma_start3A_260 = arith.constant 0 : i32
      %dma_start3A_261 = arith.constant 0 : i32
      %dma_start3A_262 = tpu.memref_slice %arg17[%dma_start3A_260, %dma_start3A_261] : memref<10000x64xf32, #tpu.memory_space<vmem_shared>> -> memref<10000x64xf32, #tpu.memory_space<vmem_shared>>
      tpu.enqueue_indirect_dma source(%arg13 : memref<125x64xf32, #tpu.memory_space<vmem>>) target(%dma_start3A_262 : memref<10000x64xf32, #tpu.memory_space<vmem_shared>>) offsets(%dma_start3A_259 : memref<125xi32, #tpu.memory_space<vmem>>) semaphore(%arg30 : memref<!tpu.dma_semaphore, #tpu.memory_space<semaphore_mem>>) {add = true}
      %sub3A_263 = arith.constant 2 : i32
      %sub3A_264 = arith.subi %add3A_250, %sub3A_263 : i32
      %dma_wait3A_265 = arith.constant 0 : i32
      %dma_wait3A_266 = tpu.memref_slice %arg8[%sub3A_264, %dma_wait3A_265] : memref<80x125xi32, #tpu.memory_space<vmem>> -> memref<1x125xi32, #tpu.memory_space<vmem>>
      %dma_wait3A_267 = tpu.memref_squeeze %dma_wait3A_266 : memref<1x125xi32, #tpu.memory_space<vmem>> -> memref<125xi32, #tpu.memory_space<vmem>>
      %dma_wait3A_268 = arith.constant 0 : i32
      %dma_wait3A_269 = arith.constant 0 : i32
      %dma_wait3A_270 = tpu.memref_slice %arg17[%dma_wait3A_268, %dma_wait3A_269] : memref<10000x64xf32, #tpu.memory_space<vmem_shared>> -> memref<10000x64xf32, #tpu.memory_space<vmem_shared>>
      tpu.wait_indirect_dma semaphore(%arg28 : memref<!tpu.dma_semaphore, #tpu.memory_space<semaphore_mem>>) src(%arg11 : memref<125x64xf32, #tpu.memory_space<vmem>>) dst(%dma_wait3A_270 : memref<10000x64xf32, #tpu.memory_space<vmem_shared>>)
      %lt3A_271 = arith.constant 9 : i32
      %lt3A_272 = arith.cmpi slt, %scan3A_134, %lt3A_271 : i32
      %convert_element_type3A_273 = arith.extui %lt3A_272 : i1 to i32
      %cond3A_274 = arith.constant 0 : i32
      %cond3A_275 = arith.cmpi ne, %convert_element_type3A_273, %cond3A_274 : i32
      scf.if %cond3A_275 {
        %add3A_364 = arith.constant 6 : i32
        %add3A_365 = arith.addi %add3A_250, %add3A_364 : i32
        %dma_start3A_366 = arith.constant 0 : i32
        %dma_start3A_367 = tpu.memref_slice %arg7[%add3A_365, %dma_start3A_366] : memref<80x125xi32, #tpu.memory_space<vmem>> -> memref<1x125xi32, #tpu.memory_space<vmem>>
        %dma_start3A_368 = tpu.memref_squeeze %dma_start3A_367 : memref<1x125xi32, #tpu.memory_space<vmem>> -> memref<125xi32, #tpu.memory_space<vmem>>
        %dma_start3A_369 = arith.constant 0 : i32
        %dma_start3A_370 = arith.constant 0 : i32
        %dma_start3A_371 = tpu.memref_slice %arg2[%dma_start3A_369, %dma_start3A_370] : memref<20000x64xf32, #tpu.memory_space<hbm>> -> memref<20000x64xf32, #tpu.memory_space<hbm>>
        tpu.enqueue_indirect_dma source(%dma_start3A_371 : memref<20000x64xf32, #tpu.memory_space<hbm>>) target(%arg11 : memref<125x64xf32, #tpu.memory_space<vmem>>) offsets(%dma_start3A_368 : memref<125xi32, #tpu.memory_space<vmem>>) semaphore(%arg20 : memref<!tpu.dma_semaphore, #tpu.memory_space<semaphore_mem>>)
      } else {
      }
      %mul3A_276 = arith.constant 8 : i32
      %mul3A_277 = arith.muli %mul3A_276, %scan3A_134 : i32
      %add3A_278 = arith.constant 5 : i32
      %add3A_279 = arith.addi %mul3A_277, %add3A_278 : i32
      %dma_wait3A_280 = arith.constant 0 : i32
      %dma_wait3A_281 = tpu.memref_slice %arg7[%add3A_279, %dma_wait3A_280] : memref<80x125xi32, #tpu.memory_space<vmem>> -> memref<1x125xi32, #tpu.memory_space<vmem>>
      %dma_wait3A_282 = tpu.memref_squeeze %dma_wait3A_281 : memref<1x125xi32, #tpu.memory_space<vmem>> -> memref<125xi32, #tpu.memory_space<vmem>>
      %dma_wait3A_283 = arith.constant 0 : i32
      %dma_wait3A_284 = arith.constant 0 : i32
      %dma_wait3A_285 = tpu.memref_slice %arg2[%dma_wait3A_283, %dma_wait3A_284] : memref<20000x64xf32, #tpu.memory_space<hbm>> -> memref<20000x64xf32, #tpu.memory_space<hbm>>
      tpu.wait_indirect_dma semaphore(%arg23 : memref<!tpu.dma_semaphore, #tpu.memory_space<semaphore_mem>>) src(%dma_wait3A_285 : memref<20000x64xf32, #tpu.memory_space<hbm>>) dst(%arg14 : memref<125x64xf32, #tpu.memory_space<vmem>>)
      %dma_start3A_286 = arith.constant 0 : i32
      %dma_start3A_287 = tpu.memref_slice %arg8[%add3A_279, %dma_start3A_286] : memref<80x125xi32, #tpu.memory_space<vmem>> -> memref<1x125xi32, #tpu.memory_space<vmem>>
      %dma_start3A_288 = tpu.memref_squeeze %dma_start3A_287 : memref<1x125xi32, #tpu.memory_space<vmem>> -> memref<125xi32, #tpu.memory_space<vmem>>
      %dma_start3A_289 = arith.constant 0 : i32
      %dma_start3A_290 = arith.constant 0 : i32
      %dma_start3A_291 = tpu.memref_slice %arg17[%dma_start3A_289, %dma_start3A_290] : memref<10000x64xf32, #tpu.memory_space<vmem_shared>> -> memref<10000x64xf32, #tpu.memory_space<vmem_shared>>
      tpu.enqueue_indirect_dma source(%arg14 : memref<125x64xf32, #tpu.memory_space<vmem>>) target(%dma_start3A_291 : memref<10000x64xf32, #tpu.memory_space<vmem_shared>>) offsets(%dma_start3A_288 : memref<125xi32, #tpu.memory_space<vmem>>) semaphore(%arg31 : memref<!tpu.dma_semaphore, #tpu.memory_space<semaphore_mem>>) {add = true}
      %sub3A_292 = arith.constant 2 : i32
      %sub3A_293 = arith.subi %add3A_279, %sub3A_292 : i32
      %dma_wait3A_294 = arith.constant 0 : i32
      %dma_wait3A_295 = tpu.memref_slice %arg8[%sub3A_293, %dma_wait3A_294] : memref<80x125xi32, #tpu.memory_space<vmem>> -> memref<1x125xi32, #tpu.memory_space<vmem>>
      %dma_wait3A_296 = tpu.memref_squeeze %dma_wait3A_295 : memref<1x125xi32, #tpu.memory_space<vmem>> -> memref<125xi32, #tpu.memory_space<vmem>>
      %dma_wait3A_297 = arith.constant 0 : i32
      %dma_wait3A_298 = arith.constant 0 : i32
      %dma_wait3A_299 = tpu.memref_slice %arg17[%dma_wait3A_297, %dma_wait3A_298] : memref<10000x64xf32, #tpu.memory_space<vmem_shared>> -> memref<10000x64xf32, #tpu.memory_space<vmem_shared>>
      tpu.wait_indirect_dma semaphore(%arg29 : memref<!tpu.dma_semaphore, #tpu.memory_space<semaphore_mem>>) src(%arg12 : memref<125x64xf32, #tpu.memory_space<vmem>>) dst(%dma_wait3A_299 : memref<10000x64xf32, #tpu.memory_space<vmem_shared>>)
      %lt3A_300 = arith.constant 9 : i32
      %lt3A_301 = arith.cmpi slt, %scan3A_134, %lt3A_300 : i32
      %convert_element_type3A_302 = arith.extui %lt3A_301 : i1 to i32
      %cond3A_303 = arith.constant 0 : i32
      %cond3A_304 = arith.cmpi ne, %convert_element_type3A_302, %cond3A_303 : i32
      scf.if %cond3A_304 {
        %add3A_364 = arith.constant 6 : i32
        %add3A_365 = arith.addi %add3A_279, %add3A_364 : i32
        %dma_start3A_366 = arith.constant 0 : i32
        %dma_start3A_367 = tpu.memref_slice %arg7[%add3A_365, %dma_start3A_366] : memref<80x125xi32, #tpu.memory_space<vmem>> -> memref<1x125xi32, #tpu.memory_space<vmem>>
        %dma_start3A_368 = tpu.memref_squeeze %dma_start3A_367 : memref<1x125xi32, #tpu.memory_space<vmem>> -> memref<125xi32, #tpu.memory_space<vmem>>
        %dma_start3A_369 = arith.constant 0 : i32
        %dma_start3A_370 = arith.constant 0 : i32
        %dma_start3A_371 = tpu.memref_slice %arg2[%dma_start3A_369, %dma_start3A_370] : memref<20000x64xf32, #tpu.memory_space<hbm>> -> memref<20000x64xf32, #tpu.memory_space<hbm>>
        tpu.enqueue_indirect_dma source(%dma_start3A_371 : memref<20000x64xf32, #tpu.memory_space<hbm>>) target(%arg12 : memref<125x64xf32, #tpu.memory_space<vmem>>) offsets(%dma_start3A_368 : memref<125xi32, #tpu.memory_space<vmem>>) semaphore(%arg21 : memref<!tpu.dma_semaphore, #tpu.memory_space<semaphore_mem>>)
      } else {
      }
      %mul3A_305 = arith.constant 8 : i32
      %mul3A_306 = arith.muli %mul3A_305, %scan3A_134 : i32
      %add3A_307 = arith.constant 6 : i32
      %add3A_308 = arith.addi %mul3A_306, %add3A_307 : i32
      %dma_wait3A_309 = arith.constant 0 : i32
      %dma_wait3A_310 = tpu.memref_slice %arg7[%add3A_308, %dma_wait3A_309] : memref<80x125xi32, #tpu.memory_space<vmem>> -> memref<1x125xi32, #tpu.memory_space<vmem>>
      %dma_wait3A_311 = tpu.memref_squeeze %dma_wait3A_310 : memref<1x125xi32, #tpu.memory_space<vmem>> -> memref<125xi32, #tpu.memory_space<vmem>>
      %dma_wait3A_312 = arith.constant 0 : i32
      %dma_wait3A_313 = arith.constant 0 : i32
      %dma_wait3A_314 = tpu.memref_slice %arg2[%dma_wait3A_312, %dma_wait3A_313] : memref<20000x64xf32, #tpu.memory_space<hbm>> -> memref<20000x64xf32, #tpu.memory_space<hbm>>
      tpu.wait_indirect_dma semaphore(%arg24 : memref<!tpu.dma_semaphore, #tpu.memory_space<semaphore_mem>>) src(%dma_wait3A_314 : memref<20000x64xf32, #tpu.memory_space<hbm>>) dst(%arg15 : memref<125x64xf32, #tpu.memory_space<vmem>>)
      %dma_start3A_315 = arith.constant 0 : i32
      %dma_start3A_316 = tpu.memref_slice %arg8[%add3A_308, %dma_start3A_315] : memref<80x125xi32, #tpu.memory_space<vmem>> -> memref<1x125xi32, #tpu.memory_space<vmem>>
      %dma_start3A_317 = tpu.memref_squeeze %dma_start3A_316 : memref<1x125xi32, #tpu.memory_space<vmem>> -> memref<125xi32, #tpu.memory_space<vmem>>
      %dma_start3A_318 = arith.constant 0 : i32
      %dma_start3A_319 = arith.constant 0 : i32
      %dma_start3A_320 = tpu.memref_slice %arg17[%dma_start3A_318, %dma_start3A_319] : memref<10000x64xf32, #tpu.memory_space<vmem_shared>> -> memref<10000x64xf32, #tpu.memory_space<vmem_shared>>
      tpu.enqueue_indirect_dma source(%arg15 : memref<125x64xf32, #tpu.memory_space<vmem>>) target(%dma_start3A_320 : memref<10000x64xf32, #tpu.memory_space<vmem_shared>>) offsets(%dma_start3A_317 : memref<125xi32, #tpu.memory_space<vmem>>) semaphore(%arg32 : memref<!tpu.dma_semaphore, #tpu.memory_space<semaphore_mem>>) {add = true}
      %sub3A_321 = arith.constant 2 : i32
      %sub3A_322 = arith.subi %add3A_308, %sub3A_321 : i32
      %dma_wait3A_323 = arith.constant 0 : i32
      %dma_wait3A_324 = tpu.memref_slice %arg8[%sub3A_322, %dma_wait3A_323] : memref<80x125xi32, #tpu.memory_space<vmem>> -> memref<1x125xi32, #tpu.memory_space<vmem>>
      %dma_wait3A_325 = tpu.memref_squeeze %dma_wait3A_324 : memref<1x125xi32, #tpu.memory_space<vmem>> -> memref<125xi32, #tpu.memory_space<vmem>>
      %dma_wait3A_326 = arith.constant 0 : i32
      %dma_wait3A_327 = arith.constant 0 : i32
      %dma_wait3A_328 = tpu.memref_slice %arg17[%dma_wait3A_326, %dma_wait3A_327] : memref<10000x64xf32, #tpu.memory_space<vmem_shared>> -> memref<10000x64xf32, #tpu.memory_space<vmem_shared>>
      tpu.wait_indirect_dma semaphore(%arg30 : memref<!tpu.dma_semaphore, #tpu.memory_space<semaphore_mem>>) src(%arg13 : memref<125x64xf32, #tpu.memory_space<vmem>>) dst(%dma_wait3A_328 : memref<10000x64xf32, #tpu.memory_space<vmem_shared>>)
      %lt3A_329 = arith.constant 9 : i32
      %lt3A_330 = arith.cmpi slt, %scan3A_134, %lt3A_329 : i32
      %convert_element_type3A_331 = arith.extui %lt3A_330 : i1 to i32
      %cond3A_332 = arith.constant 0 : i32
      %cond3A_333 = arith.cmpi ne, %convert_element_type3A_331, %cond3A_332 : i32
      scf.if %cond3A_333 {
        %add3A_364 = arith.constant 6 : i32
        %add3A_365 = arith.addi %add3A_308, %add3A_364 : i32
        %dma_start3A_366 = arith.constant 0 : i32
        %dma_start3A_367 = tpu.memref_slice %arg7[%add3A_365, %dma_start3A_366] : memref<80x125xi32, #tpu.memory_space<vmem>> -> memref<1x125xi32, #tpu.memory_space<vmem>>
        %dma_start3A_368 = tpu.memref_squeeze %dma_start3A_367 : memref<1x125xi32, #tpu.memory_space<vmem>> -> memref<125xi32, #tpu.memory_space<vmem>>
        %dma_start3A_369 = arith.constant 0 : i32
        %dma_start3A_370 = arith.constant 0 : i32
        %dma_start3A_371 = tpu.memref_slice %arg2[%dma_start3A_369, %dma_start3A_370] : memref<20000x64xf32, #tpu.memory_space<hbm>> -> memref<20000x64xf32, #tpu.memory_space<hbm>>
        tpu.enqueue_indirect_dma source(%dma_start3A_371 : memref<20000x64xf32, #tpu.memory_space<hbm>>) target(%arg13 : memref<125x64xf32, #tpu.memory_space<vmem>>) offsets(%dma_start3A_368 : memref<125xi32, #tpu.memory_space<vmem>>) semaphore(%arg22 : memref<!tpu.dma_semaphore, #tpu.memory_space<semaphore_mem>>)
      } else {
      }
      %mul3A_334 = arith.constant 8 : i32
      %mul3A_335 = arith.muli %mul3A_334, %scan3A_134 : i32
      %add3A_336 = arith.constant 7 : i32
      %add3A_337 = arith.addi %mul3A_335, %add3A_336 : i32
      %dma_wait3A_338 = arith.constant 0 : i32
      %dma_wait3A_339 = tpu.memref_slice %arg7[%add3A_337, %dma_wait3A_338] : memref<80x125xi32, #tpu.memory_space<vmem>> -> memref<1x125xi32, #tpu.memory_space<vmem>>
      %dma_wait3A_340 = tpu.memref_squeeze %dma_wait3A_339 : memref<1x125xi32, #tpu.memory_space<vmem>> -> memref<125xi32, #tpu.memory_space<vmem>>
      %dma_wait3A_341 = arith.constant 0 : i32
      %dma_wait3A_342 = arith.constant 0 : i32
      %dma_wait3A_343 = tpu.memref_slice %arg2[%dma_wait3A_341, %dma_wait3A_342] : memref<20000x64xf32, #tpu.memory_space<hbm>> -> memref<20000x64xf32, #tpu.memory_space<hbm>>
      tpu.wait_indirect_dma semaphore(%arg25 : memref<!tpu.dma_semaphore, #tpu.memory_space<semaphore_mem>>) src(%dma_wait3A_343 : memref<20000x64xf32, #tpu.memory_space<hbm>>) dst(%arg16 : memref<125x64xf32, #tpu.memory_space<vmem>>)
      %dma_start3A_344 = arith.constant 0 : i32
      %dma_start3A_345 = tpu.memref_slice %arg8[%add3A_337, %dma_start3A_344] : memref<80x125xi32, #tpu.memory_space<vmem>> -> memref<1x125xi32, #tpu.memory_space<vmem>>
      %dma_start3A_346 = tpu.memref_squeeze %dma_start3A_345 : memref<1x125xi32, #tpu.memory_space<vmem>> -> memref<125xi32, #tpu.memory_space<vmem>>
      %dma_start3A_347 = arith.constant 0 : i32
      %dma_start3A_348 = arith.constant 0 : i32
      %dma_start3A_349 = tpu.memref_slice %arg17[%dma_start3A_347, %dma_start3A_348] : memref<10000x64xf32, #tpu.memory_space<vmem_shared>> -> memref<10000x64xf32, #tpu.memory_space<vmem_shared>>
      tpu.enqueue_indirect_dma source(%arg16 : memref<125x64xf32, #tpu.memory_space<vmem>>) target(%dma_start3A_349 : memref<10000x64xf32, #tpu.memory_space<vmem_shared>>) offsets(%dma_start3A_346 : memref<125xi32, #tpu.memory_space<vmem>>) semaphore(%arg33 : memref<!tpu.dma_semaphore, #tpu.memory_space<semaphore_mem>>) {add = true}
      %sub3A_350 = arith.constant 2 : i32
      %sub3A_351 = arith.subi %add3A_337, %sub3A_350 : i32
      %dma_wait3A_352 = arith.constant 0 : i32
      %dma_wait3A_353 = tpu.memref_slice %arg8[%sub3A_351, %dma_wait3A_352] : memref<80x125xi32, #tpu.memory_space<vmem>> -> memref<1x125xi32, #tpu.memory_space<vmem>>
      %dma_wait3A_354 = tpu.memref_squeeze %dma_wait3A_353 : memref<1x125xi32, #tpu.memory_space<vmem>> -> memref<125xi32, #tpu.memory_space<vmem>>
      %dma_wait3A_355 = arith.constant 0 : i32
      %dma_wait3A_356 = arith.constant 0 : i32
      %dma_wait3A_357 = tpu.memref_slice %arg17[%dma_wait3A_355, %dma_wait3A_356] : memref<10000x64xf32, #tpu.memory_space<vmem_shared>> -> memref<10000x64xf32, #tpu.memory_space<vmem_shared>>
      tpu.wait_indirect_dma semaphore(%arg31 : memref<!tpu.dma_semaphore, #tpu.memory_space<semaphore_mem>>) src(%arg14 : memref<125x64xf32, #tpu.memory_space<vmem>>) dst(%dma_wait3A_357 : memref<10000x64xf32, #tpu.memory_space<vmem_shared>>)
      %lt3A_358 = arith.constant 9 : i32
      %lt3A_359 = arith.cmpi slt, %scan3A_134, %lt3A_358 : i32
      %convert_element_type3A_360 = arith.extui %lt3A_359 : i1 to i32
      %cond3A_361 = arith.constant 0 : i32
      %cond3A_362 = arith.cmpi ne, %convert_element_type3A_360, %cond3A_361 : i32
      scf.if %cond3A_362 {
        %add3A_364 = arith.constant 6 : i32
        %add3A_365 = arith.addi %add3A_337, %add3A_364 : i32
        %dma_start3A_366 = arith.constant 0 : i32
        %dma_start3A_367 = tpu.memref_slice %arg7[%add3A_365, %dma_start3A_366] : memref<80x125xi32, #tpu.memory_space<vmem>> -> memref<1x125xi32, #tpu.memory_space<vmem>>
        %dma_start3A_368 = tpu.memref_squeeze %dma_start3A_367 : memref<1x125xi32, #tpu.memory_space<vmem>> -> memref<125xi32, #tpu.memory_space<vmem>>
        %dma_start3A_369 = arith.constant 0 : i32
        %dma_start3A_370 = arith.constant 0 : i32
        %dma_start3A_371 = tpu.memref_slice %arg2[%dma_start3A_369, %dma_start3A_370] : memref<20000x64xf32, #tpu.memory_space<hbm>> -> memref<20000x64xf32, #tpu.memory_space<hbm>>
        tpu.enqueue_indirect_dma source(%dma_start3A_371 : memref<20000x64xf32, #tpu.memory_space<hbm>>) target(%arg14 : memref<125x64xf32, #tpu.memory_space<vmem>>) offsets(%dma_start3A_368 : memref<125xi32, #tpu.memory_space<vmem>>) semaphore(%arg23 : memref<!tpu.dma_semaphore, #tpu.memory_space<semaphore_mem>>)
      } else {
      }
      %scan3A_363 = arith.constant 0 : i32
      scf.yield %scan3A_363 : i32
    }
    %scan3A_114 = arith.constant 10 : i32
    %dma_wait3A_115 = arith.constant 78 : i32
    %dma_wait3A_116 = arith.constant 0 : i32
    %dma_wait3A_117 = tpu.memref_slice %arg8[%dma_wait3A_115, %dma_wait3A_116] : memref<80x125xi32, #tpu.memory_space<vmem>> -> memref<1x125xi32, #tpu.memory_space<vmem>>
    %dma_wait3A_118 = tpu.memref_squeeze %dma_wait3A_117 : memref<1x125xi32, #tpu.memory_space<vmem>> -> memref<125xi32, #tpu.memory_space<vmem>>
    %dma_wait3A_119 = arith.constant 0 : i32
    %dma_wait3A_120 = arith.constant 0 : i32
    %dma_wait3A_121 = tpu.memref_slice %arg17[%dma_wait3A_119, %dma_wait3A_120] : memref<10000x64xf32, #tpu.memory_space<vmem_shared>> -> memref<10000x64xf32, #tpu.memory_space<vmem_shared>>
    tpu.wait_indirect_dma semaphore(%arg32 : memref<!tpu.dma_semaphore, #tpu.memory_space<semaphore_mem>>) src(%arg15 : memref<125x64xf32, #tpu.memory_space<vmem>>) dst(%dma_wait3A_121 : memref<10000x64xf32, #tpu.memory_space<vmem_shared>>)
    %dma_wait3A_122 = arith.constant 79 : i32
    %dma_wait3A_123 = arith.constant 0 : i32
    %dma_wait3A_124 = tpu.memref_slice %arg8[%dma_wait3A_122, %dma_wait3A_123] : memref<80x125xi32, #tpu.memory_space<vmem>> -> memref<1x125xi32, #tpu.memory_space<vmem>>
    %dma_wait3A_125 = tpu.memref_squeeze %dma_wait3A_124 : memref<1x125xi32, #tpu.memory_space<vmem>> -> memref<125xi32, #tpu.memory_space<vmem>>
    %dma_wait3A_126 = arith.constant 0 : i32
    %dma_wait3A_127 = arith.constant 0 : i32
    %dma_wait3A_128 = tpu.memref_slice %arg17[%dma_wait3A_126, %dma_wait3A_127] : memref<10000x64xf32, #tpu.memory_space<vmem_shared>> -> memref<10000x64xf32, #tpu.memory_space<vmem_shared>>
    tpu.wait_indirect_dma semaphore(%arg33 : memref<!tpu.dma_semaphore, #tpu.memory_space<semaphore_mem>>) src(%arg16 : memref<125x64xf32, #tpu.memory_space<vmem>>) dst(%dma_wait3A_128 : memref<10000x64xf32, #tpu.memory_space<vmem_shared>>)
    %barrier3A_129 = arith.constant 0 : index
    tpu.barrier barrier_id(%barrier3A_129)
    %mul3A_130 = arith.constant 625 : i32
    %mul3A_131 = arith.muli %arg1, %mul3A_130 : i32
    %mul3A_132 = arith.constant 625 : i32
    %mul3A_133 = arith.muli %arg1, %mul3A_132 : i32
    "tpu.region"() ({
      %run_scoped3A_134 = tpu.sem_alloc : memref<!tpu.dma_semaphore, #tpu.memory_space<semaphore_mem>>
      %dma_start3A_135 = arith.constant 0 : i32
      %dma_start3A_136 = tpu.memref_slice %arg6[%arg0, %mul3A_133, %dma_start3A_135] : memref<2x10000x64xf32, #tpu.memory_space<hbm>> -> memref<1x625x64xf32, #tpu.memory_space<hbm>>
      %dma_start3A_137 = tpu.memref_squeeze %dma_start3A_136 : memref<1x625x64xf32, #tpu.memory_space<hbm>> -> memref<625x64xf32, #tpu.memory_space<hbm>>
      %dma_start3A_138 = arith.constant 0 : i32
      %dma_start3A_139 = tpu.memref_slice %arg17[%mul3A_131, %dma_start3A_138] : memref<10000x64xf32, #tpu.memory_space<vmem_shared>> -> memref<625x64xf32, #tpu.memory_space<vmem_shared>>
      tpu.enqueue_dma source(%dma_start3A_139 : memref<625x64xf32, #tpu.memory_space<vmem_shared>>) target(%dma_start3A_137 : memref<625x64xf32, #tpu.memory_space<hbm>>) target_semaphore(%run_scoped3A_134 : memref<!tpu.dma_semaphore, #tpu.memory_space<semaphore_mem>>)
      %dma_wait3A_140 = arith.constant 0 : i32
      %dma_wait3A_141 = tpu.memref_slice %arg6[%arg0, %mul3A_133, %dma_wait3A_140] : memref<2x10000x64xf32, #tpu.memory_space<hbm>> -> memref<1x625x64xf32, #tpu.memory_space<hbm>>
      %dma_wait3A_142 = tpu.memref_squeeze %dma_wait3A_141 : memref<1x625x64xf32, #tpu.memory_space<hbm>> -> memref<625x64xf32, #tpu.memory_space<hbm>>
      %dma_wait3A_143 = arith.constant 0 : i32
      %dma_wait3A_144 = tpu.memref_slice %arg17[%mul3A_131, %dma_wait3A_143] : memref<10000x64xf32, #tpu.memory_space<vmem_shared>> -> memref<625x64xf32, #tpu.memory_space<vmem_shared>>
      tpu.wait_dma2 semaphore(%run_scoped3A_134 : memref<!tpu.dma_semaphore, #tpu.memory_space<semaphore_mem>>) src(%dma_wait3A_144 : memref<625x64xf32, #tpu.memory_space<vmem_shared>>) dst(%dma_wait3A_142 : memref<625x64xf32, #tpu.memory_space<hbm>>)
      tpu.yield
    }) : () -> ()
    return
  }
}

module attributes {stable_mosaic.version = 14 : i64} {
  func.func @_scale_mm_body(%arg0: memref<32x10000xf32, #tpu.memory_space<vmem>>, %arg1: memref<10000x128xf32, #tpu.memory_space<vmem>>, %arg2: memref<128x128xf32, #tpu.memory_space<vmem>>, %arg3: memref<2x10000x64xf32, #tpu.memory_space<vmem>>, %arg4: memref<10000x1xf32, #tpu.memory_space<vmem>>) attributes {dimension_semantics = [], scalar_prefetch = 0 : i64, scratch_operands = 0 : i64, tpu.core_type = #tpu.core_type<tc>} {
    %broadcast_in_dim3A = arith.constant 1.000000e+00 : f32
    %broadcast_in_dim3A_0 = vector.broadcast %broadcast_in_dim3A : f32 to vector<32x1xf32>
    %get3A = arith.constant 0 : index
    %get3A_1 = arith.constant 0 : index
    %get3A_2 = vector.load %arg0[%get3A, %get3A_1] : memref<32x10000xf32, #tpu.memory_space<vmem>>, vector<32x10000xf32>
    %dot_general3A = arith.constant dense<0.000000e+00> : vector<10000x1xf32>
    %dot_general3A_3 = tpu.matmul %get3A_2, %broadcast_in_dim3A_0, %dot_general3A {dimension_numbers = #tpu.dot_dimension_numbers<[0], [0], [1], [1], [0, 1, 1, 1], [], []>, transpose_lhs_hint = false} : vector<32x10000xf32>, vector<32x1xf32>, vector<10000x1xf32> -> vector<10000x1xf32>
    %add3A = arith.constant 1.000000e+00 : f32
    %add3A_4 = vector.broadcast %add3A : f32 to vector<10000x1xf32>
    %add3A_5 = arith.addf %dot_general3A_3, %add3A_4 : vector<10000x1xf32>
    %rsqrt3A = math.rsqrt %add3A_5 : vector<10000x1xf32>
    %get3A_6 = arith.constant 0 : index
    %get3A_7 = arith.constant 0 : index
    %get3A_8 = vector.load %arg1[%get3A_6, %get3A_7] : memref<10000x128xf32, #tpu.memory_space<vmem>>, vector<10000x128xf32>
    %get3A_9 = arith.constant 0 : index
    %get3A_10 = arith.constant 0 : index
    %get3A_11 = vector.load %arg2[%get3A_9, %get3A_10] : memref<128x128xf32, #tpu.memory_space<vmem>>, vector<128x128xf32>
    %dot_general3A_12 = arith.constant dense<0.000000e+00> : vector<10000x128xf32>
    %dot_general3A_13 = tpu.matmul %get3A_8, %get3A_11, %dot_general3A_12 {dimension_numbers = #tpu.dot_dimension_numbers<[1], [0], [0], [1], [0, 0, 1, 1], [], []>, transpose_lhs_hint = false} : vector<10000x128xf32>, vector<128x128xf32>, vector<10000x128xf32> -> vector<10000x128xf32>
    %mul3A = vector.broadcast %rsqrt3A : vector<10000x1xf32> to vector<10000x128xf32>
    %mul3A_14 = arith.mulf %mul3A, %dot_general3A_13 : vector<10000x128xf32>
    %slice3A = vector.extract_strided_slice %mul3A_14 {offsets = [0, 0], sizes = [10000, 64], strides = [1, 1]} : vector<10000x128xf32> to vector<10000x64xf32>
    %swap3A = arith.constant 0 : index
    %swap3A_15 = arith.constant 0 : index
    %swap3A_16 = arith.constant 0 : index
    %swap3A_17 = vector.load %arg3[%swap3A, %swap3A_15, %swap3A_16] : memref<2x10000x64xf32, #tpu.memory_space<vmem>>, vector<1x10000x64xf32>
    %swap3A_18 = vector.shape_cast %swap3A_17 : vector<1x10000x64xf32> to vector<10000x64xf32>
    %swap3A_19 = vector.shape_cast %slice3A : vector<10000x64xf32> to vector<1x10000x64xf32>
    tpu.vector_store %arg3[%swap3A, %swap3A_15, %swap3A_16], %swap3A_19 {strides = array<i32>} : memref<2x10000x64xf32, #tpu.memory_space<vmem>>, vector<1x10000x64xf32>,
    %slice3A_20 = vector.extract_strided_slice %mul3A_14 {offsets = [0, 64], sizes = [10000, 64], strides = [1, 1]} : vector<10000x128xf32> to vector<10000x64xf32>
    %swap3A_21 = arith.constant 1 : index
    %swap3A_22 = arith.constant 0 : index
    %swap3A_23 = arith.constant 0 : index
    %swap3A_24 = vector.load %arg3[%swap3A_21, %swap3A_22, %swap3A_23] : memref<2x10000x64xf32, #tpu.memory_space<vmem>>, vector<1x10000x64xf32>
    %swap3A_25 = vector.shape_cast %swap3A_24 : vector<1x10000x64xf32> to vector<10000x64xf32>
    %swap3A_26 = vector.shape_cast %slice3A_20 : vector<10000x64xf32> to vector<1x10000x64xf32>
    tpu.vector_store %arg3[%swap3A_21, %swap3A_22, %swap3A_23], %swap3A_26 {strides = array<i32>} : memref<2x10000x64xf32, #tpu.memory_space<vmem>>, vector<1x10000x64xf32>,
    %swap3A_27 = arith.constant 0 : index
    %swap3A_28 = arith.constant 0 : index
    %swap3A_29 = vector.load %arg4[%swap3A_27, %swap3A_28] : memref<10000x1xf32, #tpu.memory_space<vmem>>, vector<10000x1xf32>
    tpu.vector_store %arg4[%swap3A_27, %swap3A_28], %rsqrt3A {strides = array<i32>} : memref<10000x1xf32, #tpu.memory_space<vmem>>, vector<10000x1xf32>,
    return
  }
}

module attributes {stable_mosaic.version = 14 : i64} {
  func.func @_mid_body(%arg0: i32, %arg1: memref<2x1000x64xf32, #tpu.memory_space<vmem>>, %arg2: memref<2x1000x64xf32, #tpu.memory_space<vmem>>, %arg3: memref<1000x1xf32, #tpu.memory_space<vmem>>, %arg4: memref<1x128xf32, #tpu.memory_space<vmem>>, %arg5: memref<128x48xf32, #tpu.memory_space<vmem>>, %arg6: memref<1000x48xf32, #tpu.memory_space<vmem>>) attributes {dimension_semantics = [#tpu.dimension_semantics<arbitrary>], iteration_bounds = array<i64: 10>, scalar_prefetch = 0 : i64, scratch_operands = 0 : i64, tpu.core_type = #tpu.core_type<tc>, window_params = [{transform_indices = @transform_0, window_bounds = array<i64: 2, 1000, 64>}, {transform_indices = @transform_1, window_bounds = array<i64: 2, 1000, 64>}, {transform_indices = @transform_2, window_bounds = array<i64: 1000, 1>}, {pipeline_mode = #tpu.pipeline_mode<synchronous>, transform_indices = @transform_3, window_bounds = array<i64: 1, 128>}, {pipeline_mode = #tpu.pipeline_mode<synchronous>, transform_indices = @transform_4, window_bounds = array<i64: 128, 48>}, {transform_indices = @transform_5, window_bounds = array<i64: 1000, 48>}]} {
    %get3A = arith.constant 0 : index
    %get3A_0 = arith.constant 0 : index
    %get3A_1 = arith.constant 0 : index
    %get3A_2 = vector.load %arg1[%get3A, %get3A_0, %get3A_1] : memref<2x1000x64xf32, #tpu.memory_space<vmem>>, vector<1x1000x64xf32>
    %get3A_3 = vector.shape_cast %get3A_2 : vector<1x1000x64xf32> to vector<1000x64xf32>
    %get3A_4 = arith.constant 1 : index
    %get3A_5 = arith.constant 0 : index
    %get3A_6 = arith.constant 0 : index
    %get3A_7 = vector.load %arg1[%get3A_4, %get3A_5, %get3A_6] : memref<2x1000x64xf32, #tpu.memory_space<vmem>>, vector<1x1000x64xf32>
    %get3A_8 = vector.shape_cast %get3A_7 : vector<1x1000x64xf32> to vector<1000x64xf32>
    %concatenate3A = tpu.concatenate %get3A_3, %get3A_8 in 1 : vector<1000x64xf32>, vector<1000x64xf32> -> vector<1000x128xf32>
    %get3A_9 = arith.constant 0 : index
    %get3A_10 = arith.constant 0 : index
    %get3A_11 = arith.constant 0 : index
    %get3A_12 = vector.load %arg2[%get3A_9, %get3A_10, %get3A_11] : memref<2x1000x64xf32, #tpu.memory_space<vmem>>, vector<1x1000x64xf32>
    %get3A_13 = vector.shape_cast %get3A_12 : vector<1x1000x64xf32> to vector<1000x64xf32>
    %get3A_14 = arith.constant 1 : index
    %get3A_15 = arith.constant 0 : index
    %get3A_16 = arith.constant 0 : index
    %get3A_17 = vector.load %arg2[%get3A_14, %get3A_15, %get3A_16] : memref<2x1000x64xf32, #tpu.memory_space<vmem>>, vector<1x1000x64xf32>
    %get3A_18 = vector.shape_cast %get3A_17 : vector<1x1000x64xf32> to vector<1000x64xf32>
    %concatenate3A_19 = tpu.concatenate %get3A_13, %get3A_18 in 1 : vector<1000x64xf32>, vector<1000x64xf32> -> vector<1000x128xf32>
    %get3A_20 = arith.constant 0 : index
    %get3A_21 = arith.constant 0 : index
    %get3A_22 = vector.load %arg3[%get3A_20, %get3A_21] : memref<1000x1xf32, #tpu.memory_space<vmem>>, vector<1000x1xf32>
    %add3A = arith.addf %concatenate3A, %concatenate3A_19 : vector<1000x128xf32>
    %mul3A = vector.broadcast %get3A_22 : vector<1000x1xf32> to vector<1000x128xf32>
    %mul3A_23 = arith.mulf %mul3A, %add3A : vector<1000x128xf32>
    %get3A_24 = arith.constant 0 : index
    %get3A_25 = arith.constant 0 : index
    %get3A_26 = vector.load %arg4[%get3A_24, %get3A_25] : memref<1x128xf32, #tpu.memory_space<vmem>>, vector<1x128xf32>
    %add3A_27 = vector.broadcast %get3A_26 : vector<1x128xf32> to vector<1000x128xf32>
    %add3A_28 = arith.addf %mul3A_23, %add3A_27 : vector<1000x128xf32>
    %max3A = arith.constant 0.000000e+00 : f32
    %max3A_29 = vector.broadcast %max3A : f32 to vector<1000x128xf32>
    %max3A_30 = arith.maximumf %add3A_28, %max3A_29 : vector<1000x128xf32>
    %get3A_31 = arith.constant 0 : index
    %get3A_32 = arith.constant 0 : index
    %get3A_33 = vector.load %arg5[%get3A_31, %get3A_32] : memref<128x48xf32, #tpu.memory_space<vmem>>, vector<128x48xf32>
    %dot_general3A = arith.constant dense<0.000000e+00> : vector<1000x48xf32>
    %dot_general3A_34 = tpu.matmul %max3A_30, %get3A_33, %dot_general3A {dimension_numbers = #tpu.dot_dimension_numbers<[1], [0], [0], [1], [0, 0, 1, 1], [], []>, transpose_lhs_hint = false} : vector<1000x128xf32>, vector<128x48xf32>, vector<1000x48xf32> -> vector<1000x48xf32>
    %mul3A_35 = vector.broadcast %get3A_22 : vector<1000x1xf32> to vector<1000x48xf32>
    %mul3A_36 = arith.mulf %mul3A_35, %dot_general3A_34 : vector<1000x48xf32>
    %swap3A = arith.constant 0 : index
    %swap3A_37 = arith.constant 0 : index
    %swap3A_38 = vector.load %arg6[%swap3A, %swap3A_37] : memref<1000x48xf32, #tpu.memory_space<vmem>>, vector<1000x48xf32>
    tpu.vector_store %arg6[%swap3A, %swap3A_37], %mul3A_36 {strides = array<i32>} : memref<1000x48xf32, #tpu.memory_space<vmem>>, vector<1000x48xf32>,
    return
  }
  func.func @transform_0(%arg0: i32) -> (i32, i32, i32) {
    %c0_i32 = arith.constant 0 : i32
    %c0_i32_0 = arith.constant 0 : i32
    %c0_i32_1 = arith.constant 0 : i32
    return %c0_i32, %arg0, %c0_i32_0 : i32, i32, i32
  }
  func.func @transform_1(%arg0: i32) -> (i32, i32, i32) {
    %c0_i32 = arith.constant 0 : i32
    %c0_i32_0 = arith.constant 0 : i32
    %c0_i32_1 = arith.constant 0 : i32
    return %c0_i32, %arg0, %c0_i32_0 : i32, i32, i32
  }
  func.func @transform_2(%arg0: i32) -> (i32, i32) {
    %c0_i32 = arith.constant 0 : i32
    %c0_i32_0 = arith.constant 0 : i32
    return %arg0, %c0_i32 : i32, i32
  }
  func.func @transform_3(%arg0: i32) -> (i32, i32) {
    %c0_i32 = arith.constant 0 : i32
    %c0_i32_0 = arith.constant 0 : i32
    %c0_i32_1 = arith.constant 0 : i32
    return %c0_i32, %c0_i32_0 : i32, i32
  }
  func.func @transform_4(%arg0: i32) -> (i32, i32) {
    %c0_i32 = arith.constant 0 : i32
    %c0_i32_0 = arith.constant 0 : i32
    %c0_i32_1 = arith.constant 0 : i32
    return %c0_i32, %c0_i32_0 : i32, i32
  }
  func.func @transform_5(%arg0: i32) -> (i32, i32) {
    %c0_i32 = arith.constant 0 : i32
    %c0_i32_0 = arith.constant 0 : i32
    return %arg0, %c0_i32 : i32, i32
  }
}

module attributes {stable_mosaic.version = 14 : i64} {
  func.func @_out_body(%arg0: i32, %arg1: memref<2x1000x48xf32, #tpu.memory_space<vmem>>, %arg2: memref<1000x48xf32, #tpu.memory_space<vmem>>, %arg3: memref<1000x1xf32, #tpu.memory_space<vmem>>, %arg4: memref<1x48xf32, #tpu.memory_space<vmem>>, %arg5: memref<1000x40xf32, #tpu.memory_space<vmem>>) attributes {dimension_semantics = [#tpu.dimension_semantics<arbitrary>], iteration_bounds = array<i64: 10>, scalar_prefetch = 0 : i64, scratch_operands = 0 : i64, tpu.core_type = #tpu.core_type<tc>, window_params = [{transform_indices = @transform_0, window_bounds = array<i64: 2, 1000, 48>}, {transform_indices = @transform_1, window_bounds = array<i64: 1000, 48>}, {transform_indices = @transform_2, window_bounds = array<i64: 1000, 1>}, {pipeline_mode = #tpu.pipeline_mode<synchronous>, transform_indices = @transform_3, window_bounds = array<i64: 1, 48>}, {transform_indices = @transform_4, window_bounds = array<i64: 1000, 40>}]} {
    %get3A = arith.constant 0 : index
    %get3A_0 = arith.constant 0 : index
    %get3A_1 = arith.constant 0 : index
    %get3A_2 = vector.load %arg1[%get3A, %get3A_0, %get3A_1] : memref<2x1000x48xf32, #tpu.memory_space<vmem>>, vector<1x1000x48xf32>
    %get3A_3 = vector.shape_cast %get3A_2 : vector<1x1000x48xf32> to vector<1000x48xf32>
    %get3A_4 = arith.constant 1 : index
    %get3A_5 = arith.constant 0 : index
    %get3A_6 = arith.constant 0 : index
    %get3A_7 = vector.load %arg1[%get3A_4, %get3A_5, %get3A_6] : memref<2x1000x48xf32, #tpu.memory_space<vmem>>, vector<1x1000x48xf32>
    %get3A_8 = vector.shape_cast %get3A_7 : vector<1x1000x48xf32> to vector<1000x48xf32>
    %add3A = arith.addf %get3A_3, %get3A_8 : vector<1000x48xf32>
    %get3A_9 = arith.constant 0 : index
    %get3A_10 = arith.constant 0 : index
    %get3A_11 = vector.load %arg3[%get3A_9, %get3A_10] : memref<1000x1xf32, #tpu.memory_space<vmem>>, vector<1000x1xf32>
    %get3A_12 = arith.constant 0 : index
    %get3A_13 = arith.constant 0 : index
    %get3A_14 = vector.load %arg2[%get3A_12, %get3A_13] : memref<1000x48xf32, #tpu.memory_space<vmem>>, vector<1000x48xf32>
    %add3A_15 = arith.addf %add3A, %get3A_14 : vector<1000x48xf32>
    %mul3A = vector.broadcast %get3A_11 : vector<1000x1xf32> to vector<1000x48xf32>
    %mul3A_16 = arith.mulf %mul3A, %add3A_15 : vector<1000x48xf32>
    %get3A_17 = arith.constant 0 : index
    %get3A_18 = arith.constant 0 : index
    %get3A_19 = vector.load %arg4[%get3A_17, %get3A_18] : memref<1x48xf32, #tpu.memory_space<vmem>>, vector<1x48xf32>
    %add3A_20 = vector.broadcast %get3A_19 : vector<1x48xf32> to vector<1000x48xf32>
    %add3A_21 = arith.addf %mul3A_16, %add3A_20 : vector<1000x48xf32>
    %iota3A = tpu.iota {dimensions = array<i32: 1>} : vector<1000x48xi32>
    %lt3A = arith.constant 40 : i32
    %lt3A_22 = vector.broadcast %lt3A : i32 to vector<1000x48xi32>
    %lt3A_23 = arith.cmpi slt, %iota3A, %lt3A_22 : vector<1000x48xi32>
    %jit3A = arith.constant 0xFF800000 : f32
    %broadcast_in_dim3A = vector.broadcast %jit3A : f32 to vector<1000x48xf32>
    %select_n3A = arith.select %lt3A_23, %add3A_21, %broadcast_in_dim3A : vector<1000x48xi1>, vector<1000x48xf32>
    %reduce_max3A = arith.constant dense<0xFF800000> : vector<1000xf32>
    %reduce_max3A_24 = vector.multi_reduction <maximumf>, %select_n3A, %reduce_max3A [1] : vector<1000x48xf32> to vector<1000xf32>
    %broadcast_in_dim3A_25 = vector.shape_cast %reduce_max3A_24 : vector<1000xf32> to vector<1000x1xf32>
    %sub3A = vector.broadcast %broadcast_in_dim3A_25 : vector<1000x1xf32> to vector<1000x48xf32>
    %sub3A_26 = arith.subf %add3A_21, %sub3A : vector<1000x48xf32>
    %exp3A = math.exp %sub3A_26 : vector<1000x48xf32>
    %jit3A_27 = arith.constant 0.000000e+00 : f32
    %broadcast_in_dim3A_28 = vector.broadcast %jit3A_27 : f32 to vector<1000x48xf32>
    %select_n3A_29 = arith.select %lt3A_23, %exp3A, %broadcast_in_dim3A_28 : vector<1000x48xi1>, vector<1000x48xf32>
    %reduce_sum3A = arith.constant dense<0.000000e+00> : vector<1000xf32>
    %reduce_sum3A_30 = vector.multi_reduction <add>, %select_n3A_29, %reduce_sum3A [1] : vector<1000x48xf32> to vector<1000xf32>
    %broadcast_in_dim3A_31 = vector.shape_cast %reduce_sum3A_30 : vector<1000xf32> to vector<1000x1xf32>
    %sub3A_32 = vector.broadcast %broadcast_in_dim3A_25 : vector<1000x1xf32> to vector<1000x48xf32>
    %sub3A_33 = arith.subf %add3A_21, %sub3A_32 : vector<1000x48xf32>
    %log3A = math.log %broadcast_in_dim3A_31 : vector<1000x1xf32>
    %sub3A_34 = vector.broadcast %log3A : vector<1000x1xf32> to vector<1000x48xf32>
    %sub3A_35 = arith.subf %sub3A_33, %sub3A_34 : vector<1000x48xf32>
    %slice3A = vector.extract_strided_slice %sub3A_35 {offsets = [0, 0], sizes = [1000, 40], strides = [1, 1]} : vector<1000x48xf32> to vector<1000x40xf32>
    %swap3A = arith.constant 0 : index
    %swap3A_36 = arith.constant 0 : index
    %swap3A_37 = vector.load %arg5[%swap3A, %swap3A_36] : memref<1000x40xf32, #tpu.memory_space<vmem>>, vector<1000x40xf32>
    tpu.vector_store %arg5[%swap3A, %swap3A_36], %slice3A {strides = array<i32>} : memref<1000x40xf32, #tpu.memory_space<vmem>>, vector<1000x40xf32>,
    return
  }
  func.func @transform_0(%arg0: i32) -> (i32, i32, i32) {
    %c0_i32 = arith.constant 0 : i32
    %c0_i32_0 = arith.constant 0 : i32
    %c0_i32_1 = arith.constant 0 : i32
    return %c0_i32, %arg0, %c0_i32_0 : i32, i32, i32
  }
  func.func @transform_1(%arg0: i32) -> (i32, i32) {
    %c0_i32 = arith.constant 0 : i32
    %c0_i32_0 = arith.constant 0 : i32
    return %arg0, %c0_i32 : i32, i32
  }
  func.func @transform_2(%arg0: i32) -> (i32, i32) {
    %c0_i32 = arith.constant 0 : i32
    %c0_i32_0 = arith.constant 0 : i32
    return %arg0, %c0_i32 : i32, i32
  }
  func.func @transform_3(%arg0: i32) -> (i32, i32) {
    %c0_i32 = arith.constant 0 : i32
    %c0_i32_0 = arith.constant 0 : i32
    %c0_i32_1 = arith.constant 0 : i32
    return %c0_i32, %c0_i32_0 : i32, i32
  }
  func.func @transform_4(%arg0: i32) -> (i32, i32) {
    %c0_i32 = arith.constant 0 : i32
    %c0_i32_0 = arith.constant 0 : i32
    return %arg0, %c0_i32 : i32, i32
  }
}

</mosaic_0001>

<sc_bundles>
// kernel: kernel.11.cloned.1.call-start
scs
__scs_entry_jumppad:
0x0: {  	(pc) =	sbr.rel $0x88, $3  }
0x1: {  	(tag) =	ssettag $0x0;
	lr =	simm.s32 $0x1  }
0x2: {  	[smem:$0x3F9B] =	sst lr;
	_ =	strace $0xD0000000  }
0x3: {  	_ = 	snop  }
0x4: {  	_ = 	snop  }
0x5: {  	_ = 	snop  }
0x6: {  	_ = 	snop  }
0x7: {  	_ = 	snop  }
__scs_overlays_trampoline_lowered:
0x8: {  	[smem:$0x3FAA] =	sst s0  }
0x9: {  	[smem:$0x3FAB] =	sst s1  }
0xa: {  	[smem:$0x3FAC] =	sst s2  }
0xb: {  	[smem:$0x3FAD] =	sst s3  }
0xc: {  	[smem:$0x3FAE] =	sst s4  }
0xd: {  	[smem:$0x3FAF] =	sst s5  }
0xe: {  	[smem:$0x3FB0] =	sst s6  }
0xf: {  	[smem:$0x3FB1] =	sst s7  }
0x10: {  	[smem:$0x3FB2] =	sst s8  }
0x11: {  	[smem:$0x3FB3] =	sst s9;
	s0 =	simm.s32 @!p0 $0x0  }
0x12: {  	s1 =	sld [smem:$0x3F99];
	s0 =	simm.s32 @p0 $0x1  }
0x13: {  	[smem:$0x3FB4] =	sst s0;
	s0 =	simm.s32 @!p1 $0x0  }
0x14: {  	s2 =	sld [smem:$0x3F98];
	s0 =	simm.s32 @p1 $0x1  }
0x15: {  	[smem:$0x3FB5] =	sst s0;
	s0 =	simm.s32 @!p2 $0x0  }
0x16: {  	s3 =	sld [smem:$0x3FDB];
	s0 =	simm.s32 @p2 $0x1  }
0x17: {  	s4 =	simm.s32 $0x1BF5;
	[smem:$0x3FB7] =	sst s0  }
0x18: {  	s0 =	sld [smem:$0x3F9A];
	_ =	swait.ge [sflag:s4], $0x0  }
0x19: {  	s7 =	sld [smem:$0x3F9B]  }
0x1a: {  	s8 =	sadd.s32 $0xFFFFE003, lr  }
0x1b: {  	s9 =	sadd.s32 $0xFFFFFEF7, lr;
	s5 =	simm.s32 $0xFFFFFFFF;
	p2 =	slt.u32 s8, $0xFFFFF086  }
0x1c: {  	p1 =	slt.u32 s9, $0xF7A;
	s5 =	simm.s32 @!p2 $0x0  }
0x1d: {  	s5 =	simm.s32 @p1 $0x1;
	p0 =	seq.s32 s7, s2  }
0x1e: {  	s7 =	smul.u32 @!p0 $0xF7A, s2;
	p2 =	seq.s32 @!p0 s5, $0x0  }
0x1f: {  	s9 =	smul.u32 $0xF7A, s1;
	s8 =	simm.s32 @!p0 $0x1BF5;
	p2 =	por !p2, p0  }
0x20: {  	[sflag:s8] =	ssyncset.s32 @!p0 $0xFFFFF086;
	s6 =	sadd.s32 @!p0 s3, s7;
	s7 =	simm.s32 @!p0 $0x108  }
0x21: {  	s3 =	sadd.s32 s3, s9;
	s6 =	sadd.s32 @!p0 $0x88, s6;
	s7 =	simm.s32 @p2 $0x1082  }
0x22: {  	[simem:s7], [sflag:s8] =	dma.local @!p0 [hbm:s6], $0xF7A  }
0x23: {  	s9 =	sor.u32 $0xD0000000, s2;
	s6 =	simm.s32 $0x108;
	_ =	swait.ge @!p0 [sflag:s8], $0x0  }
0x24: {  	s3 =	sadd.s32 $0x88, s3;
	s6 =	simm.s32 @!p1 $0x1082;
	[sflag:s4] =	ssyncset.s32 $0xFFFFF086  }
0x25: {  	[simem:s6], [sflag:s4] =	dma.local [hbm:s3], $0xF7A  }
0x26: {  	[smem:$0x3F9B] =	sst s1;
	(tag) =	ssettag s2;
	_ =	strace s9  }
0x27: {  	s1 =	sld [smem:$0x3FAB]  }
0x28: {  	s2 =	sld [smem:$0x3FAC]  }
0x29: {  	s4 =	sld [smem:$0x3FAE]  }
0x2a: {  	p0 =	seq.s32 s5, $0x0;
	s5 =	sld [smem:$0x3FAF]  }
0x2b: {  	s6 =	sld [smem:$0x3FB0]  }
0x2c: {  	s7 =	sld [smem:$0x3FB1]  }
0x2d: {  	s3 =	simm.s32 $0x108;
	s8 =	sld [smem:$0x3FB2]  }
0x2e: {  	s3 =	simm.s32 @!p0 $0x1082;
	s9 =	sld [smem:$0x3FB3]  }
0x2f: {  	lr =	sadd.s32 s0, s3;
	s0 =	sld [smem:$0x3FAA]  }
0x30: {  	s3 =	sld [smem:$0x3FAD]  }
0x31: {  	[smem:$0x3FB6] =	sst s10  }
0x32: {  	s10 =	sld [smem:$0x3FB4];
	_ =	sdelay $0x3  }
0x33: {  	p0 =	seq.s32 s10, $0x1;
	s10 =	sld [smem:$0x3FB6];
	_ =	sdelay $0x3  }
0x34: {  	[smem:$0x3FB6] =	sst s10  }
0x35: {  	s10 =	sld [smem:$0x3FB5];
	_ =	sdelay $0x3  }
0x36: {  	p1 =	seq.s32 s10, $0x1;
	s10 =	sld [smem:$0x3FB6];
	_ =	sdelay $0x3  }
0x37: {  	[smem:$0x3FB6] =	sst s10  }
0x38: {  	s10 =	sld [smem:$0x3FB7]  }
0x39: {  	_ = 	snop;
	(pc) =	sbr.ind lr, $3  }
0x3a: {  	_ = 	snop  }
0x3b: {  	_ = 	snop  }
0x3c: {  	p2 =	seq.s32 s10, $0x1;
	s10 =	sld [smem:$0x3FB6]  }
0x3d: {  	_ =	shalt  }
0x3e: {  	_ =	shalt  }
0x3f: {  	_ =	shalt  }
0x40: {  	_ =	shalt  }
0x41: {  	_ =	shalt  }
0x42: {  	_ =	shalt  }
0x43: {  	_ =	shalt  }
0x44: {  	_ =	shalt  }
0x45: {  	_ =	shalt  }
0x46: {  	_ =	shalt  }
0x47: {  	_ =	shalt  }
0x48: {  	_ =	shalt  }
0x49: {  	_ =	shalt  }
0x4a: {  	_ =	shalt  }
0x4b: {  	_ =	shalt  }
0x4c: {  	_ =	shalt  }
0x4d: {  	_ =	shalt  }
0x4e: {  	_ =	shalt  }
0x4f: {  	_ =	shalt  }
0x50: {  	_ =	shalt  }
0x51: {  	_ =	shalt  }
0x52: {  	_ =	shalt  }
0x53: {  	_ =	shalt  }
0x54: {  	_ =	shalt  }
0x55: {  	_ =	shalt  }
0x56: {  	_ =	shalt  }
0x57: {  	_ =	shalt  }
0x58: {  	_ =	shalt  }
0x59: {  	_ =	shalt  }
0x5a: {  	_ =	shalt  }
0x5b: {  	_ =	shalt  }
0x5c: {  	_ =	shalt  }
0x5d: {  	_ =	shalt  }
0x5e: {  	_ =	shalt  }
0x5f: {  	_ =	shalt  }
0x60: {  	_ =	shalt  }
0x61: {  	_ =	shalt  }
0x62: {  	_ =	shalt  }
0x63: {  	_ =	shalt  }
0x64: {  	_ =	shalt  }
0x65: {  	_ =	shalt  }
0x66: {  	_ =	shalt  }
0x67: {  	_ =	shalt  }
0x68: {  	_ =	shalt  }
0x69: {  	_ =	shalt  }
0x6a: {  	_ =	shalt  }
0x6b: {  	_ =	shalt  }
0x6c: {  	_ =	shalt  }
0x6d: {  	_ =	shalt  }
0x6e: {  	_ =	shalt  }
0x6f: {  	_ =	shalt  }
0x70: {  	_ =	shalt  }
0x71: {  	_ =	shalt  }
0x72: {  	_ =	shalt  }
0x73: {  	_ =	shalt  }
0x74: {  	_ =	shalt  }
0x75: {  	_ =	shalt  }
0x76: {  	_ =	shalt  }
0x77: {  	_ =	shalt  }
0x78: {  	_ =	shalt  }
0x79: {  	_ =	shalt  }
0x7a: {  	_ =	shalt  }
0x7b: {  	_ =	shalt  }
0x7c: {  	_ =	shalt  }
0x7d: {  	_ =	shalt  }
0x7e: {  	_ =	shalt  }
0x7f: {  	_ =	shalt  }
0x80: {  	_ =	shalt  }
0x81: {  	_ =	shalt  }
0x82: {  	_ =	shalt  }
0x83: {  	_ =	shalt  }
0x84: {  	_ =	shalt  }
0x85: {  	_ =	shalt  }
0x86: {  	_ =	shalt  }
0x87: {  	_ =	shalt  }
.Lfunc_end0:
.L_simem_size_0:
called_computation.1_lowered:
.L_overlay_start_0:
0x88: {  	s2 =	sld [smem:$0x3FD9]  }
0x89: {  	s3 =	sld [smem:$0x3FFE];
	_ =	sdelay $0x1  }
0x8a: {  	s1 =	srdreg.scid  }
0x8b: {  	s0 =	sand.u32 $0x1, s1  }
0x8c: {  	s17 =	sshll.u32 s0, $0xA;
	s2 =	sadd.s32 s3, s2  }
0x8d: {  	s2 =	sadd.s32 s2, s17  }
0x8e: {  	[smem:$0x3FC2] =	sst s2  }
0x8f: {  	_ = 	snop  }
0x90: {  	s2 =	sld [smem:$0x3FD0];
	(tm) =	ssettm $0x1  }
0x91: {  	s18 =	sld [smem:$0x3FFB];
	_ =	sdelay $0x3  }
0x92: {  	_ =	strace s18  }
0x93: {  	s3 =	sld [smem:$0x3FFC];
	_ =	sdelay $0x3  }
0x94: {  	_ =	strace s3  }
0x95: {  	s3 =	sld [smem:$0x3FFD];
	_ =	sdelay $0x3  }
0x96: {  	_ =	strace s3  }
0x97: {  	_ =	strace $0x8FFFFFFF  }
0x98: {  	s19 =	sld [smem:$0x3FDB];
	_ =	sdelay $0x1  }
0x99: {  	s4 =	simm.s32 $_scs_section_size  }
0x9a: {  	s5 =	simm.s32 $_size__tile_overlayer_lowered;
	s6 =	simm.s32 $_tile_overlayer_lowered  }
0x9b: {  	s22 =	simm.s32 $0x1BFF;
	s21 =	sshll.u32 s6, $0x1;
	s3 =	sadd.s32 s4, s19  }
0x9c: {  	s7 =	simm.s32 $0x0;
	s20 =	sshll.u32 s5, $0x1;
	s5 =	sadd.s32 s21, s3  }
0x9d: {  	[timem:s7], [sflag:s22] =	dma.local [hbm:s5], s20  }
0x9e: {  	_ =	swait.ge [sflag:s22], s20  }
0x9f: {  	s4 =	ssub.s32 $0x0, s20;
	[sflag:s22] =	ssyncset.done $0x0  }
0xa0: {  	[sflag:s22] =	ssyncadd.s32 s4;
	_ =	sdelay $0x1  }
0xa1: {  	s23 =	simm.s32 $0x1B8B  }
0xa2: {  	_ =	swait.ge [sflag:s23], $0x1  }
0xa3: {  	[sflag:s23] =	ssyncset.done $0x0  }
0xa4: {  	s25 =	simm.s32 $0x1B8E;
	s24 =	sld [smem:$0x3FFE];
	[sflag:s23] =	ssyncadd.s32 $0xFFFFFFFF  }
0xa5: {  	s26 =	simm.s32 $execute0_lowered;
	[smem:$0x3FD2] =	sst s25  }
0xa6: {  	s5 =	sshll.u32 s26, $0x1;
	_ =	strace $0x80000049;
	[dreg:$0x1] =	wrdreg $0xFFFFFFFF  }
0xa7: {  	s28 =	simm.s32 $_size_execute0_lowered;
	s3 =	sadd.s32 s3, s5;
	[dreg:$0x0] =	wrdreg $0x0  }
0xa8: {  	s5 =	sshll.u32 s28, $0x1;
	[dreg:$0x2] =	wrdreg s3  }
0xa9: {  	[dreg:$0x3] =	wrdreg s5  }
0xaa: {  	[dreg:$0x4] =	wrdreg $0xC0  }
0xab: {  	_ =	task [dreg:s7], $0x5FFFF  }
0xac: {  	[dreg:$0x1] =	wrdreg $0xFFFFFFFF  }
0xad: {  	[dreg:$0x0] =	wrdreg $0x60  }
0xae: {  	[dreg:$0x2] =	wrdreg s24  }
0xaf: {  	[dreg:$0x3] =	wrdreg s2  }
0xb0: {  	[dreg:$0x4] =	wrdreg $0x14A000  }
0xb1: {  	[dreg:$0x5] =	wrdreg $0x9  }
0xb2: {  	_ =	task.clear_ibuf [dreg:s7], $0x6FFFF;
	_ =	strace $0x90000049  }
0xb3: {  	s29 =	simm.s32 $0x9;
	_ =	strace $0x8000004B  }
0xb4: {  	_ =	swait.ge [sflag:s29], $0x1  }
0xb5: {  	[sflag:s29] =	ssyncadd.s32 $0xFFFFFFFF  }
0xb6: {  	_ =	strace $0x9000004B  }
0xb7: {  	_ =	sfence  }
0xb8: {  	s30 =	sld [smem:$0x0];
	_ =	sdelay $0x2  }
0xb9: {  	s31 =	sshll.u32 s1, $0xD;
	s1 =	sshrl.u32 s1, $0x2  }
0xba: {  	s3 =	sand.u32 $0x4000, s31;
	s1 =	sadd.s32 s1, s30  }
0xbb: {  	s0 =	sor.u32 s3, s0;
	s1 =	sshll.u32 s1, $0x11  }
0xbc: {  	s0 =	sor.u32 s1, s0  }
0xbd: {  	s0 =	sadd.s32 $0x8F2B, s0  }
0xbe: {  	[sflag:s0] =	ssyncadd.remote.s32 $0x1  }
0xbf: {  	_ =	sfence.sel $0xFFFF  }
0xc0: {  	[dreg:$0x0] =	wrdreg $0xFFFFFFFF;
	(pc) =	sbr.abs _section_cstart, $3  }
0xc1: {  	[dreg:$0x1] =	wrdreg $0xFFFFFFFF  }
0xc2: {  	_ =	task.clear_ibuf [dreg:s7], $0x2FFFF;
	_ =	strace $0x9FFFFFFF  }
0xc3: {  	(tm) =	ssettm $0x7FFFFFFF  }
tec
execute0_lowered:
.L_overlay_start_1:
0x0: {  	(tag) =	ssettag $0x1  }
0x1: {  	s0 =	rddreg [dreg:$0x0]  }
0x2: {  	s1 =	srdreg.scid;
	s5 =	rddreg [dreg:$0x1]  }
0x3: {  	s3 =	stileid.u32;
	s2 =	rddreg [dreg:$0x2]  }
0x4: {  	s8 =	simm.s32 $0x0;
	s14 =	simm.s32 $0x11;
	s16 =	simm.s32 $0x7D  }
0x5: {  	s17 =	simm.s32 $0x5000;
	s28 =	simm.s32 $0xEC40;
	s29 =	simm.s32 $0x1  }
0x6: {  	s30 =	simm.s32 $0x10B80;
	s31 =	simm.s32 $0x2;
	s15 =	simm.s32 $0x7  }
0x7: {  	s11 =	simm.s32 $0x8;
	s12 =	simm.s32 $0xE;
	s7 =	smul.u32 $0x5000, s3  }
0x8: {  	s1 =	sand.u32 $0x1, s1;
	s6 =	smul.u32 $0x9C40, s3;
	[smem:$0x7FF] =	sst s8  }
0x9: {  	s10 =	sadd.s32 $0x2600, s0;
	s21 =	sshll.u32 s3, $0x6;
	s4 =	smul.u32 $0x50000, s1  }
0xa: {  	s9 =	smul.u32 $0x9C400, s1;
	_ =	strace $0x8000004A;
	s1 =	ssub.s32 $0x2, s1  }
0xb: {  	[dreg:$0x4] =	wrdreg s10;
	s10 =	simm.s32 $0xD;
	s20 =	sshrl.u32 s1, $0x1  }
0xc: {  	s22 =	sadd.s32 s6, s2;
	s19 =	sadd.s32 s7, s4;
	s4 =	sadd.s32 $0x9F600, s0  }
0xd: {  	s9 =	sadd.s32 s6, s9;
	s1 =	ssub.s32 s1, s20;
	s6 =	sor.u32 $0x1C11, s21  }
0xe: {  	s7 =	sshrl.u32 s7, $0x3;
	s21 =	simm.s32 $0x8E80;
	s8 =	sshrl.u32 s19, $0x3  }
0xf: {  	s9 =	sshrl.u32 s9, $0x3;
	s24 =	sadd.s32 s5, s7;
	s26 =	smax.u32 s1, $0x1  }
0x10: {  	s19 =	simm.s32 $0x6F40;
	s1 =	simm.s32 $0x12AC0;
	[dreg:$0x5] =	wrdreg s6  }
0x11: {  	s5 =	simm.s32 $0x9;
	s7 =	simm.s32 $0x5;
	[dreg:$0x7] =	wrdreg s24  }
0x12: {  	s8 =	sadd.s32 s8, s0;
	s3 =	sadd.s32 $0x500, s24;
	[dreg:$0xb] =	wrdreg s26  }
.Ltmp0:
0x13: {  	s23 =	sadd.s32 $0x16200, s8;
	[dreg:$0x9] =	wrdreg s3;
	(pc) =	sbr.rel .LBB2_1-.Ltmp0, $4  }
0x14: {  	s0 =	sadd.s32 s9, s0;
	s25 =	sadd.s32 $0x16700, s8;
	[dreg:$0x6] =	wrdreg s23  }
0x15: {  	s9 =	simm.s32 $0xB;
	s0 =	sadd.s32 $0xC6800, s0;
	[dreg:$0x8] =	wrdreg s25  }
0x16: {  	s8 =	sshrl.u32 s22, $0x3;
	s22 =	simm.s32 $0x0;
	[dreg:$0xa] =	wrdreg s0  }
0x17: {  	s25 =	simm.s32 $0xCD00;
	s0 =	simm.s32 $0x3;
	[dreg:$0xc] =	wrdreg s8  }
.LBB2_7:
0x18: {  	_ =	swait.ge [sflag:s11], $0x1F40  }
0x19: {  	[sflag:s11] =	ssyncset.done $0x0  }
0x1a: {  	[sflag:s11] =	ssyncadd.s32 $0xFFFFE0C0  }
0x1b: {  	[spmem:s2] =	stream.indirect.scatter.add.f32 [tilespmem:s1], [sflag:$0x10], $0x40, s8, s16, $0xb8;
	[tilespmem:$0x1E640] =	vst v63  }
0x1c: {  	_ =	swait.ge [sflag:s12], $0x1F40  }
0x1d: {  	[sflag:s12] =	ssyncset.done $0x0  }
0x1e: {  	s3 =	simm.s32 $0xF;
	[sflag:s12] =	ssyncadd.s32 $0xFFFFE0C0  }
0x1f: {  	_ =	swait.ge [sflag:s3], $0x1F40  }
0x20: {  	[sflag:s3] =	ssyncset.done $0x0  }
0x21: {  	s23 =	simm.s32 $0x10;
	[sflag:s3] =	ssyncadd.s32 $0xFFFFE0C0  }
0x22: {  	_ =	swait.ge [sflag:s23], $0x1F40  }
0x23: {  	[sflag:s23] =	ssyncset.done $0x0  }
0x24: {  	[sflag:s23] =	ssyncadd.s32 $0xFFFFE0C0  }
0x25: {  	[bflag:$0x0] =	sbarrier.arrive $0xFFFF  }
0x26: {  	s6 =	rddreg [dreg:$0x5]  }
0x27: {  	s24 =	rddreg [dreg:$0xa]  }
0x28: {  	s8 =	rddreg [dreg:$0xc]  }
0x29: {  	[hbm:s24], [sflag:s6] =	dma.local [spmem:s8], $0x1388  }
0x2a: {  	_ =	swait.ge [sflag:s14], $0x1388  }
0x2b: {  	s22 =	sadd.s32 $0x1, s22;
	s26 =	rddreg [dreg:$0xb]  }
0x2c: {  	p0 =	sne.s32 s22, s26  }
.Ltmp1:
0x2d: {  	_ = 	snop;
	(pc) =	sbr.rel @!p0 .LBB2_8-.Ltmp1, $3  }
0x2e: {  	_ =	sdelay $0x1  }
0x2f: {  	[sflag:s14] =	ssyncset.done $0x0  }
0x30: {  	[sflag:s14] =	ssyncadd.s32 $0xFFFFEC78  }
.LBB2_1:
0x31: {  	s3 =	rddreg [dreg:$0x4]  }
0x32: {  	[spmem:s8], [sflag:s6] =	dma.local [hbm:s3], $0x1388  }
0x33: {  	_ =	swait.ge [sflag:s14], $0x1388  }
0x34: {  	[sflag:s14] =	ssyncset.done $0x0  }
0x35: {  	[sflag:s14] =	ssyncadd.s32 $0xFFFFEC78  }
0x36: {  	[bflag:$0x0] =	sbarrier.arrive $0xFFFF  }
0x37: {  	s20 =	simm.s32 $0x0;
	s23 =	rddreg [dreg:$0x6]  }
0x38: {  	[tilespmem:s20], [sflag:$0x11] =	stream.linear.gather [hbm4b:s23+s20], $0x2800, $0x38;
	[tilespmem:$0x1E640] =	vst v63  }
0x39: {  	_ =	swait.ge [sflag:s14], $0x2800  }
0x3a: {  	[sflag:s14] =	ssyncset.done $0x0  }
0x3b: {  	s26 =	simm.s32 $0x2800;
	s24 =	rddreg [dreg:$0x7];
	[sflag:s14] =	ssyncadd.s32 $0xFFFFD800  }
0x3c: {  	[tilespmem:s26], [sflag:$0x11] =	stream.linear.gather [hbm4b:s24+s20], $0x2800, $0x38;
	[tilespmem:$0x1E640] =	vst v63  }
0x3d: {  	_ =	swait.ge [sflag:s14], $0x2800  }
0x3e: {  	[sflag:s14] =	ssyncset.done $0x0  }
0x3f: {  	[sflag:s14] =	ssyncadd.s32 $0xFFFFD800  }
0x40: {  	[tilespmem:s17], [sflag:$0x1] =	stream.indirect.gather [hbm4b:s4+s16], $0x40, s20, s16, $0xb8;
	[tilespmem:$0x1E640] =	vst v63  }
0x41: {  	s13 =	simm.s32 $0x80  }
0x42: {  	[tilespmem:s19], [sflag:$0x2] =	stream.indirect.gather [hbm4b:s4+s16], $0x40, s13, s16, $0xb8;
	[tilespmem:$0x1E640] =	vst v63  }
0x43: {  	s18 =	simm.s32 $0x100  }
0x44: {  	[tilespmem:s21], [sflag:$0x3] =	stream.indirect.gather [hbm4b:s4+s16], $0x40, s18, s16, $0xb8;
	[tilespmem:$0x1E640] =	vst v63  }
0x45: {  	s23 =	simm.s32 $0xADC0;
	s20 =	simm.s32 $0x180  }
0x46: {  	[tilespmem:s23], [sflag:$0x4] =	stream.indirect.gather [hbm4b:s4+s16], $0x40, s20, s16, $0xb8;
	[tilespmem:$0x1E640] =	vst v63  }
0x47: {  	s24 =	simm.s32 $0x200  }
0x48: {  	[tilespmem:s25], [sflag:$0x5] =	stream.indirect.gather [hbm4b:s4+s16], $0x40, s24, s16, $0xb8;
	[tilespmem:$0x1E640] =	vst v63  }
0x49: {  	s26 =	simm.s32 $0x280;
	s23 =	simm.s32 $0x0  }
0x4a: {  	[tilespmem:s28], [sflag:$0x6] =	stream.indirect.gather [hbm4b:s4+s16], $0x40, s26, s16, $0xb8;
	[tilespmem:$0x1E640] =	vst v63  }
.LBB2_2:
0x4b: {  	_ =	swait.ge [sflag:s29], $0x1F40  }
0x4c: {  	s24 =	sshra.s32 s23, $0x2;
	[sflag:s29] =	ssyncset.done $0x0  }
0x4d: {  	p0 =	seq.s32 s23, $0x0;
	s8 =	sadd.s32 $0x2800, s24;
	[sflag:s29] =	ssyncadd.s32 $0xFFFFE0C0  }
0x4e: {  	[spmem:s2] =	stream.indirect.scatter.add.f32 [tilespmem:s17], [sflag:$0x9], $0x40, s8, s16, $0xb8;
	[tilespmem:$0x1E640] =	vst v63  }
0x4f: {  	s8 =	simm.s32 @!p0 $0xF  }
0x50: {  	_ =	swait.ge @!p0 [sflag:s8], $0x1F40  }
0x51: {  	[sflag:s8] =	ssyncset.done @!p0 $0x0  }
0x52: {  	s3 =	sadd.s32 $0x300, s24;
	[sflag:s8] =	ssyncadd.s32 @!p0 $0xFFFFE0C0  }
0x53: {  	[tilespmem:s30], [sflag:$0x7] =	stream.indirect.gather [hbm4b:s4+s16], $0x40, s3, s16, $0xb8;
	[tilespmem:$0x1E640] =	vst v63  }
0x54: {  	_ =	swait.ge [sflag:s31], $0x1F40  }
0x55: {  	[sflag:s31] =	ssyncset.done $0x0  }
0x56: {  	s6 =	sadd.s32 $0x2880, s24;
	s8 =	simm.s32 @!p0 $0x10;
	[sflag:s31] =	ssyncadd.s32 $0xFFFFE0C0  }
0x57: {  	[spmem:s2] =	stream.indirect.scatter.add.f32 [tilespmem:s19], [sflag:$0xA], $0x40, s6, s16, $0xb8;
	[tilespmem:$0x1E640] =	vst v63  }
0x58: {  	_ =	swait.ge @!p0 [sflag:s8], $0x1F40  }
0x59: {  	[sflag:s8] =	ssyncset.done @!p0 $0x0  }
0x5a: {  	s13 =	sadd.s32 $0x380, s24;
	[sflag:s8] =	ssyncadd.s32 @!p0 $0xFFFFE0C0  }
0x5b: {  	[tilespmem:s1], [sflag:$0x8] =	stream.indirect.gather [hbm4b:s4+s16], $0x40, s13, s16, $0xb8;
	[tilespmem:$0x1E640] =	vst v63  }
0x5c: {  	_ =	swait.ge [sflag:s0], $0x1F40  }
0x5d: {  	[sflag:s0] =	ssyncset.done $0x0  }
0x5e: {  	s18 =	sadd.s32 $0x2900, s24;
	[sflag:s0] =	ssyncadd.s32 $0xFFFFE0C0  }
0x5f: {  	[spmem:s2] =	stream.indirect.scatter.add.f32 [tilespmem:s21], [sflag:$0xB], $0x40, s18, s16, $0xb8;
	[tilespmem:$0x1E640] =	vst v63  }
0x60: {  	_ =	swait.ge [sflag:s5], $0x1F40  }
0x61: {  	p0 =	seq.s32 s23, $0x9000;
	[sflag:s5] =	ssyncset.done $0x0  }
0x62: {  	s8 =	simm.s32 @p0 $0x4;
	[sflag:s5] =	ssyncadd.s32 $0xFFFFE0C0  }
0x63: {  	_ =	swait.ge @p0 [sflag:s8], $0x1F40  }
0x64: {  	[sflag:s8] =	ssyncset.done @p0 $0x0  }
0x65: {  	[sflag:s8] =	ssyncadd.s32 @p0 $0xFFFFE0C0;
	s8 =	sshra.s32 @p0 s23, $0x2  }
0x66: {  	s3 =	simm.s32 @p0 $0x7D;
	s6 =	simm.s32 @p0 $0xADC0;
	s26 =	sadd.s32 @p0 $0x2980, s8  }
0x67: {  	[spmem:s2] =	stream.indirect.scatter.add.f32 @p0 [tilespmem:s6], [sflag:$0xC], $0x40, s26, s3, $0xb8;
	[tilespmem:$0x1E640] =	vst v63  }
0x68: {  	s6 =	simm.s32 @p0 $0xA  }
0x69: {  	_ =	swait.ge @p0 [sflag:s6], $0x1F40  }
0x6a: {  	[sflag:s6] =	ssyncset.done @p0 $0x0  }
0x6b: {  	[sflag:s6] =	ssyncadd.s32 @p0 $0xFFFFE0C0;
	s6 =	sshra.s32 @!p0 s23, $0x2  }
0x6c: {  	s13 =	simm.s32 @!p0 $0x7D;
	s18 =	simm.s32 @!p0 $0x5000;
	s26 =	sadd.s32 @!p0 $0x400, s6  }
0x6d: {  	[tilespmem:s18], [sflag:$0x1] =	stream.indirect.gather @!p0 [hbm4b:s4+s13], $0x40, s26, s13, $0xb8;
	[tilespmem:$0x1E640] =	vst v63  }
0x6e: {  	s18 =	simm.s32 @!p0 $0x4  }
0x6f: {  	_ =	swait.ge @!p0 [sflag:s18], $0x1F40  }
0x70: {  	[sflag:s18] =	ssyncset.done @!p0 $0x0  }
0x71: {  	s26 =	simm.s32 @!p0 $0xADC0;
	[sflag:s18] =	ssyncadd.s32 @!p0 $0xFFFFE0C0;
	s18 =	sadd.s32 @!p0 $0x2980, s6  }
0x72: {  	[spmem:s2] =	stream.indirect.scatter.add.f32 @!p0 [tilespmem:s26], [sflag:$0xC], $0x40, s18, s13, $0xb8;
	[tilespmem:$0x1E640] =	vst v63  }
0x73: {  	s18 =	simm.s32 @!p0 $0xA  }
0x74: {  	_ =	swait.ge @!p0 [sflag:s18], $0x1F40  }
0x75: {  	[sflag:s18] =	ssyncset.done @!p0 $0x0  }
0x76: {  	s20 =	simm.s32 @!p0 $0x6F40;
	[sflag:s18] =	ssyncadd.s32 @!p0 $0xFFFFE0C0;
	s18 =	sadd.s32 @!p0 $0x480, s6  }
0x77: {  	[tilespmem:s20], [sflag:$0x2] =	stream.indirect.gather @!p0 [hbm4b:s4+s13], $0x40, s18, s13, $0xb8;
	[tilespmem:$0x1E640] =	vst v63  }
0x78: {  	_ =	swait.ge [sflag:s7], $0x1F40  }
0x79: {  	[sflag:s7] =	ssyncset.done $0x0  }
0x7a: {  	s20 =	sadd.s32 $0x2A00, s24;
	[sflag:s7] =	ssyncadd.s32 $0xFFFFE0C0  }
0x7b: {  	[spmem:s2] =	stream.indirect.scatter.add.f32 [tilespmem:s25], [sflag:$0xD], $0x40, s20, s16, $0xb8;
	[tilespmem:$0x1E640] =	vst v63  }
0x7c: {  	_ =	swait.ge [sflag:s9], $0x1F40  }
0x7d: {  	[sflag:s9] =	ssyncset.done $0x0  }
0x7e: {  	s18 =	simm.s32 @p0 $0x6;
	[sflag:s9] =	ssyncadd.s32 $0xFFFFE0C0  }
0x7f: {  	_ =	swait.ge @p0 [sflag:s18], $0x1F40  }
0x80: {  	[sflag:s18] =	ssyncset.done @p0 $0x0  }
0x81: {  	s8 =	sadd.s32 @p0 $0x2A80, s8;
	[sflag:s18] =	ssyncadd.s32 @p0 $0xFFFFE0C0;
	s18 =	simm.s32 @p0 $0xEC40  }
0x82: {  	[spmem:s2] =	stream.indirect.scatter.add.f32 @p0 [tilespmem:s18], [sflag:$0xE], $0x40, s8, s3, $0xb8;
	[tilespmem:$0x1E640] =	vst v63  }
0x83: {  	s3 =	simm.s32 @p0 $0xC  }
0x84: {  	_ =	swait.ge @p0 [sflag:s3], $0x1F40  }
0x85: {  	[sflag:s3] =	ssyncset.done @p0 $0x0  }
0x86: {  	s8 =	simm.s32 @!p0 $0x8E80;
	[sflag:s3] =	ssyncadd.s32 @p0 $0xFFFFE0C0;
	s3 =	sadd.s32 @!p0 $0x500, s6  }
0x87: {  	[tilespmem:s8], [sflag:$0x3] =	stream.indirect.gather @!p0 [hbm4b:s4+s13], $0x40, s3, s13, $0xb8;
	[tilespmem:$0x1E640] =	vst v63  }
0x88: {  	s3 =	simm.s32 @!p0 $0x6  }
0x89: {  	_ =	swait.ge @!p0 [sflag:s3], $0x1F40  }
0x8a: {  	[sflag:s3] =	ssyncset.done @!p0 $0x0  }
0x8b: {  	s8 =	simm.s32 @!p0 $0xEC40;
	[sflag:s3] =	ssyncadd.s32 @!p0 $0xFFFFE0C0;
	s3 =	sadd.s32 @!p0 $0x2A80, s6  }
0x8c: {  	[spmem:s2] =	stream.indirect.scatter.add.f32 @!p0 [tilespmem:s8], [sflag:$0xE], $0x40, s3, s13, $0xb8;
	[tilespmem:$0x1E640] =	vst v63  }
0x8d: {  	s3 =	simm.s32 @!p0 $0xC  }
0x8e: {  	_ =	swait.ge @!p0 [sflag:s3], $0x1F40  }
0x8f: {  	[sflag:s3] =	ssyncset.done @!p0 $0x0  }
0x90: {  	[sflag:s3] =	ssyncadd.s32 @!p0 $0xFFFFE0C0;
	s3 =	sadd.s32 @!p0 $0x580, s6  }
0x91: {  	[tilespmem:s26], [sflag:$0x4] =	stream.indirect.gather @!p0 [hbm4b:s4+s13], $0x40, s3, s13, $0xb8;
	[tilespmem:$0x1E640] =	vst v63  }
0x92: {  	_ =	swait.ge [sflag:s15], $0x1F40  }
0x93: {  	[sflag:s15] =	ssyncset.done $0x0  }
.Ltmp2:
0x94: {  	s26 =	sadd.s32 $0x2B00, s24;
	[sflag:s15] =	ssyncadd.s32 $0xFFFFE0C0;
	(pc) =	sbr.rel @p0 .LBB2_4-.Ltmp2, $4  }
0x95: {  	[spmem:s2] =	stream.indirect.scatter.add.f32 [tilespmem:s30], [sflag:$0xF], $0x40, s26, s16, $0xb8;
	[tilespmem:$0x1E640] =	vst v63  }
0x96: {  	_ =	swait.ge [sflag:s10], $0x1F40  }
0x97: {  	[sflag:s10] =	ssyncset.done $0x0  }
0x98: {  	s8 =	sadd.s32 $0x2B80, s24;
	[sflag:s10] =	ssyncadd.s32 $0xFFFFE0C0  }
0x99: {  	s3 =	sadd.s32 $0x600, s24  }
0x9a: {  	[tilespmem:s25], [sflag:$0x5] =	stream.indirect.gather [hbm4b:s4+s16], $0x40, s3, s16, $0xb8;
	[tilespmem:$0x1E640] =	vst v63  }
0x9b: {  	_ =	swait.ge [sflag:s11], $0x1F40  }
0x9c: {  	[sflag:s11] =	ssyncset.done $0x0  }
0x9d: {  	[sflag:s11] =	ssyncadd.s32 $0xFFFFE0C0  }
0x9e: {  	[spmem:s2] =	stream.indirect.scatter.add.f32 [tilespmem:s1], [sflag:$0x10], $0x40, s8, s16, $0xb8;
	[tilespmem:$0x1E640] =	vst v63  }
.Ltmp3:
0x9f: {  	_ = 	snop;
	(pc) =	sbr.rel .LBB2_2-.Ltmp3, $4  }
0xa0: {  	_ =	swait.ge [sflag:s12], $0x1F40  }
0xa1: {  	[sflag:s12] =	ssyncset.done $0x0  }
0xa2: {  	s26 =	sadd.s32 $0x680, s24;
	s23 =	sadd.s32 $0x1000, s23;
	[sflag:s12] =	ssyncadd.s32 $0xFFFFE0C0  }
0xa3: {  	[tilespmem:s28], [sflag:$0x6] =	stream.indirect.gather [hbm4b:s4+s16], $0x40, s26, s16, $0xb8;
	[tilespmem:$0x1E640] =	vst v63  }
.LBB2_4:
0xa4: {  	_ =	swait.ge [sflag:s11], $0x1F40  }
0xa5: {  	[sflag:s11] =	ssyncset.done $0x0  }
0xa6: {  	[sflag:s11] =	ssyncadd.s32 $0xFFFFE0C0  }
0xa7: {  	[spmem:s2] =	stream.indirect.scatter.add.f32 [tilespmem:s1], [sflag:$0x10], $0x40, s8, s16, $0xb8;
	[tilespmem:$0x1E640] =	vst v63  }
0xa8: {  	_ =	swait.ge [sflag:s12], $0x1F40  }
0xa9: {  	[sflag:s12] =	ssyncset.done $0x0  }
0xaa: {  	s3 =	simm.s32 $0xF;
	[sflag:s12] =	ssyncadd.s32 $0xFFFFE0C0  }
0xab: {  	_ =	swait.ge [sflag:s3], $0x1F40  }
0xac: {  	[sflag:s3] =	ssyncset.done $0x0  }
0xad: {  	s23 =	simm.s32 $0x10;
	[sflag:s3] =	ssyncadd.s32 $0xFFFFE0C0  }
0xae: {  	_ =	swait.ge [sflag:s23], $0x1F40  }
0xaf: {  	[sflag:s23] =	ssyncset.done $0x0  }
0xb0: {  	s24 =	rddreg [dreg:$0x8];
	[sflag:s23] =	ssyncadd.s32 $0xFFFFE0C0;
	s23 =	simm.s32 $0x0  }
0xb1: {  	[tilespmem:s23], [sflag:$0x11] =	stream.linear.gather [hbm4b:s24+s23], $0x2800, $0x38;
	[tilespmem:$0x1E640] =	vst v63  }
0xb2: {  	_ =	swait.ge [sflag:s14], $0x2800  }
0xb3: {  	[sflag:s14] =	ssyncset.done $0x0  }
0xb4: {  	s6 =	simm.s32 $0x2800;
	s26 =	rddreg [dreg:$0x9];
	[sflag:s14] =	ssyncadd.s32 $0xFFFFD800  }
0xb5: {  	[tilespmem:s6], [sflag:$0x11] =	stream.linear.gather [hbm4b:s26+s23], $0x2800, $0x38;
	[tilespmem:$0x1E640] =	vst v63  }
0xb6: {  	_ =	swait.ge [sflag:s14], $0x2800  }
0xb7: {  	[sflag:s14] =	ssyncset.done $0x0  }
0xb8: {  	[sflag:s14] =	ssyncadd.s32 $0xFFFFD800  }
0xb9: {  	[tilespmem:s17], [sflag:$0x1] =	stream.indirect.gather [hbm4b:s4+s16], $0x40, s23, s16, $0xb8;
	[tilespmem:$0x1E640] =	vst v63  }
0xba: {  	s8 =	simm.s32 $0x80  }
0xbb: {  	[tilespmem:s19], [sflag:$0x2] =	stream.indirect.gather [hbm4b:s4+s16], $0x40, s8, s16, $0xb8;
	[tilespmem:$0x1E640] =	vst v63  }
0xbc: {  	s13 =	simm.s32 $0x100  }
0xbd: {  	[tilespmem:s21], [sflag:$0x3] =	stream.indirect.gather [hbm4b:s4+s16], $0x40, s13, s16, $0xb8;
	[tilespmem:$0x1E640] =	vst v63  }
0xbe: {  	s18 =	simm.s32 $0x180;
	s20 =	simm.s32 $0xADC0  }
0xbf: {  	[tilespmem:s20], [sflag:$0x4] =	stream.indirect.gather [hbm4b:s4+s16], $0x40, s18, s16, $0xb8;
	[tilespmem:$0x1E640] =	vst v63  }
0xc0: {  	s24 =	simm.s32 $0x200  }
0xc1: {  	[tilespmem:s25], [sflag:$0x5] =	stream.indirect.gather [hbm4b:s4+s16], $0x40, s24, s16, $0xb8;
	[tilespmem:$0x1E640] =	vst v63  }
0xc2: {  	s26 =	simm.s32 $0x280  }
0xc3: {  	[tilespmem:s28], [sflag:$0x6] =	stream.indirect.gather [hbm4b:s4+s16], $0x40, s26, s16, $0xb8;
	[tilespmem:$0x1E640] =	vst v63  }
.LBB2_5:
0xc4: {  	_ =	swait.ge [sflag:s29], $0x1F40  }
0xc5: {  	s24 =	sshra.s32 s23, $0x2;
	[sflag:s29] =	ssyncset.done $0x0  }
0xc6: {  	p0 =	seq.s32 s23, $0x0;
	s3 =	sadd.s32 $0x2800, s24;
	[sflag:s29] =	ssyncadd.s32 $0xFFFFE0C0  }
0xc7: {  	[spmem:s2] =	stream.indirect.scatter.add.f32 [tilespmem:s17], [sflag:$0x9], $0x40, s3, s16, $0xb8;
	[tilespmem:$0x1E640] =	vst v63  }
0xc8: {  	s3 =	simm.s32 @!p0 $0xF  }
0xc9: {  	_ =	swait.ge @!p0 [sflag:s3], $0x1F40  }
0xca: {  	[sflag:s3] =	ssyncset.done @!p0 $0x0  }
0xcb: {  	s8 =	sadd.s32 $0x300, s24;
	[sflag:s3] =	ssyncadd.s32 @!p0 $0xFFFFE0C0  }
0xcc: {  	[tilespmem:s30], [sflag:$0x7] =	stream.indirect.gather [hbm4b:s4+s16], $0x40, s8, s16, $0xb8;
	[tilespmem:$0x1E640] =	vst v63  }
0xcd: {  	_ =	swait.ge [sflag:s31], $0x1F40  }
0xce: {  	[sflag:s31] =	ssyncset.done $0x0  }
0xcf: {  	s13 =	sadd.s32 $0x2880, s24;
	s3 =	simm.s32 @!p0 $0x10;
	[sflag:s31] =	ssyncadd.s32 $0xFFFFE0C0  }
0xd0: {  	[spmem:s2] =	stream.indirect.scatter.add.f32 [tilespmem:s19], [sflag:$0xA], $0x40, s13, s16, $0xb8;
	[tilespmem:$0x1E640] =	vst v63  }
0xd1: {  	_ =	swait.ge @!p0 [sflag:s3], $0x1F40  }
0xd2: {  	[sflag:s3] =	ssyncset.done @!p0 $0x0  }
0xd3: {  	s18 =	sadd.s32 $0x380, s24;
	[sflag:s3] =	ssyncadd.s32 @!p0 $0xFFFFE0C0  }
0xd4: {  	[tilespmem:s1], [sflag:$0x8] =	stream.indirect.gather [hbm4b:s4+s16], $0x40, s18, s16, $0xb8;
	[tilespmem:$0x1E640] =	vst v63  }
0xd5: {  	_ =	swait.ge [sflag:s0], $0x1F40  }
0xd6: {  	[sflag:s0] =	ssyncset.done $0x0  }
0xd7: {  	s20 =	sadd.s32 $0x2900, s24;
	[sflag:s0] =	ssyncadd.s32 $0xFFFFE0C0  }
0xd8: {  	[spmem:s2] =	stream.indirect.scatter.add.f32 [tilespmem:s21], [sflag:$0xB], $0x40, s20, s16, $0xb8;
	[tilespmem:$0x1E640] =	vst v63  }
0xd9: {  	_ =	swait.ge [sflag:s5], $0x1F40  }
0xda: {  	p0 =	seq.s32 s23, $0x9000;
	[sflag:s5] =	ssyncset.done $0x0  }
0xdb: {  	s3 =	simm.s32 @p0 $0x4;
	[sflag:s5] =	ssyncadd.s32 $0xFFFFE0C0  }
0xdc: {  	_ =	swait.ge @p0 [sflag:s3], $0x1F40  }
0xdd: {  	[sflag:s3] =	ssyncset.done @p0 $0x0  }
0xde: {  	[sflag:s3] =	ssyncadd.s32 @p0 $0xFFFFE0C0;
	s3 =	sshra.s32 @p0 s23, $0x2  }
0xdf: {  	s8 =	simm.s32 @p0 $0x7D;
	s13 =	simm.s32 @p0 $0xADC0;
	s6 =	sadd.s32 @p0 $0x2980, s3  }
0xe0: {  	[spmem:s2] =	stream.indirect.scatter.add.f32 @p0 [tilespmem:s13], [sflag:$0xC], $0x40, s6, s8, $0xb8;
	[tilespmem:$0x1E640] =	vst v63  }
0xe1: {  	s6 =	simm.s32 @p0 $0xA  }
0xe2: {  	_ =	swait.ge @p0 [sflag:s6], $0x1F40  }
0xe3: {  	[sflag:s6] =	ssyncset.done @p0 $0x0  }
0xe4: {  	[sflag:s6] =	ssyncadd.s32 @p0 $0xFFFFE0C0;
	s6 =	sshra.s32 @!p0 s23, $0x2  }
0xe5: {  	s18 =	simm.s32 @!p0 $0x7D;
	s20 =	simm.s32 @!p0 $0x5000;
	s13 =	sadd.s32 @!p0 $0x400, s6  }
0xe6: {  	[tilespmem:s20], [sflag:$0x1] =	stream.indirect.gather @!p0 [hbm4b:s4+s18], $0x40, s13, s18, $0xb8;
	[tilespmem:$0x1E640] =	vst v63  }
0xe7: {  	s13 =	simm.s32 @!p0 $0x4  }
0xe8: {  	_ =	swait.ge @!p0 [sflag:s13], $0x1F40  }
0xe9: {  	[sflag:s13] =	ssyncset.done @!p0 $0x0  }
0xea: {  	s20 =	simm.s32 @!p0 $0xADC0;
	[sflag:s13] =	ssyncadd.s32 @!p0 $0xFFFFE0C0;
	s13 =	sadd.s32 @!p0 $0x2980, s6  }
0xeb: {  	[spmem:s2] =	stream.indirect.scatter.add.f32 @!p0 [tilespmem:s20], [sflag:$0xC], $0x40, s13, s18, $0xb8;
	[tilespmem:$0x1E640] =	vst v63  }
0xec: {  	s13 =	simm.s32 @!p0 $0xA  }
0xed: {  	_ =	swait.ge @!p0 [sflag:s13], $0x1F40  }
0xee: {  	[sflag:s13] =	ssyncset.done @!p0 $0x0  }
0xef: {  	s26 =	simm.s32 @!p0 $0x6F40;
	[sflag:s13] =	ssyncadd.s32 @!p0 $0xFFFFE0C0;
	s13 =	sadd.s32 @!p0 $0x480, s6  }
0xf0: {  	[tilespmem:s26], [sflag:$0x2] =	stream.indirect.gather @!p0 [hbm4b:s4+s18], $0x40, s13, s18, $0xb8;
	[tilespmem:$0x1E640] =	vst v63  }
0xf1: {  	_ =	swait.ge [sflag:s7], $0x1F40  }
0xf2: {  	[sflag:s7] =	ssyncset.done $0x0  }
0xf3: {  	s26 =	sadd.s32 $0x2A00, s24;
	[sflag:s7] =	ssyncadd.s32 $0xFFFFE0C0  }
0xf4: {  	[spmem:s2] =	stream.indirect.scatter.add.f32 [tilespmem:s25], [sflag:$0xD], $0x40, s26, s16, $0xb8;
	[tilespmem:$0x1E640] =	vst v63  }
0xf5: {  	_ =	swait.ge [sflag:s9], $0x1F40  }
0xf6: {  	[sflag:s9] =	ssyncset.done $0x0  }
0xf7: {  	s13 =	simm.s32 @p0 $0x6;
	[sflag:s9] =	ssyncadd.s32 $0xFFFFE0C0  }
0xf8: {  	_ =	swait.ge @p0 [sflag:s13], $0x1F40  }
0xf9: {  	[sflag:s13] =	ssyncset.done @p0 $0x0  }
0xfa: {  	s3 =	sadd.s32 @p0 $0x2A80, s3;
	[sflag:s13] =	ssyncadd.s32 @p0 $0xFFFFE0C0;
	s13 =	simm.s32 @p0 $0xEC40  }
0xfb: {  	[spmem:s2] =	stream.indirect.scatter.add.f32 @p0 [tilespmem:s13], [sflag:$0xE], $0x40, s3, s8, $0xb8;
	[tilespmem:$0x1E640] =	vst v63  }
0xfc: {  	s3 =	simm.s32 @p0 $0xC  }
0xfd: {  	_ =	swait.ge @p0 [sflag:s3], $0x1F40  }
0xfe: {  	[sflag:s3] =	ssyncset.done @p0 $0x0  }
0xff: {  	s8 =	simm.s32 @!p0 $0x8E80;
	[sflag:s3] =	ssyncadd.s32 @p0 $0xFFFFE0C0;
	s3 =	sadd.s32 @!p0 $0x500, s6  }
0x100: {  	[tilespmem:s8], [sflag:$0x3] =	stream.indirect.gather @!p0 [hbm4b:s4+s18], $0x40, s3, s18, $0xb8;
	[tilespmem:$0x1E640] =	vst v63  }
0x101: {  	s3 =	simm.s32 @!p0 $0x6  }
0x102: {  	_ =	swait.ge @!p0 [sflag:s3], $0x1F40  }
0x103: {  	[sflag:s3] =	ssyncset.done @!p0 $0x0  }
0x104: {  	s8 =	simm.s32 @!p0 $0xEC40;
	[sflag:s3] =	ssyncadd.s32 @!p0 $0xFFFFE0C0;
	s3 =	sadd.s32 @!p0 $0x2A80, s6  }
0x105: {  	[spmem:s2] =	stream.indirect.scatter.add.f32 @!p0 [tilespmem:s8], [sflag:$0xE], $0x40, s3, s18, $0xb8;
	[tilespmem:$0x1E640] =	vst v63  }
0x106: {  	s3 =	simm.s32 @!p0 $0xC  }
0x107: {  	_ =	swait.ge @!p0 [sflag:s3], $0x1F40  }
0x108: {  	[sflag:s3] =	ssyncset.done @!p0 $0x0  }
0x109: {  	[sflag:s3] =	ssyncadd.s32 @!p0 $0xFFFFE0C0;
	s3 =	sadd.s32 @!p0 $0x580, s6  }
0x10a: {  	[tilespmem:s20], [sflag:$0x4] =	stream.indirect.gather @!p0 [hbm4b:s4+s18], $0x40, s3, s18, $0xb8;
	[tilespmem:$0x1E640] =	vst v63  }
0x10b: {  	_ =	swait.ge [sflag:s15], $0x1F40  }
0x10c: {  	[sflag:s15] =	ssyncset.done $0x0  }
.Ltmp4:
0x10d: {  	s26 =	sadd.s32 $0x2B00, s24;
	[sflag:s15] =	ssyncadd.s32 $0xFFFFE0C0;
	(pc) =	sbr.rel @p0 .LBB2_7-.Ltmp4, $4  }
0x10e: {  	[spmem:s2] =	stream.indirect.scatter.add.f32 [tilespmem:s30], [sflag:$0xF], $0x40, s26, s16, $0xb8;
	[tilespmem:$0x1E640] =	vst v63  }
0x10f: {  	_ =	swait.ge [sflag:s10], $0x1F40  }
0x110: {  	[sflag:s10] =	ssyncset.done $0x0  }
0x111: {  	s8 =	sadd.s32 $0x2B80, s24;
	[sflag:s10] =	ssyncadd.s32 $0xFFFFE0C0  }
0x112: {  	s3 =	sadd.s32 $0x600, s24  }
0x113: {  	[tilespmem:s25], [sflag:$0x5] =	stream.indirect.gather [hbm4b:s4+s16], $0x40, s3, s16, $0xb8;
	[tilespmem:$0x1E640] =	vst v63  }
0x114: {  	_ =	swait.ge [sflag:s11], $0x1F40  }
0x115: {  	[sflag:s11] =	ssyncset.done $0x0  }
0x116: {  	[sflag:s11] =	ssyncadd.s32 $0xFFFFE0C0  }
0x117: {  	[spmem:s2] =	stream.indirect.scatter.add.f32 [tilespmem:s1], [sflag:$0x10], $0x40, s8, s16, $0xb8;
	[tilespmem:$0x1E640] =	vst v63  }
.Ltmp5:
0x118: {  	_ = 	snop;
	(pc) =	sbr.rel .LBB2_5-.Ltmp5, $4  }
0x119: {  	_ =	swait.ge [sflag:s12], $0x1F40  }
0x11a: {  	[sflag:s12] =	ssyncset.done $0x0  }
0x11b: {  	s26 =	sadd.s32 $0x680, s24;
	s23 =	sadd.s32 $0x1000, s23;
	[sflag:s12] =	ssyncadd.s32 $0xFFFFE0C0  }
0x11c: {  	[tilespmem:s28], [sflag:$0x6] =	stream.indirect.gather [hbm4b:s4+s16], $0x40, s26, s16, $0xb8;
	[tilespmem:$0x1E640] =	vst v63  }
.LBB2_8:
0x11d: {  	_ =	sfence.sel $0x180000  }
0x11e: {  	[bflag:$0x0] =	sbarrier.arrive $0xFFFF  }
0x11f: {  	_ =	strace $0x9000004A  }
0x120: {  	s0 =	stileid.u32;
	[bflag:$0x2] =	sbarrier.arrive $0xFFFF  }
0x121: {  	p0 =	sne.s32 s0, $0x0;
	s0 =	rddreg [dreg:$0x3]  }
0x122: {  	s0 =	sadd.s32 @!p0 $0x100000, s0  }
0x123: {  	[sflag:s0] =	ssyncadd.tile.s32 @!p0 $0x1;
	_ =	shalt  }
.Lfunc_end2:
_tile_overlayer_lowered:
.L_overlay_start_2:
0x124: {  	(tag) =	ssettag $0x2  }
0x125: {  	s0 =	rddreg [dreg:$0x0];
	s2 =	stileid.u32  }
0x126: {  	s1 =	rddreg [dreg:$0x1];
	p0 =	sne.s32 s2, $0x0  }
0x127: {  	s3 =	rddreg [dreg:$0x2];
	[bflag:$0x3] =	sbarrier.arrive $0xFFFF;
	s2 =	simm.s32 @!p0 $0x1C11  }
0x128: {  	[timem:s3], [sflag:s2] =	dma.local @!p0 [hbm:s0], s1  }
0x129: {  	s0 =	simm.s32 @!p0 $0x11  }
0x12a: {  	_ =	swait.ge @!p0 [sflag:s0], s1  }
0x12b: {  	s1 =	ssub.s32 @!p0 $0x0, s1;
	[sflag:s0] =	ssyncset.done @!p0 $0x0  }
0x12c: {  	[sflag:s0] =	ssyncadd.s32 @!p0 s1  }
0x12d: {  	[bflag:$0x3] =	sbarrier.arrive $0xFFFF  }
0x12e: {  	_ =	shalt  }

// kernel: kernel.14.cloned.1.call-start
scs
__scs_entry_jumppad:
0x0: {  	(pc) =	sbr.rel $0x88, $3  }
0x1: {  	(tag) =	ssettag $0x0;
	lr =	simm.s32 $0x1  }
0x2: {  	[smem:$0x3F9B] =	sst lr;
	_ =	strace $0xD0000000  }
0x3: {  	_ = 	snop  }
0x4: {  	_ = 	snop  }
0x5: {  	_ = 	snop  }
0x6: {  	_ = 	snop  }
0x7: {  	_ = 	snop  }
__scs_overlays_trampoline_lowered:
0x8: {  	[smem:$0x3FAA] =	sst s0  }
0x9: {  	[smem:$0x3FAB] =	sst s1  }
0xa: {  	[smem:$0x3FAC] =	sst s2  }
0xb: {  	[smem:$0x3FAD] =	sst s3  }
0xc: {  	[smem:$0x3FAE] =	sst s4  }
0xd: {  	[smem:$0x3FAF] =	sst s5  }
0xe: {  	[smem:$0x3FB0] =	sst s6  }
0xf: {  	[smem:$0x3FB1] =	sst s7  }
0x10: {  	[smem:$0x3FB2] =	sst s8  }
0x11: {  	[smem:$0x3FB3] =	sst s9;
	s0 =	simm.s32 @!p0 $0x0  }
0x12: {  	s1 =	sld [smem:$0x3F99];
	s0 =	simm.s32 @p0 $0x1  }
0x13: {  	[smem:$0x3FB4] =	sst s0;
	s0 =	simm.s32 @!p1 $0x0  }
0x14: {  	s2 =	sld [smem:$0x3F98];
	s0 =	simm.s32 @p1 $0x1  }
0x15: {  	[smem:$0x3FB5] =	sst s0;
	s0 =	simm.s32 @!p2 $0x0  }
0x16: {  	s3 =	sld [smem:$0x3FDB];
	s0 =	simm.s32 @p2 $0x1  }
0x17: {  	s4 =	simm.s32 $0x1BF5;
	[smem:$0x3FB7] =	sst s0  }
0x18: {  	s0 =	sld [smem:$0x3F9A];
	_ =	swait.ge [sflag:s4], $0x0  }
0x19: {  	s7 =	sld [smem:$0x3F9B]  }
0x1a: {  	s8 =	sadd.s32 $0xFFFFE003, lr  }
0x1b: {  	s9 =	sadd.s32 $0xFFFFFEF7, lr;
	s5 =	simm.s32 $0xFFFFFFFF;
	p2 =	slt.u32 s8, $0xFFFFF086  }
0x1c: {  	p1 =	slt.u32 s9, $0xF7A;
	s5 =	simm.s32 @!p2 $0x0  }
0x1d: {  	s5 =	simm.s32 @p1 $0x1;
	p0 =	seq.s32 s7, s2  }
0x1e: {  	s7 =	smul.u32 @!p0 $0xF7A, s2;
	p2 =	seq.s32 @!p0 s5, $0x0  }
0x1f: {  	s9 =	smul.u32 $0xF7A, s1;
	s8 =	simm.s32 @!p0 $0x1BF5;
	p2 =	por !p2, p0  }
0x20: {  	[sflag:s8] =	ssyncset.s32 @!p0 $0xFFFFF086;
	s6 =	sadd.s32 @!p0 s3, s7;
	s7 =	simm.s32 @!p0 $0x108  }
0x21: {  	s3 =	sadd.s32 s3, s9;
	s6 =	sadd.s32 @!p0 $0x88, s6;
	s7 =	simm.s32 @p2 $0x1082  }
0x22: {  	[simem:s7], [sflag:s8] =	dma.local @!p0 [hbm:s6], $0xF7A  }
0x23: {  	s9 =	sor.u32 $0xD0000000, s2;
	s6 =	simm.s32 $0x108;
	_ =	swait.ge @!p0 [sflag:s8], $0x0  }
0x24: {  	s3 =	sadd.s32 $0x88, s3;
	s6 =	simm.s32 @!p1 $0x1082;
	[sflag:s4] =	ssyncset.s32 $0xFFFFF086  }
0x25: {  	[simem:s6], [sflag:s4] =	dma.local [hbm:s3], $0xF7A  }
0x26: {  	[smem:$0x3F9B] =	sst s1;
	(tag) =	ssettag s2;
	_ =	strace s9  }
0x27: {  	s1 =	sld [smem:$0x3FAB]  }
0x28: {  	s2 =	sld [smem:$0x3FAC]  }
0x29: {  	s4 =	sld [smem:$0x3FAE]  }
0x2a: {  	p0 =	seq.s32 s5, $0x0;
	s5 =	sld [smem:$0x3FAF]  }
0x2b: {  	s6 =	sld [smem:$0x3FB0]  }
0x2c: {  	s7 =	sld [smem:$0x3FB1]  }
0x2d: {  	s3 =	simm.s32 $0x108;
	s8 =	sld [smem:$0x3FB2]  }
0x2e: {  	s3 =	simm.s32 @!p0 $0x1082;
	s9 =	sld [smem:$0x3FB3]  }
0x2f: {  	lr =	sadd.s32 s0, s3;
	s0 =	sld [smem:$0x3FAA]  }
0x30: {  	s3 =	sld [smem:$0x3FAD]  }
0x31: {  	[smem:$0x3FB6] =	sst s10  }
0x32: {  	s10 =	sld [smem:$0x3FB4];
	_ =	sdelay $0x3  }
0x33: {  	p0 =	seq.s32 s10, $0x1;
	s10 =	sld [smem:$0x3FB6];
	_ =	sdelay $0x3  }
0x34: {  	[smem:$0x3FB6] =	sst s10  }
0x35: {  	s10 =	sld [smem:$0x3FB5];
	_ =	sdelay $0x3  }
0x36: {  	p1 =	seq.s32 s10, $0x1;
	s10 =	sld [smem:$0x3FB6];
	_ =	sdelay $0x3  }
0x37: {  	[smem:$0x3FB6] =	sst s10  }
0x38: {  	s10 =	sld [smem:$0x3FB7]  }
0x39: {  	_ = 	snop;
	(pc) =	sbr.ind lr, $3  }
0x3a: {  	_ = 	snop  }
0x3b: {  	_ = 	snop  }
0x3c: {  	p2 =	seq.s32 s10, $0x1;
	s10 =	sld [smem:$0x3FB6]  }
0x3d: {  	_ =	shalt  }
0x3e: {  	_ =	shalt  }
0x3f: {  	_ =	shalt  }
0x40: {  	_ =	shalt  }
0x41: {  	_ =	shalt  }
0x42: {  	_ =	shalt  }
0x43: {  	_ =	shalt  }
0x44: {  	_ =	shalt  }
0x45: {  	_ =	shalt  }
0x46: {  	_ =	shalt  }
0x47: {  	_ =	shalt  }
0x48: {  	_ =	shalt  }
0x49: {  	_ =	shalt  }
0x4a: {  	_ =	shalt  }
0x4b: {  	_ =	shalt  }
0x4c: {  	_ =	shalt  }
0x4d: {  	_ =	shalt  }
0x4e: {  	_ =	shalt  }
0x4f: {  	_ =	shalt  }
0x50: {  	_ =	shalt  }
0x51: {  	_ =	shalt  }
0x52: {  	_ =	shalt  }
0x53: {  	_ =	shalt  }
0x54: {  	_ =	shalt  }
0x55: {  	_ =	shalt  }
0x56: {  	_ =	shalt  }
0x57: {  	_ =	shalt  }
0x58: {  	_ =	shalt  }
0x59: {  	_ =	shalt  }
0x5a: {  	_ =	shalt  }
0x5b: {  	_ =	shalt  }
0x5c: {  	_ =	shalt  }
0x5d: {  	_ =	shalt  }
0x5e: {  	_ =	shalt  }
0x5f: {  	_ =	shalt  }
0x60: {  	_ =	shalt  }
0x61: {  	_ =	shalt  }
0x62: {  	_ =	shalt  }
0x63: {  	_ =	shalt  }
0x64: {  	_ =	shalt  }
0x65: {  	_ =	shalt  }
0x66: {  	_ =	shalt  }
0x67: {  	_ =	shalt  }
0x68: {  	_ =	shalt  }
0x69: {  	_ =	shalt  }
0x6a: {  	_ =	shalt  }
0x6b: {  	_ =	shalt  }
0x6c: {  	_ =	shalt  }
0x6d: {  	_ =	shalt  }
0x6e: {  	_ =	shalt  }
0x6f: {  	_ =	shalt  }
0x70: {  	_ =	shalt  }
0x71: {  	_ =	shalt  }
0x72: {  	_ =	shalt  }
0x73: {  	_ =	shalt  }
0x74: {  	_ =	shalt  }
0x75: {  	_ =	shalt  }
0x76: {  	_ =	shalt  }
0x77: {  	_ =	shalt  }
0x78: {  	_ =	shalt  }
0x79: {  	_ =	shalt  }
0x7a: {  	_ =	shalt  }
0x7b: {  	_ =	shalt  }
0x7c: {  	_ =	shalt  }
0x7d: {  	_ =	shalt  }
0x7e: {  	_ =	shalt  }
0x7f: {  	_ =	shalt  }
0x80: {  	_ =	shalt  }
0x81: {  	_ =	shalt  }
0x82: {  	_ =	shalt  }
0x83: {  	_ =	shalt  }
0x84: {  	_ =	shalt  }
0x85: {  	_ =	shalt  }
0x86: {  	_ =	shalt  }
0x87: {  	_ =	shalt  }
.Lfunc_end0:
.L_simem_size_0:
called_computation.2_lowered:
.L_overlay_start_0:
0x88: {  	s2 =	sld [smem:$0x3FD9]  }
0x89: {  	s3 =	sld [smem:$0x3FFE];
	_ =	sdelay $0x1  }
0x8a: {  	s1 =	srdreg.scid  }
0x8b: {  	s0 =	sand.u32 $0x1, s1  }
0x8c: {  	s17 =	sshll.u32 s0, $0xA;
	s2 =	sadd.s32 s3, s2  }
0x8d: {  	s2 =	sadd.s32 s2, s17  }
0x8e: {  	[smem:$0x3FC2] =	sst s2  }
0x8f: {  	_ = 	snop  }
0x90: {  	s2 =	sld [smem:$0x3FD0];
	(tm) =	ssettm $0x1  }
0x91: {  	s18 =	sld [smem:$0x3FFB];
	_ =	sdelay $0x3  }
0x92: {  	_ =	strace s18  }
0x93: {  	s3 =	sld [smem:$0x3FFC];
	_ =	sdelay $0x3  }
0x94: {  	_ =	strace s3  }
0x95: {  	s3 =	sld [smem:$0x3FFD];
	_ =	sdelay $0x3  }
0x96: {  	_ =	strace s3  }
0x97: {  	_ =	strace $0x8FFFFFFF  }
0x98: {  	s19 =	sld [smem:$0x3FDB];
	_ =	sdelay $0x1  }
0x99: {  	s4 =	simm.s32 $_scs_section_size  }
0x9a: {  	s5 =	simm.s32 $_size__tile_overlayer_lowered;
	s6 =	simm.s32 $_tile_overlayer_lowered  }
0x9b: {  	s22 =	simm.s32 $0x1BFF;
	s21 =	sshll.u32 s6, $0x1;
	s3 =	sadd.s32 s4, s19  }
0x9c: {  	s7 =	simm.s32 $0x0;
	s20 =	sshll.u32 s5, $0x1;
	s5 =	sadd.s32 s21, s3  }
0x9d: {  	[timem:s7], [sflag:s22] =	dma.local [hbm:s5], s20  }
0x9e: {  	_ =	swait.ge [sflag:s22], s20  }
0x9f: {  	s4 =	ssub.s32 $0x0, s20;
	[sflag:s22] =	ssyncset.done $0x0  }
0xa0: {  	[sflag:s22] =	ssyncadd.s32 s4;
	_ =	sdelay $0x1  }
0xa1: {  	s23 =	simm.s32 $0x1B8B  }
0xa2: {  	_ =	swait.ge [sflag:s23], $0x1  }
0xa3: {  	[sflag:s23] =	ssyncset.done $0x0  }
0xa4: {  	s25 =	simm.s32 $0x1B8E;
	s24 =	sld [smem:$0x3FFE];
	[sflag:s23] =	ssyncadd.s32 $0xFFFFFFFF  }
0xa5: {  	s26 =	simm.s32 $execute0_lowered;
	[smem:$0x3FD2] =	sst s25  }
0xa6: {  	s5 =	sshll.u32 s26, $0x1;
	_ =	strace $0x8000004C;
	[dreg:$0x1] =	wrdreg $0xFFFFFFFF  }
0xa7: {  	s28 =	simm.s32 $_size_execute0_lowered;
	s3 =	sadd.s32 s3, s5;
	[dreg:$0x0] =	wrdreg $0x0  }
0xa8: {  	s5 =	sshll.u32 s28, $0x1;
	[dreg:$0x2] =	wrdreg s3  }
0xa9: {  	[dreg:$0x3] =	wrdreg s5  }
0xaa: {  	[dreg:$0x4] =	wrdreg $0xC0  }
0xab: {  	_ =	task [dreg:s7], $0x5FFFF  }
0xac: {  	[dreg:$0x1] =	wrdreg $0xFFFFFFFF  }
0xad: {  	[dreg:$0x0] =	wrdreg $0x60  }
0xae: {  	[dreg:$0x2] =	wrdreg s24  }
0xaf: {  	[dreg:$0x3] =	wrdreg s2  }
0xb0: {  	[dreg:$0x4] =	wrdreg $0x10B800  }
0xb1: {  	[dreg:$0x5] =	wrdreg $0x9  }
0xb2: {  	_ =	task.clear_ibuf [dreg:s7], $0x6FFFF;
	_ =	strace $0x9000004C  }
0xb3: {  	s29 =	simm.s32 $0x9;
	_ =	strace $0x8000004E  }
0xb4: {  	_ =	swait.ge [sflag:s29], $0x1  }
0xb5: {  	[sflag:s29] =	ssyncadd.s32 $0xFFFFFFFF  }
0xb6: {  	_ =	strace $0x9000004E  }
0xb7: {  	_ =	sfence  }
0xb8: {  	s30 =	sld [smem:$0x0];
	_ =	sdelay $0x2  }
0xb9: {  	s31 =	sshll.u32 s1, $0xD;
	s1 =	sshrl.u32 s1, $0x2  }
0xba: {  	s3 =	sand.u32 $0x4000, s31;
	s1 =	sadd.s32 s1, s30  }
0xbb: {  	s0 =	sor.u32 s3, s0;
	s1 =	sshll.u32 s1, $0x11  }
0xbc: {  	s0 =	sor.u32 s1, s0  }
0xbd: {  	s0 =	sadd.s32 $0x8F2B, s0  }
0xbe: {  	[sflag:s0] =	ssyncadd.remote.s32 $0x1  }
0xbf: {  	_ =	sfence.sel $0xFFFF  }
0xc0: {  	[dreg:$0x0] =	wrdreg $0xFFFFFFFF;
	(pc) =	sbr.abs _section_cstart, $3  }
0xc1: {  	[dreg:$0x1] =	wrdreg $0xFFFFFFFF  }
0xc2: {  	_ =	task.clear_ibuf [dreg:s7], $0x2FFFF;
	_ =	strace $0x9FFFFFFF  }
0xc3: {  	(tm) =	ssettm $0x7FFFFFFF  }
tec
execute0_lowered:
.L_overlay_start_1:
0x0: {  	(tag) =	ssettag $0x1  }
0x1: {  	s0 =	rddreg [dreg:$0x0]  }
0x2: {  	s3 =	rddreg [dreg:$0x2]  }
0x3: {  	s5 =	simm.s32 $0x0;
	s1 =	srdreg.scid;
	s4 =	stileid.u32  }
0x4: {  	s12 =	simm.s32 $0x11;
	s14 =	simm.s32 $0x7D;
	s15 =	simm.s32 $0x5000  }
0x5: {  	s17 =	simm.s32 $0x6770;
	s19 =	simm.s32 $0x7EE0;
	s28 =	simm.s32 $0xDCA0  }
0x6: {  	s29 =	simm.s32 $0x2;
	s30 =	simm.s32 $0xF410;
	s31 =	simm.s32 $0x3  }
0x7: {  	s13 =	simm.s32 $0x7;
	s16 =	simm.s32 $0xD;
	s18 =	simm.s32 $0x8  }
0x8: {  	s20 =	simm.s32 $0xE;
	s1 =	sand.u32 $0x1, s1;
	s2 =	sshll.u32 s4, $0x1  }
0x9: {  	s6 =	smul.u32 $0x7530, s4;
	[smem:$0x7FF] =	sst s5;
	s5 =	sadd.s32 $0xDA00, s0  }
0xa: {  	s23 =	sshll.u32 s4, $0x6;
	s2 =	sor.u32 s1, s2;
	s7 =	smul.u32 $0x75300, s1  }
0xb: {  	_ =	strace $0x8000004D;
	s1 =	ssub.s32 $0x2, s1;
	s2 =	smul.u32 $0x500, s2  }
0xc: {  	s8 =	sshrl.u32 s1, $0x1;
	s24 =	sadd.s32 s6, s3;
	s7 =	sadd.s32 s6, s7  }
0xd: {  	s1 =	ssub.s32 s1, s8;
	s6 =	sor.u32 $0x1C11, s23;
	s23 =	simm.s32 $0xADC0  }
0xe: {  	s2 =	sadd.s32 s2, s0;
	s7 =	sshrl.u32 s7, $0x3;
	s26 =	smax.u32 s1, $0x1  }
0xf: {  	s1 =	simm.s32 $0xB;
	[dreg:$0x4] =	wrdreg s6;
	s0 =	sadd.s32 s7, s0  }
.Ltmp0:
0x10: {  	s25 =	sadd.s32 $0xEDA00, s2;
	[dreg:$0x8] =	wrdreg s26;
	(pc) =	sbr.rel .LBB2_1-.Ltmp0, $4  }
0x11: {  	s2 =	sadd.s32 $0x3A00, s2;
	s7 =	sshrl.u32 s24, $0x3;
	[dreg:$0x5] =	wrdreg s25  }
0x12: {  	s26 =	simm.s32 $0x1;
	s24 =	simm.s32 $0x0;
	[dreg:$0x6] =	wrdreg s2  }
0x13: {  	s0 =	sadd.s32 $0x1C600, s0;
	s25 =	simm.s32 $0xC530;
	[dreg:$0x9] =	wrdreg s7  }
0x14: {  	s2 =	simm.s32 $0x5;
	[dreg:$0x7] =	wrdreg s0;
	s0 =	simm.s32 $0x9  }
.LBB2_4:
0x15: {  	_ =	swait.ge [sflag:s18], $0x1770  }
0x16: {  	[sflag:s18] =	ssyncset.done $0x0  }
0x17: {  	[sflag:s18] =	ssyncadd.s32 $0xFFFFE890  }
0x18: {  	[spmem:s3] =	stream.indirect.scatter.add.f32 [tilespmem:s30], [sflag:$0x10], $0x30, s9, s14, $0xb8;
	[tilespmem:$0x180B0] =	vst v63  }
0x19: {  	_ =	swait.ge [sflag:s20], $0x1770  }
0x1a: {  	[sflag:s20] =	ssyncset.done $0x0  }
0x1b: {  	s4 =	simm.s32 $0xF;
	[sflag:s20] =	ssyncadd.s32 $0xFFFFE890  }
0x1c: {  	_ =	swait.ge [sflag:s4], $0x1770  }
0x1d: {  	[sflag:s4] =	ssyncset.done $0x0  }
0x1e: {  	s11 =	simm.s32 $0x10;
	[sflag:s4] =	ssyncadd.s32 $0xFFFFE890  }
0x1f: {  	_ =	swait.ge [sflag:s11], $0x1770  }
0x20: {  	[sflag:s11] =	ssyncset.done $0x0  }
0x21: {  	[sflag:s11] =	ssyncadd.s32 $0xFFFFE890  }
0x22: {  	[bflag:$0x0] =	sbarrier.arrive $0xFFFF  }
0x23: {  	s6 =	rddreg [dreg:$0x4]  }
0x24: {  	s21 =	rddreg [dreg:$0x7]  }
0x25: {  	s7 =	rddreg [dreg:$0x9]  }
0x26: {  	[hbm:s21], [sflag:s6] =	dma.local [spmem:s7], $0xEA6  }
0x27: {  	_ =	swait.ge [sflag:s12], $0xEA6  }
0x28: {  	s24 =	sadd.s32 $0x1, s24;
	s22 =	rddreg [dreg:$0x8]  }
0x29: {  	p0 =	sne.s32 s24, s22  }
.Ltmp1:
0x2a: {  	_ = 	snop;
	(pc) =	sbr.rel @!p0 .LBB2_5-.Ltmp1, $3  }
0x2b: {  	_ =	sdelay $0x1  }
0x2c: {  	[sflag:s12] =	ssyncset.done $0x0  }
0x2d: {  	[sflag:s12] =	ssyncadd.s32 $0xFFFFF15A  }
.LBB2_1:
0x2e: {  	s4 =	rddreg [dreg:$0x1]  }
0x2f: {  	[spmem:s7], [sflag:s6] =	dma.local [hbm:s4], $0xEA6  }
0x30: {  	_ =	swait.ge [sflag:s12], $0xEA6  }
0x31: {  	[sflag:s12] =	ssyncset.done $0x0  }
0x32: {  	[sflag:s12] =	ssyncadd.s32 $0xFFFFF15A  }
0x33: {  	[bflag:$0x0] =	sbarrier.arrive $0xFFFF  }
0x34: {  	s10 =	simm.s32 $0x0;
	s11 =	rddreg [dreg:$0x5]  }
0x35: {  	[tilespmem:s10], [sflag:$0x11] =	stream.linear.gather [hbm4b:s11+s10], $0x2800, $0x38;
	[tilespmem:$0x180B0] =	vst v63  }
0x36: {  	_ =	swait.ge [sflag:s12], $0x2800  }
0x37: {  	[sflag:s12] =	ssyncset.done $0x0  }
0x38: {  	s22 =	simm.s32 $0x2800;
	s21 =	rddreg [dreg:$0x6];
	[sflag:s12] =	ssyncadd.s32 $0xFFFFD800  }
0x39: {  	[tilespmem:s22], [sflag:$0x11] =	stream.linear.gather [hbm4b:s21+s10], $0x2800, $0x38;
	[tilespmem:$0x180B0] =	vst v63  }
0x3a: {  	_ =	swait.ge [sflag:s12], $0x2800  }
0x3b: {  	[sflag:s12] =	ssyncset.done $0x0  }
0x3c: {  	[sflag:s12] =	ssyncadd.s32 $0xFFFFD800  }
0x3d: {  	[tilespmem:s15], [sflag:$0x1] =	stream.indirect.gather [hbm4b:s5+s14], $0x30, s10, s14, $0xb8;
	[tilespmem:$0x180B0] =	vst v63  }
0x3e: {  	s8 =	simm.s32 $0x80  }
0x3f: {  	[tilespmem:s17], [sflag:$0x2] =	stream.indirect.gather [hbm4b:s5+s14], $0x30, s8, s14, $0xb8;
	[tilespmem:$0x180B0] =	vst v63  }
0x40: {  	s9 =	simm.s32 $0x100  }
0x41: {  	[tilespmem:s19], [sflag:$0x3] =	stream.indirect.gather [hbm4b:s5+s14], $0x30, s9, s14, $0xb8;
	[tilespmem:$0x180B0] =	vst v63  }
0x42: {  	s11 =	simm.s32 $0x9650;
	s10 =	simm.s32 $0x180  }
0x43: {  	[tilespmem:s11], [sflag:$0x4] =	stream.indirect.gather [hbm4b:s5+s14], $0x30, s10, s14, $0xb8;
	[tilespmem:$0x180B0] =	vst v63  }
0x44: {  	s21 =	simm.s32 $0x200  }
0x45: {  	[tilespmem:s23], [sflag:$0x5] =	stream.indirect.gather [hbm4b:s5+s14], $0x30, s21, s14, $0xb8;
	[tilespmem:$0x180B0] =	vst v63  }
0x46: {  	s7 =	simm.s32 $0x0;
	s22 =	simm.s32 $0x280  }
0x47: {  	[tilespmem:s25], [sflag:$0x6] =	stream.indirect.gather [hbm4b:s5+s14], $0x30, s22, s14, $0xb8;
	[tilespmem:$0x180B0] =	vst v63  }
.LBB2_2:
0x48: {  	_ =	swait.ge [sflag:s26], $0x1770  }
0x49: {  	s8 =	sshra.s32 s7, $0x2;
	[sflag:s26] =	ssyncset.done $0x0  }
0x4a: {  	p0 =	seq.s32 s7, $0x0;
	s9 =	sadd.s32 $0x2800, s8;
	[sflag:s26] =	ssyncadd.s32 $0xFFFFE890  }
0x4b: {  	[spmem:s3] =	stream.indirect.scatter.add.f32 [tilespmem:s15], [sflag:$0x9], $0x30, s9, s14, $0xb8;
	[tilespmem:$0x180B0] =	vst v63  }
0x4c: {  	s9 =	simm.s32 @!p0 $0xF  }
0x4d: {  	_ =	swait.ge @!p0 [sflag:s9], $0x1770  }
0x4e: {  	[sflag:s9] =	ssyncset.done @!p0 $0x0  }
0x4f: {  	s22 =	sadd.s32 $0x300, s8;
	[sflag:s9] =	ssyncadd.s32 @!p0 $0xFFFFE890  }
0x50: {  	[tilespmem:s28], [sflag:$0x7] =	stream.indirect.gather [hbm4b:s5+s14], $0x30, s22, s14, $0xb8;
	[tilespmem:$0x180B0] =	vst v63  }
0x51: {  	_ =	swait.ge [sflag:s29], $0x1770  }
0x52: {  	[sflag:s29] =	ssyncset.done $0x0  }
0x53: {  	s4 =	sadd.s32 $0x2880, s8;
	s9 =	simm.s32 @!p0 $0x10;
	[sflag:s29] =	ssyncadd.s32 $0xFFFFE890  }
0x54: {  	[spmem:s3] =	stream.indirect.scatter.add.f32 [tilespmem:s17], [sflag:$0xA], $0x30, s4, s14, $0xb8;
	[tilespmem:$0x180B0] =	vst v63  }
0x55: {  	_ =	swait.ge @!p0 [sflag:s9], $0x1770  }
0x56: {  	[sflag:s9] =	ssyncset.done @!p0 $0x0  }
0x57: {  	s6 =	sadd.s32 $0x380, s8;
	[sflag:s9] =	ssyncadd.s32 @!p0 $0xFFFFE890  }
0x58: {  	[tilespmem:s30], [sflag:$0x8] =	stream.indirect.gather [hbm4b:s5+s14], $0x30, s6, s14, $0xb8;
	[tilespmem:$0x180B0] =	vst v63  }
0x59: {  	_ =	swait.ge [sflag:s31], $0x1770  }
0x5a: {  	[sflag:s31] =	ssyncset.done $0x0  }
0x5b: {  	s10 =	sadd.s32 $0x2900, s8;
	[sflag:s31] =	ssyncadd.s32 $0xFFFFE890  }
0x5c: {  	[spmem:s3] =	stream.indirect.scatter.add.f32 [tilespmem:s19], [sflag:$0xB], $0x30, s10, s14, $0xb8;
	[tilespmem:$0x180B0] =	vst v63  }
0x5d: {  	_ =	swait.ge [sflag:s0], $0x1770  }
0x5e: {  	p0 =	seq.s32 s7, $0x9000;
	[sflag:s0] =	ssyncset.done $0x0  }
0x5f: {  	s9 =	simm.s32 @p0 $0x4;
	[sflag:s0] =	ssyncadd.s32 $0xFFFFE890  }
0x60: {  	_ =	swait.ge @p0 [sflag:s9], $0x1770  }
0x61: {  	[sflag:s9] =	ssyncset.done @p0 $0x0  }
0x62: {  	[sflag:s9] =	ssyncadd.s32 @p0 $0xFFFFE890;
	s9 =	sshra.s32 @p0 s7, $0x2  }
0x63: {  	s4 =	simm.s32 @p0 $0x7D;
	s21 =	simm.s32 @p0 $0x9650;
	s10 =	sadd.s32 @p0 $0x2980, s9  }
0x64: {  	[spmem:s3] =	stream.indirect.scatter.add.f32 @p0 [tilespmem:s21], [sflag:$0xC], $0x30, s10, s4, $0xb8;
	[tilespmem:$0x180B0] =	vst v63  }
0x65: {  	s10 =	simm.s32 @p0 $0xA  }
0x66: {  	_ =	swait.ge @p0 [sflag:s10], $0x1770  }
0x67: {  	[sflag:s10] =	ssyncset.done @p0 $0x0  }
0x68: {  	[sflag:s10] =	ssyncadd.s32 @p0 $0xFFFFE890;
	s10 =	sshra.s32 @!p0 s7, $0x2  }
0x69: {  	s22 =	simm.s32 @!p0 $0x7D;
	s6 =	simm.s32 @!p0 $0x5000;
	s21 =	sadd.s32 @!p0 $0x400, s10  }
0x6a: {  	[tilespmem:s6], [sflag:$0x1] =	stream.indirect.gather @!p0 [hbm4b:s5+s22], $0x30, s21, s22, $0xb8;
	[tilespmem:$0x180B0] =	vst v63  }
0x6b: {  	s6 =	simm.s32 @!p0 $0x4  }
0x6c: {  	_ =	swait.ge @!p0 [sflag:s6], $0x1770  }
0x6d: {  	[sflag:s6] =	ssyncset.done @!p0 $0x0  }
0x6e: {  	s21 =	simm.s32 @!p0 $0x9650;
	[sflag:s6] =	ssyncadd.s32 @!p0 $0xFFFFE890;
	s6 =	sadd.s32 @!p0 $0x2980, s10  }
0x6f: {  	[spmem:s3] =	stream.indirect.scatter.add.f32 @!p0 [tilespmem:s21], [sflag:$0xC], $0x30, s6, s22, $0xb8;
	[tilespmem:$0x180B0] =	vst v63  }
0x70: {  	s6 =	simm.s32 @!p0 $0xA  }
0x71: {  	_ =	swait.ge @!p0 [sflag:s6], $0x1770  }
0x72: {  	[sflag:s6] =	ssyncset.done @!p0 $0x0  }
0x73: {  	s11 =	simm.s32 @!p0 $0x6770;
	[sflag:s6] =	ssyncadd.s32 @!p0 $0xFFFFE890;
	s6 =	sadd.s32 @!p0 $0x480, s10  }
0x74: {  	[tilespmem:s11], [sflag:$0x2] =	stream.indirect.gather @!p0 [hbm4b:s5+s22], $0x30, s6, s22, $0xb8;
	[tilespmem:$0x180B0] =	vst v63  }
0x75: {  	_ =	swait.ge [sflag:s2], $0x1770  }
0x76: {  	[sflag:s2] =	ssyncset.done $0x0  }
0x77: {  	s11 =	sadd.s32 $0x2A00, s8;
	[sflag:s2] =	ssyncadd.s32 $0xFFFFE890  }
0x78: {  	[spmem:s3] =	stream.indirect.scatter.add.f32 [tilespmem:s23], [sflag:$0xD], $0x30, s11, s14, $0xb8;
	[tilespmem:$0x180B0] =	vst v63  }
0x79: {  	_ =	swait.ge [sflag:s1], $0x1770  }
0x7a: {  	[sflag:s1] =	ssyncset.done $0x0  }
0x7b: {  	s6 =	simm.s32 @p0 $0x6;
	[sflag:s1] =	ssyncadd.s32 $0xFFFFE890  }
0x7c: {  	_ =	swait.ge @p0 [sflag:s6], $0x1770  }
0x7d: {  	[sflag:s6] =	ssyncset.done @p0 $0x0  }
0x7e: {  	[sflag:s6] =	ssyncadd.s32 @p0 $0xFFFFE890;
	s6 =	sadd.s32 @p0 $0x2A80, s9;
	s9 =	simm.s32 @p0 $0xC530  }
0x7f: {  	[spmem:s3] =	stream.indirect.scatter.add.f32 @p0 [tilespmem:s9], [sflag:$0xE], $0x30, s6, s4, $0xb8;
	[tilespmem:$0x180B0] =	vst v63  }
0x80: {  	s4 =	simm.s32 @p0 $0xC  }
0x81: {  	_ =	swait.ge @p0 [sflag:s4], $0x1770  }
0x82: {  	[sflag:s4] =	ssyncset.done @p0 $0x0  }
0x83: {  	s6 =	simm.s32 @!p0 $0x7EE0;
	[sflag:s4] =	ssyncadd.s32 @p0 $0xFFFFE890;
	s4 =	sadd.s32 @!p0 $0x500, s10  }
0x84: {  	[tilespmem:s6], [sflag:$0x3] =	stream.indirect.gather @!p0 [hbm4b:s5+s22], $0x30, s4, s22, $0xb8;
	[tilespmem:$0x180B0] =	vst v63  }
0x85: {  	s4 =	simm.s32 @!p0 $0x6  }
0x86: {  	_ =	swait.ge @!p0 [sflag:s4], $0x1770  }
0x87: {  	[sflag:s4] =	ssyncset.done @!p0 $0x0  }
0x88: {  	s6 =	simm.s32 @!p0 $0xC530;
	[sflag:s4] =	ssyncadd.s32 @!p0 $0xFFFFE890;
	s4 =	sadd.s32 @!p0 $0x2A80, s10  }
0x89: {  	[spmem:s3] =	stream.indirect.scatter.add.f32 @!p0 [tilespmem:s6], [sflag:$0xE], $0x30, s4, s22, $0xb8;
	[tilespmem:$0x180B0] =	vst v63  }
0x8a: {  	s4 =	simm.s32 @!p0 $0xC  }
0x8b: {  	_ =	swait.ge @!p0 [sflag:s4], $0x1770  }
0x8c: {  	[sflag:s4] =	ssyncset.done @!p0 $0x0  }
0x8d: {  	[sflag:s4] =	ssyncadd.s32 @!p0 $0xFFFFE890;
	s4 =	sadd.s32 @!p0 $0x580, s10  }
0x8e: {  	[tilespmem:s21], [sflag:$0x4] =	stream.indirect.gather @!p0 [hbm4b:s5+s22], $0x30, s4, s22, $0xb8;
	[tilespmem:$0x180B0] =	vst v63  }
0x8f: {  	_ =	swait.ge [sflag:s13], $0x1770  }
0x90: {  	[sflag:s13] =	ssyncset.done $0x0  }
.Ltmp2:
0x91: {  	s22 =	sadd.s32 $0x2B00, s8;
	[sflag:s13] =	ssyncadd.s32 $0xFFFFE890;
	(pc) =	sbr.rel @p0 .LBB2_4-.Ltmp2, $4  }
0x92: {  	[spmem:s3] =	stream.indirect.scatter.add.f32 [tilespmem:s28], [sflag:$0xF], $0x30, s22, s14, $0xb8;
	[tilespmem:$0x180B0] =	vst v63  }
0x93: {  	_ =	swait.ge [sflag:s16], $0x1770  }
0x94: {  	[sflag:s16] =	ssyncset.done $0x0  }
0x95: {  	s9 =	sadd.s32 $0x2B80, s8;
	[sflag:s16] =	ssyncadd.s32 $0xFFFFE890  }
0x96: {  	s4 =	sadd.s32 $0x600, s8  }
0x97: {  	[tilespmem:s23], [sflag:$0x5] =	stream.indirect.gather [hbm4b:s5+s14], $0x30, s4, s14, $0xb8;
	[tilespmem:$0x180B0] =	vst v63  }
0x98: {  	_ =	swait.ge [sflag:s18], $0x1770  }
0x99: {  	[sflag:s18] =	ssyncset.done $0x0  }
0x9a: {  	[sflag:s18] =	ssyncadd.s32 $0xFFFFE890  }
0x9b: {  	[spmem:s3] =	stream.indirect.scatter.add.f32 [tilespmem:s30], [sflag:$0x10], $0x30, s9, s14, $0xb8;
	[tilespmem:$0x180B0] =	vst v63  }
.Ltmp3:
0x9c: {  	_ = 	snop;
	(pc) =	sbr.rel .LBB2_2-.Ltmp3, $4  }
0x9d: {  	_ =	swait.ge [sflag:s20], $0x1770  }
0x9e: {  	[sflag:s20] =	ssyncset.done $0x0  }
0x9f: {  	s22 =	sadd.s32 $0x680, s8;
	s7 =	sadd.s32 $0x1000, s7;
	[sflag:s20] =	ssyncadd.s32 $0xFFFFE890  }
0xa0: {  	[tilespmem:s25], [sflag:$0x6] =	stream.indirect.gather [hbm4b:s5+s14], $0x30, s22, s14, $0xb8;
	[tilespmem:$0x180B0] =	vst v63  }
.LBB2_5:
0xa1: {  	_ =	sfence.sel $0x180000  }
0xa2: {  	[bflag:$0x0] =	sbarrier.arrive $0xFFFF  }
0xa3: {  	_ =	strace $0x9000004D  }
0xa4: {  	s0 =	stileid.u32;
	[bflag:$0x2] =	sbarrier.arrive $0xFFFF  }
0xa5: {  	p0 =	sne.s32 s0, $0x0;
	s0 =	rddreg [dreg:$0x3]  }
0xa6: {  	s0 =	sadd.s32 @!p0 $0x100000, s0  }
0xa7: {  	[sflag:s0] =	ssyncadd.tile.s32 @!p0 $0x1;
	_ =	shalt  }
.Lfunc_end2:
_tile_overlayer_lowered:
.L_overlay_start_2:
0xa8: {  	(tag) =	ssettag $0x2  }
0xa9: {  	s0 =	rddreg [dreg:$0x0];
	s2 =	stileid.u32  }
0xaa: {  	s1 =	rddreg [dreg:$0x1];
	p0 =	sne.s32 s2, $0x0  }
0xab: {  	s3 =	rddreg [dreg:$0x2];
	[bflag:$0x3] =	sbarrier.arrive $0xFFFF;
	s2 =	simm.s32 @!p0 $0x1C11  }
0xac: {  	[timem:s3], [sflag:s2] =	dma.local @!p0 [hbm:s0], s1  }
0xad: {  	s0 =	simm.s32 @!p0 $0x11  }
0xae: {  	_ =	swait.ge @!p0 [sflag:s0], s1  }
0xaf: {  	s1 =	ssub.s32 @!p0 $0x0, s1;
	[sflag:s0] =	ssyncset.done @!p0 $0x0  }
0xb0: {  	[sflag:s0] =	ssyncadd.s32 @!p0 s1  }
0xb1: {  	[bflag:$0x3] =	sbarrier.arrive $0xFFFF  }
0xb2: {  	_ =	shalt  }

// kernel: kernel.8.cloned.1.call-start
scs
__scs_entry_jumppad:
0x0: {  	(pc) =	sbr.rel $0x88, $3  }
0x1: {  	(tag) =	ssettag $0x0;
	lr =	simm.s32 $0x1  }
0x2: {  	[smem:$0x3F9B] =	sst lr;
	_ =	strace $0xD0000000  }
0x3: {  	_ = 	snop  }
0x4: {  	_ = 	snop  }
0x5: {  	_ = 	snop  }
0x6: {  	_ = 	snop  }
0x7: {  	_ = 	snop  }
__scs_overlays_trampoline_lowered:
0x8: {  	[smem:$0x3FAA] =	sst s0  }
0x9: {  	[smem:$0x3FAB] =	sst s1  }
0xa: {  	[smem:$0x3FAC] =	sst s2  }
0xb: {  	[smem:$0x3FAD] =	sst s3  }
0xc: {  	[smem:$0x3FAE] =	sst s4  }
0xd: {  	[smem:$0x3FAF] =	sst s5  }
0xe: {  	[smem:$0x3FB0] =	sst s6  }
0xf: {  	[smem:$0x3FB1] =	sst s7  }
0x10: {  	[smem:$0x3FB2] =	sst s8  }
0x11: {  	[smem:$0x3FB3] =	sst s9;
	s0 =	simm.s32 @!p0 $0x0  }
0x12: {  	s1 =	sld [smem:$0x3F99];
	s0 =	simm.s32 @p0 $0x1  }
0x13: {  	[smem:$0x3FB4] =	sst s0;
	s0 =	simm.s32 @!p1 $0x0  }
0x14: {  	s2 =	sld [smem:$0x3F98];
	s0 =	simm.s32 @p1 $0x1  }
0x15: {  	[smem:$0x3FB5] =	sst s0;
	s0 =	simm.s32 @!p2 $0x0  }
0x16: {  	s3 =	sld [smem:$0x3FDB];
	s0 =	simm.s32 @p2 $0x1  }
0x17: {  	s4 =	simm.s32 $0x1BF5;
	[smem:$0x3FB7] =	sst s0  }
0x18: {  	s0 =	sld [smem:$0x3F9A];
	_ =	swait.ge [sflag:s4], $0x0  }
0x19: {  	s7 =	sld [smem:$0x3F9B]  }
0x1a: {  	s8 =	sadd.s32 $0xFFFFE003, lr  }
0x1b: {  	s9 =	sadd.s32 $0xFFFFFEF7, lr;
	s5 =	simm.s32 $0xFFFFFFFF;
	p2 =	slt.u32 s8, $0xFFFFF086  }
0x1c: {  	p1 =	slt.u32 s9, $0xF7A;
	s5 =	simm.s32 @!p2 $0x0  }
0x1d: {  	s5 =	simm.s32 @p1 $0x1;
	p0 =	seq.s32 s7, s2  }
0x1e: {  	s7 =	smul.u32 @!p0 $0xF7A, s2;
	p2 =	seq.s32 @!p0 s5, $0x0  }
0x1f: {  	s9 =	smul.u32 $0xF7A, s1;
	s8 =	simm.s32 @!p0 $0x1BF5;
	p2 =	por !p2, p0  }
0x20: {  	[sflag:s8] =	ssyncset.s32 @!p0 $0xFFFFF086;
	s6 =	sadd.s32 @!p0 s3, s7;
	s7 =	simm.s32 @!p0 $0x108  }
0x21: {  	s3 =	sadd.s32 s3, s9;
	s6 =	sadd.s32 @!p0 $0x88, s6;
	s7 =	simm.s32 @p2 $0x1082  }
0x22: {  	[simem:s7], [sflag:s8] =	dma.local @!p0 [hbm:s6], $0xF7A  }
0x23: {  	s9 =	sor.u32 $0xD0000000, s2;
	s6 =	simm.s32 $0x108;
	_ =	swait.ge @!p0 [sflag:s8], $0x0  }
0x24: {  	s3 =	sadd.s32 $0x88, s3;
	s6 =	simm.s32 @!p1 $0x1082;
	[sflag:s4] =	ssyncset.s32 $0xFFFFF086  }
0x25: {  	[simem:s6], [sflag:s4] =	dma.local [hbm:s3], $0xF7A  }
0x26: {  	[smem:$0x3F9B] =	sst s1;
	(tag) =	ssettag s2;
	_ =	strace s9  }
0x27: {  	s1 =	sld [smem:$0x3FAB]  }
0x28: {  	s2 =	sld [smem:$0x3FAC]  }
0x29: {  	s4 =	sld [smem:$0x3FAE]  }
0x2a: {  	p0 =	seq.s32 s5, $0x0;
	s5 =	sld [smem:$0x3FAF]  }
0x2b: {  	s6 =	sld [smem:$0x3FB0]  }
0x2c: {  	s7 =	sld [smem:$0x3FB1]  }
0x2d: {  	s3 =	simm.s32 $0x108;
	s8 =	sld [smem:$0x3FB2]  }
0x2e: {  	s3 =	simm.s32 @!p0 $0x1082;
	s9 =	sld [smem:$0x3FB3]  }
0x2f: {  	lr =	sadd.s32 s0, s3;
	s0 =	sld [smem:$0x3FAA]  }
0x30: {  	s3 =	sld [smem:$0x3FAD]  }
0x31: {  	[smem:$0x3FB6] =	sst s10  }
0x32: {  	s10 =	sld [smem:$0x3FB4];
	_ =	sdelay $0x3  }
0x33: {  	p0 =	seq.s32 s10, $0x1;
	s10 =	sld [smem:$0x3FB6];
	_ =	sdelay $0x3  }
0x34: {  	[smem:$0x3FB6] =	sst s10  }
0x35: {  	s10 =	sld [smem:$0x3FB5];
	_ =	sdelay $0x3  }
0x36: {  	p1 =	seq.s32 s10, $0x1;
	s10 =	sld [smem:$0x3FB6];
	_ =	sdelay $0x3  }
0x37: {  	[smem:$0x3FB6] =	sst s10  }
0x38: {  	s10 =	sld [smem:$0x3FB7]  }
0x39: {  	_ = 	snop;
	(pc) =	sbr.ind lr, $3  }
0x3a: {  	_ = 	snop  }
0x3b: {  	_ = 	snop  }
0x3c: {  	p2 =	seq.s32 s10, $0x1;
	s10 =	sld [smem:$0x3FB6]  }
0x3d: {  	_ =	shalt  }
0x3e: {  	_ =	shalt  }
0x3f: {  	_ =	shalt  }
0x40: {  	_ =	shalt  }
0x41: {  	_ =	shalt  }
0x42: {  	_ =	shalt  }
0x43: {  	_ =	shalt  }
0x44: {  	_ =	shalt  }
0x45: {  	_ =	shalt  }
0x46: {  	_ =	shalt  }
0x47: {  	_ =	shalt  }
0x48: {  	_ =	shalt  }
0x49: {  	_ =	shalt  }
0x4a: {  	_ =	shalt  }
0x4b: {  	_ =	shalt  }
0x4c: {  	_ =	shalt  }
0x4d: {  	_ =	shalt  }
0x4e: {  	_ =	shalt  }
0x4f: {  	_ =	shalt  }
0x50: {  	_ =	shalt  }
0x51: {  	_ =	shalt  }
0x52: {  	_ =	shalt  }
0x53: {  	_ =	shalt  }
0x54: {  	_ =	shalt  }
0x55: {  	_ =	shalt  }
0x56: {  	_ =	shalt  }
0x57: {  	_ =	shalt  }
0x58: {  	_ =	shalt  }
0x59: {  	_ =	shalt  }
0x5a: {  	_ =	shalt  }
0x5b: {  	_ =	shalt  }
0x5c: {  	_ =	shalt  }
0x5d: {  	_ =	shalt  }
0x5e: {  	_ =	shalt  }
0x5f: {  	_ =	shalt  }
0x60: {  	_ =	shalt  }
0x61: {  	_ =	shalt  }
0x62: {  	_ =	shalt  }
0x63: {  	_ =	shalt  }
0x64: {  	_ =	shalt  }
0x65: {  	_ =	shalt  }
0x66: {  	_ =	shalt  }
0x67: {  	_ =	shalt  }
0x68: {  	_ =	shalt  }
0x69: {  	_ =	shalt  }
0x6a: {  	_ =	shalt  }
0x6b: {  	_ =	shalt  }
0x6c: {  	_ =	shalt  }
0x6d: {  	_ =	shalt  }
0x6e: {  	_ =	shalt  }
0x6f: {  	_ =	shalt  }
0x70: {  	_ =	shalt  }
0x71: {  	_ =	shalt  }
0x72: {  	_ =	shalt  }
0x73: {  	_ =	shalt  }
0x74: {  	_ =	shalt  }
0x75: {  	_ =	shalt  }
0x76: {  	_ =	shalt  }
0x77: {  	_ =	shalt  }
0x78: {  	_ =	shalt  }
0x79: {  	_ =	shalt  }
0x7a: {  	_ =	shalt  }
0x7b: {  	_ =	shalt  }
0x7c: {  	_ =	shalt  }
0x7d: {  	_ =	shalt  }
0x7e: {  	_ =	shalt  }
0x7f: {  	_ =	shalt  }
0x80: {  	_ =	shalt  }
0x81: {  	_ =	shalt  }
0x82: {  	_ =	shalt  }
0x83: {  	_ =	shalt  }
0x84: {  	_ =	shalt  }
0x85: {  	_ =	shalt  }
0x86: {  	_ =	shalt  }
0x87: {  	_ =	shalt  }
.Lfunc_end0:
.L_simem_size_0:
called_computation_lowered:
.L_overlay_start_0:
0x88: {  	s2 =	sld [smem:$0x3FD9]  }
0x89: {  	s3 =	sld [smem:$0x3FFE];
	_ =	sdelay $0x1  }
0x8a: {  	s1 =	srdreg.scid  }
0x8b: {  	s0 =	sand.u32 $0x1, s1  }
0x8c: {  	s16 =	sshll.u32 s0, $0xA;
	s2 =	sadd.s32 s3, s2  }
0x8d: {  	s2 =	sadd.s32 s2, s16  }
0x8e: {  	[smem:$0x3FC2] =	sst s2  }
0x8f: {  	_ = 	snop  }
0x90: {  	(tm) =	ssettm $0x1  }
0x91: {  	s17 =	sld [smem:$0x3FFB];
	_ =	sdelay $0x3  }
0x92: {  	_ =	strace s17  }
0x93: {  	s2 =	sld [smem:$0x3FFC];
	_ =	sdelay $0x3  }
0x94: {  	_ =	strace s2  }
0x95: {  	s2 =	sld [smem:$0x3FFD];
	_ =	sdelay $0x3  }
0x96: {  	_ =	strace s2  }
0x97: {  	_ =	strace $0x8FFFFFFF  }
0x98: {  	s18 =	sld [smem:$0x3FDB];
	_ =	sdelay $0x1  }
0x99: {  	s19 =	simm.s32 $_scs_section_size  }
0x9a: {  	s4 =	simm.s32 $_size__tile_overlayer_lowered;
	s5 =	simm.s32 $_tile_overlayer_lowered  }
0x9b: {  	s22 =	simm.s32 $0x1BFF;
	s21 =	sshll.u32 s5, $0x1;
	s2 =	sadd.s32 s19, s18  }
0x9c: {  	s6 =	simm.s32 $0x0;
	s20 =	sshll.u32 s4, $0x1;
	s4 =	sadd.s32 s21, s2  }
0x9d: {  	[timem:s6], [sflag:s22] =	dma.local [hbm:s4], s20  }
0x9e: {  	_ =	swait.ge [sflag:s22], s20  }
0x9f: {  	s3 =	ssub.s32 $0x0, s20;
	[sflag:s22] =	ssyncset.done $0x0  }
0xa0: {  	[sflag:s22] =	ssyncadd.s32 s3;
	_ =	sdelay $0x1  }
0xa1: {  	s23 =	simm.s32 $0x1B8B  }
0xa2: {  	_ =	swait.ge [sflag:s23], $0x1  }
0xa3: {  	[sflag:s23] =	ssyncset.done $0x0  }
0xa4: {  	s25 =	simm.s32 $0x1B8E;
	s24 =	sld [smem:$0x3FFE];
	[sflag:s23] =	ssyncadd.s32 $0xFFFFFFFF  }
0xa5: {  	s26 =	simm.s32 $execute0_lowered;
	[smem:$0x3FD2] =	sst s25  }
0xa6: {  	s4 =	sshll.u32 s26, $0x1;
	_ =	strace $0x80000046;
	[dreg:$0x1] =	wrdreg $0xFFFFFFFF  }
0xa7: {  	s28 =	simm.s32 $_size_execute0_lowered;
	s2 =	sadd.s32 s2, s4;
	[dreg:$0x0] =	wrdreg $0x0  }
0xa8: {  	s4 =	sshll.u32 s28, $0x1;
	[dreg:$0x2] =	wrdreg s2  }
0xa9: {  	[dreg:$0x3] =	wrdreg s4  }
0xaa: {  	[dreg:$0x4] =	wrdreg $0xC0  }
0xab: {  	_ =	task [dreg:s6], $0x5FFFF  }
0xac: {  	[dreg:$0x1] =	wrdreg $0xFFFFFFFF  }
0xad: {  	[dreg:$0x0] =	wrdreg $0x60  }
0xae: {  	[dreg:$0x2] =	wrdreg s24  }
0xaf: {  	[dreg:$0x3] =	wrdreg $0x9  }
0xb0: {  	_ =	task.clear_ibuf [dreg:s6], $0x4FFFF;
	_ =	strace $0x90000046  }
0xb1: {  	s29 =	simm.s32 $0x9;
	_ =	strace $0x80000048  }
0xb2: {  	_ =	swait.ge [sflag:s29], $0x1  }
0xb3: {  	[sflag:s29] =	ssyncadd.s32 $0xFFFFFFFF  }
0xb4: {  	_ =	strace $0x90000048  }
0xb5: {  	_ =	sfence  }
0xb6: {  	s30 =	sld [smem:$0x0];
	_ =	sdelay $0x2  }
0xb7: {  	s31 =	sshll.u32 s1, $0xD;
	s1 =	sshrl.u32 s1, $0x2  }
0xb8: {  	s3 =	sand.u32 $0x4000, s31;
	s1 =	sadd.s32 s1, s30  }
0xb9: {  	s0 =	sor.u32 s3, s0;
	s1 =	sshll.u32 s1, $0x11  }
0xba: {  	s0 =	sor.u32 s1, s0  }
0xbb: {  	s0 =	sadd.s32 $0x8F2B, s0  }
0xbc: {  	[sflag:s0] =	ssyncadd.remote.s32 $0x1  }
0xbd: {  	_ =	sfence.sel $0xFFFF  }
0xbe: {  	[dreg:$0x0] =	wrdreg $0xFFFFFFFF;
	(pc) =	sbr.abs _section_cstart, $3  }
0xbf: {  	[dreg:$0x1] =	wrdreg $0xFFFFFFFF  }
0xc0: {  	_ =	task.clear_ibuf [dreg:s6], $0x2FFFF;
	_ =	strace $0x9FFFFFFF  }
0xc1: {  	(tm) =	ssettm $0x7FFFFFFF  }
tec
execute0_lowered:
.L_overlay_start_1:
0x0: {  	(tag) =	ssettag $0x1  }
0x1: {  	s1 =	srdreg.scid  }
0x2: {  	s0 =	stileid.u32;
	s5 =	rddreg [dreg:$0x0]  }
0x3: {  	s2 =	simm.s32 $0x0;
	s8 =	simm.s32 $0x80;
	s9 =	simm.s32 $0x400  }
0x4: {  	s10 =	simm.s32 $0x0;
	s3 =	sand.u32 $0x1, s1;
	s29 =	sshll.u32 s0, $0x1  }
0x5: {  	s30 =	sshrl.u32 s0, $0x2;
	s1 =	rddreg [dreg:$0x1];
	s4 =	sor.u32 s3, s29  }
0x6: {  	[smem:$0x7FF] =	sst s2;
	s6 =	smul.u32 $0x13C00, s30;
	s7 =	sshll.u32 s4, $0x7  }
0x7: {  	s3 =	ssub.s32 $0x2, s3;
	s4 =	smul.u32 $0x4E2, s4;
	s7 =	sand.u32 $0x380, s7  }
0x8: {  	_ =	strace $0x80000047;
	s31 =	sshrl.u32 s3, $0x1;
	s6 =	sor.u32 s6, s7  }
0x9: {  	s4 =	sadd.s32 s4, s5;
	s7 =	simm.s32 $0x2780;
	s6 =	sshrl.u32 s6, $0x3  }
0xa: {  	s5 =	sadd.s32 s6, s5;
	s6 =	ssub.s32 s3, s31;
	s3 =	sadd.s32 $0x2600, s4  }
0xb: {  	v0 =	vimm.f32 $0.0e+00;
	v1 =	vimm.f32 $1.000000000e+00;
	s4 =	sadd.s32 $0xC400, s5;
	s5 =	smax.u32 s6, $0x1;
	s6 =	simm.s32 $0x1  }
.LBB2_1:
0xc: {  	[tilespmem:s2], [sflag:$0x1] =	stream.linear.gather [hbm4b:s3+s2], $0x2710, $0x38;
	[tilespmem:$0x4F00] =	vst v63  }
0xd: {  	_ =	swait.ge [sflag:s6], $0x2710  }
0xe: {  	[sflag:s6] =	ssyncset.done $0x0  }
0xf: {  	s11 =	simm.s32 $0x0;
	[sflag:s6] =	ssyncadd.s32 $0xFFFFD8F0  }
.LBB2_2:
0x10: {  	p0 =	sne.s32 s11, $0x9C00  }
.Ltmp0:
0x11: {  	_ = 	snop;
	(pc) =	sbr.rel @p0 .LBB2_2-.Ltmp0, $3  }
0x12: {  	_ =	sdelay $0x1  }
0x13: {  	s12 =	sshra.s32 s11, $0x2  }
0x14: {  	s11 =	sadd.s32 $0x40, s11;
	[tilespmem:s12+$0x2780] =	vst v0  }
0x15: {  	s12 =	simm.s32 $0x0;
	s11 =	simm.s32 $0x40  }
.LBB2_4:
0x16: {  	p0 =	sne.s32 s11, $0x9C00;
	v2 =	vld [tilespmem:s12+$0x0];
	_ =	sdelay $0x3  }
.Ltmp1:
0x17: {  	(pc) =	sbr.rel @p0 .LBB2_4-.Ltmp1, $2  }
0x18: {  	_ =	sdelay $0x2  }
0x19: {  	s12 =	sshra.s32 s11, $0x2;
	s11 =	sadd.s32 $0x40, s11;
	[tilespmem:v2+s7+$0x0] =	vst.idx.add.f32.msk $0xffff, v1  }
0x1a: {  	v2 =	vld [tilespmem:s12+$0x0];
	_ =	sdelay $0x5  }
0x1b: {  	s10 =	sadd.s32 $0x1, s10  }
0x1c: {  	p0 =	sne.s32 s10, s5  }
.Ltmp2:
0x1d: {  	[tilespmem:v2+s7+$0x0] =	vst.idx.add.f32.msk $0xffff, v1;
	(pc) =	sbr.rel @p0 .LBB2_1-.Ltmp2, $4  }
0x1e: {  	[hbm4b:s4+s8] =	stream.strided.scatter [tilespmem:s7], [sflag:$0x1], $0x2780, s9, s8, $0x38;
	[tilespmem:$0x4F00] =	vst v63  }
0x1f: {  	_ =	swait.ge [sflag:s6], $0x2780  }
0x20: {  	[sflag:s6] =	ssyncset.done $0x0  }
0x21: {  	[sflag:s6] =	ssyncadd.s32 $0xFFFFD880  }
0x22: {  	_ =	sfence.sel $0x180000  }
0x23: {  	[bflag:$0x0] =	sbarrier.arrive $0xFFFF  }
0x24: {  	p0 =	sne.s32 s0, $0x0;
	_ =	strace $0x90000047  }
0x25: {  	s0 =	sadd.s32 @!p0 $0x100000, s1;
	[bflag:$0x2] =	sbarrier.arrive $0xFFFF  }
0x26: {  	[sflag:s0] =	ssyncadd.tile.s32 @!p0 $0x1;
	_ =	shalt  }
.Lfunc_end2:
_tile_overlayer_lowered:
.L_overlay_start_2:
0x27: {  	(tag) =	ssettag $0x2  }
0x28: {  	s0 =	rddreg [dreg:$0x0];
	s2 =	stileid.u32  }
0x29: {  	s1 =	rddreg [dreg:$0x1];
	p0 =	sne.s32 s2, $0x0  }
0x2a: {  	s3 =	rddreg [dreg:$0x2];
	[bflag:$0x3] =	sbarrier.arrive $0xFFFF;
	s2 =	simm.s32 @!p0 $0x1C01  }
0x2b: {  	[timem:s3], [sflag:s2] =	dma.local @!p0 [hbm:s0], s1  }
0x2c: {  	s0 =	simm.s32 @!p0 $0x1  }
0x2d: {  	_ =	swait.ge @!p0 [sflag:s0], s1  }
0x2e: {  	s1 =	ssub.s32 @!p0 $0x0, s1;
	[sflag:s0] =	ssyncset.done @!p0 $0x0  }
0x2f: {  	[sflag:s0] =	ssyncadd.s32 @!p0 s1  }
0x30: {  	[bflag:$0x3] =	sbarrier.arrive $0xFFFF  }
0x31: {  	_ =	shalt  }

</sc_bundles>
